<compile_context>
chip_gen: v7x
topology: tpu7x:2x2x1
jax: 0.10.2.dev20260603
libtpu: 0.0.44.dev20260713+nightly
codegen_flags: <defaults>
</compile_context>

<pallas_src>
import functools

import jax
import jax.numpy as jnp
from jax import lax
from jax.experimental import pallas as pl
from jax.experimental.pallas import tpu as pltpu
from jax.experimental.pallas import tpu_sc as plsc

N = 10000
NPAD = 10112
E = 320000
NC = 2
NS = 16
NW = NC * NS
CH = 128
EPW = 10112
NCHUNK = EPW // CH
EPAD = NW * EPW
ZROWS = NPAD // NS

_mesh = lambda: plsc.VectorSubcoreMesh(core_axis_name="c", subcore_axis_name="s")


def _make_deg_kernel():

    @functools.partial(
        pl.kernel,
        out_type=(
            jax.ShapeDtypeStruct((NC * NPAD, 16), jnp.float32),
            jax.ShapeDtypeStruct((NC * NPAD, 16), jnp.float32),
        ),
        mesh=_mesh(),
        scratch_types=(
            [pltpu.VMEM((2, CH), jnp.int32) for _ in range(3)]
            + [pltpu.VMEM((CH, 16), jnp.float32)]
            + [pltpu.VMEM_SHARED((NPAD, 16), jnp.float32)] * 2
            + [pltpu.SemaphoreType.DMA for _ in range(9)]
        ),
        compiler_params=pltpu.CompilerParams(use_tc_tiling_on_sc=False),
    )
    def deg_kernel(pk_hbm, ones_hbm, zeros_hbm, do_out, di_out,
                   i0, i1, i2, ones_v, do_acc, di_acc,
                   a0, a1, a2, b0, b1, b2, c0, c1, c2):
        c = lax.axis_index("c")
        s = lax.axis_index("s")
        wid = s * NC + c
        pltpu.sync_copy(ones_hbm, ones_v)
        pltpu.sync_copy(zeros_hbm, do_acc.at[pl.ds(s * ZROWS, ZROWS)])
        pltpu.sync_copy(zeros_hbm, di_acc.at[pl.ds(s * ZROWS, ZROWS)])
        plsc.subcore_barrier()
        cbase = wid * NCHUNK
        idx = (i0, i1, i2)
        si = (a0, a1, a2)
        sa = (b0, b1, b2)
        sb = (c0, c1, c2)

        def issue_idx(j, b):
            pltpu.async_copy(pk_hbm.at[cbase + j], idx[b], si[b])

        def wait_idx(b):
            pltpu.make_async_copy(pk_hbm.at[cbase], idx[b], si[b]).wait()

        def issue_scatters(b):
            pltpu.async_copy(ones_v, do_acc.at[idx[b].at[0]], sa[b], add=True)
            pltpu.async_copy(ones_v, di_acc.at[idx[b].at[1]], sb[b], add=True)

        def wait_scatters(b):
            pltpu.make_async_copy(ones_v, do_acc.at[idx[b].at[0]], sa[b]).wait()
            pltpu.make_async_copy(ones_v, di_acc.at[idx[b].at[1]], sb[b]).wait()

        issue_idx(0, 0)
        issue_idx(1, 1)

        def group(g, carry):
            j0 = 3 * g
            for t in range(3):
                j = j0 + t
                b, bp = t, (t + 2) % 3

                @pl.when(j < NCHUNK)
                def _():
                    wait_idx(b)
                    issue_scatters(b)

                @pl.when((j >= 1) & (j <= NCHUNK))
                def _():
                    wait_scatters(bp)

                @pl.when(j + 2 < NCHUNK)
                def _():
                    issue_idx(j + 2, bp)

            return carry

        lax.fori_loop(0, (NCHUNK + 3) // 3, group, 0)
        plsc.subcore_barrier()
        obase = c * NPAD + s * ZROWS
        pltpu.sync_copy(do_acc.at[pl.ds(s * ZROWS, ZROWS)],
                        do_out.at[pl.ds(obase, ZROWS)])
        pltpu.sync_copy(di_acc.at[pl.ds(s * ZROWS, ZROWS)],
                        di_out.at[pl.ds(obase, ZROWS)])

    return deg_kernel


def _make_agg_kernel(D, k0=NCHUNK, k1=NCHUNK):
    assert k0 + k1 == 2 * NCHUNK

    @functools.partial(
        pl.kernel,
        out_type=jax.ShapeDtypeStruct((NC * NPAD, D), jnp.float32),
        mesh=_mesh(),
        scratch_types=(
            [pltpu.VMEM((2, CH), jnp.int32) for _ in range(3)]
            + [pltpu.VMEM((CH, D), jnp.float32) for _ in range(3)]
            + [pltpu.VMEM_SHARED((NPAD, D), jnp.float32)]
            + [pltpu.SemaphoreType.DMA for _ in range(9)]
        ),
        compiler_params=pltpu.CompilerParams(use_tc_tiling_on_sc=False),
    )
    def agg_kernel(table_hbm, pk_hbm, zeros_hbm, out_hbm,
                   i0, i1, i2, r0, r1, r2, acc,
                   a0, a1, a2, b0, b1, b2, c0, c1, c2):
        c = lax.axis_index("c")
        s = lax.axis_index("s")
        pltpu.sync_copy(zeros_hbm, acc.at[pl.ds(s * ZROWS, ZROWS)])
        plsc.subcore_barrier()
        cbase = s * (2 * NCHUNK) + c * k0
        nchunks = k0 if k0 == k1 else jnp.where(c == 0, k0, k1)
        idx = (i0, i1, i2)
        rows = (r0, r1, r2)
        si = (a0, a1, a2)
        sg = (b0, b1, b2)
        ss = (c0, c1, c2)

        def issue_idx(j, b):
            pltpu.async_copy(pk_hbm.at[cbase + j], idx[b], si[b])

        def wait_idx(b):
            pltpu.make_async_copy(pk_hbm.at[cbase], idx[b], si[b]).wait()

        def issue_gather(b):
            pltpu.async_copy(table_hbm.at[idx[b].at[0]], rows[b], sg[b])

        def wait_gather(b):
            pltpu.make_async_copy(table_hbm.at[idx[b].at[0]], rows[b],
                                  sg[b]).wait()

        def issue_scatter(b):
            pltpu.async_copy(rows[b], acc.at[idx[b].at[1]], ss[b], add=True)

        def wait_scatter(b):
            pltpu.make_async_copy(rows[b], acc.at[idx[b].at[1]], ss[b]).wait()

        issue_idx(0, 0)
        issue_idx(1, 1)
        wait_idx(0)
        issue_gather(0)

        def group(g, carry):
            j0 = 3 * g
            for t in range(3):
                j = j0 + t
                b, bn, bp = t, (t + 1) % 3, (t + 2) % 3

                @pl.when(j + 1 < nchunks)
                def _():
                    wait_idx(bn)
                    issue_gather(bn)

                @pl.when(j < nchunks)
                def _():
                    wait_gather(b)
                    issue_scatter(b)

                @pl.when((j >= 1) & (j <= nchunks))
                def _():
                    wait_scatter(bp)

                @pl.when(j + 2 < nchunks)
                def _():
                    issue_idx(j + 2, bp)

            return carry

        lax.fori_loop(0, (nchunks + 3) // 3, group, 0)
        plsc.subcore_barrier()
        obase = c * NPAD + s * ZROWS
        pltpu.sync_copy(acc.at[pl.ds(s * ZROWS, ZROWS)],
                        out_hbm.at[pl.ds(obase, ZROWS)])

    return agg_kernel


_BM = 1000


def _norm_from_deg(degp_ref):
    d = degp_ref[0, :, 0:1] + degp_ref[1, :, 0:1]
    return jnp.where(d > 0, lax.rsqrt(jnp.maximum(d, 1.0)), 0.0)


def _elu(t):
    return jnp.where(t > 0, t, jnp.exp(jnp.minimum(t, 0.0)) - 1.0)


def _tc1_body(x_ref, degp_ref, o_ref):
    o_ref[...] = x_ref[...] * _norm_from_deg(degp_ref)


def _tc2_body(p_ref, degp_ref, w1_ref, b1_ref, wn_ref, h_ref, g_ref):
    agg1 = p_ref[0] + p_ref[1]
    t = lax.dot(agg1, w1_ref[...], precision=lax.Precision.HIGHEST)
    t = t * _norm_from_deg(degp_ref) + b1_ref[...]
    h = _elu(t)
    h_ref[...] = h
    g_ref[...] = lax.dot(h, wn_ref[...], precision=lax.Precision.HIGHEST)


def _tc3_body(h_ref, q_ref, degp_ref, ws_ref, bs_ref, wd_ref, bd_ref, o_ref):
    agg2 = q_ref[0] + q_ref[1]
    d = degp_ref[0, :, 0:1] + degp_ref[1, :, 0:1]
    neigh = agg2[:, :100] / jnp.maximum(d, 1.0)
    t = lax.dot(h_ref[...], ws_ref[...], precision=lax.Precision.HIGHEST)
    h2 = _elu(t + neigh + bs_ref[...])
    t3 = lax.dot(h2, wd_ref[...], precision=lax.Precision.HIGHEST)
    o_ref[...] = _elu(t3 + bd_ref[...])


def _row_spec(dim):
    return pl.BlockSpec((_BM, dim), lambda i: (i, 0))


def _part_spec(dim):
    return pl.BlockSpec((2, _BM, dim), lambda i: (0, i, 0))


def _full_spec(a, b):
    return pl.BlockSpec((a, b), lambda i: (0, 0))


def kernel(x, edge_index, W1, b1, W_self, W_neigh, b_sage, W_d, b_d):
    src = edge_index[0].astype(jnp.int32)
    dst = edge_index[1].astype(jnp.int32)
    npad = EPAD - E
    trash = jnp.full((npad,), N, jnp.int32)
    src_deg = jnp.concatenate([src, trash])
    dst_pad = jnp.concatenate([dst, trash])
    src_agg = jnp.concatenate([src, jnp.zeros((npad,), jnp.int32)])

    def _pack(a, b):
        two = jnp.stack([a, b]).reshape(2, NW * NCHUNK, CH)
        return two.transpose(1, 0, 2)

    pk_deg = _pack(src_deg, dst_pad)
    pk_agg = _pack(src_agg, dst_pad)

    ones16 = jnp.ones((CH, 16), jnp.float32)
    zeros16 = jnp.zeros((ZROWS, 16), jnp.float32)
    zeros128 = jnp.zeros((ZROWS, 128), jnp.float32)
    zeros112 = jnp.zeros((ZROWS, 112), jnp.float32)
    Wn_pad = jnp.concatenate([W_neigh, jnp.zeros((150, 12), jnp.float32)], axis=1)
    b1r = b1.reshape(1, 150)
    bsr = b_sage.reshape(1, 100)
    bdr = b_d.reshape(1, 64)

    do_p, di_p = _make_deg_kernel()(pk_deg, ones16, zeros16)
    do_p = do_p.reshape(NC, NPAD, 16)[:, :N, :]
    di_p = di_p.reshape(NC, NPAD, 16)[:, :N, :]

    grid = N // _BM
    xn = pl.pallas_call(
        _tc1_body,
        grid=(grid,),
        in_specs=[_row_spec(128), _part_spec(16)],
        out_specs=_row_spec(128),
        out_shape=jax.ShapeDtypeStruct((N, 128), jnp.float32),
    )(x, do_p)

    p1 = _make_agg_kernel(128, k0=127, k1=31)(xn, pk_agg, zeros128)
    p1 = p1.reshape(NC, NPAD, 128)[:, :N, :]

    h, g = pl.pallas_call(
        _tc2_body,
        grid=(grid,),
        in_specs=[_part_spec(128), _part_spec(16), _full_spec(128, 150),
                  _full_spec(1, 150), _full_spec(150, 112)],
        out_specs=(_row_spec(150), _row_spec(112)),
        out_shape=(jax.ShapeDtypeStruct((N, 150), jnp.float32),
                   jax.ShapeDtypeStruct((N, 112), jnp.float32)),
    )(p1, di_p, W1, b1r, Wn_pad)

    p2 = _make_agg_kernel(112, k0=127, k1=31)(g, pk_agg, zeros112)
    p2 = p2.reshape(NC, NPAD, 112)[:, :N, :]

    out = pl.pallas_call(
        _tc3_body,
        grid=(grid,),
        in_specs=[_row_spec(150), _part_spec(112), _part_spec(16),
                  _full_spec(150, 100), _full_spec(1, 100),
                  _full_spec(100, 64), _full_spec(1, 64)],
        out_specs=_row_spec(64),
        out_shape=jax.ShapeDtypeStruct((N, 64), jnp.float32),
    )(h, p2, di_p, W_self, bsr, W_d, bdr)
    return out

# --- scband reference (transcript-rebuilt; emitter-appended) ---
"""Pipeline reference for scband-net-3874060501607 (READ-ONLY COPY).

The authoritative reference and input builder live on the scoring server;
editing this copy changes nothing except your own understanding.
"""

import jax, jax.numpy as jnp
import numpy as np

N_NODES = 10000
N_EDGES = 320000
D_IN = 128
D1 = 150
D2 = 100
D_OUT = 64

def setup_inputs(seed: int = 0) -> dict:
    key = jax.random.key(seed)
    ks = jax.random.split(key, 9)
    x = jax.random.normal(ks[0], (N_NODES, D_IN), dtype=jnp.float32)
    edge_index = jax.random.randint(ks[1], (2, N_EDGES), 0, N_NODES, dtype=jnp.int64)
    # GraphConv params (DGL GraphConv norm='both', weight+bias)
    W1 = jax.random.normal(ks[2], (D_IN, D1), dtype=jnp.float32) * (1.0 / np.sqrt(D_IN))
    b1 = jnp.zeros((D1,), dtype=jnp.float32)
    # SAGEConv (mean aggregator) params: fc_self, fc_neigh, bias
    W_self = jax.random.normal(ks[3], (D1, D2), dtype=jnp.float32) * (1.0 / np.sqrt(D1))
    W_neigh = jax.random.normal(ks[4], (D1, D2), dtype=jnp.float32) * (1.0 / np.sqrt(D1))
    b_sage = jnp.zeros((D2,), dtype=jnp.float32)
    # Dense params
    W_d = jax.random.normal(ks[5], (D2, D_OUT), dtype=jnp.float32) * (1.0 / np.sqrt(D2))
    b_d = jnp.zeros((D_OUT,), dtype=jnp.float32)
    return {"x": x, "edge_index": edge_index, "W1": W1, "b1": b1,
            "W_self": W_self, "W_neigh": W_neigh, "b_sage": b_sage,
            "W_d": W_d, "b_d": b_d}

def reference(x, edge_index, W1, b1, W_self, W_neigh, b_sage, W_d, b_d):
    src = edge_index[0]
    dst = edge_index[1]
    N = x.shape[0]
    ones = jnp.ones((src.shape[0],), dtype=jnp.float32)
    deg_out = jax.ops.segment_sum(ones, src, num_segments=N)
    deg_in = jax.ops.segment_sum(ones, dst, num_segments=N)
    # --- Layer 1: GraphConv(norm='both', weight=True, bias=True, allow_zero_in_degree=True)
    h = x @ W1
    norm_src = jnp.where(deg_out > 0, jax.lax.rsqrt(jnp.maximum(deg_out, 1.0)), 0.0)
    h = h * norm_src[:, None]
    agg = jax.ops.segment_sum(h[src], dst, num_segments=N)
    norm_dst = jnp.where(deg_in > 0, jax.lax.rsqrt(jnp.maximum(deg_in, 1.0)), 0.0)
    h = agg * norm_dst[:, None] + b1
    h = jax.nn.elu(h)
    # --- Layer 2: SAGEConv(mean)
    neigh_sum = jax.ops.segment_sum(h[src], dst, num_segments=N)
    neigh_mean = neigh_sum / jnp.maximum(deg_in, 1.0)[:, None]
    h2 = h @ W_self + neigh_mean @ W_neigh + b_sage
    h2 = jax.nn.elu(h2)
    # --- Layer 3: Dense
    h3 = jax.nn.elu(h2 @ W_d + b_d)
    return h3

if __name__ == "__main__":
    import jax
    _d = setup_inputs()
    print(jax.jit(kernel)(*tuple(_d.values())))

</pallas_src>

<mosaic_0001>
#map = affine_map<(d0, d1) -> (0, 0, 0)>
#map1 = affine_map<(d0, d1) -> (0, 0)>
module attributes {stable_mosaic.version = 14 : i64} {
  func.func @deg_kernel(%arg0: i32, %arg1: i32, %arg2: memref<2528x2x128xi32, #tpu.memory_space<hbm>>, %arg3: memref<128x16xf32, #tpu.memory_space<hbm>>, %arg4: memref<632x16xf32, #tpu.memory_space<hbm>>, %arg5: memref<20224x16xf32, #tpu.memory_space<hbm>>, %arg6: memref<20224x16xf32, #tpu.memory_space<hbm>>, %arg7: memref<2x128xi32, #tpu.memory_space<vmem>>, %arg8: memref<2x128xi32, #tpu.memory_space<vmem>>, %arg9: memref<2x128xi32, #tpu.memory_space<vmem>>, %arg10: memref<128x16xf32, #tpu.memory_space<vmem>>, %arg11: memref<10112x16xf32, #tpu.memory_space<vmem_shared>>, %arg12: memref<10112x16xf32, #tpu.memory_space<vmem_shared>>, %arg13: memref<!tpu.dma_semaphore, #tpu.memory_space<semaphore_mem>>, %arg14: memref<!tpu.dma_semaphore, #tpu.memory_space<semaphore_mem>>, %arg15: memref<!tpu.dma_semaphore, #tpu.memory_space<semaphore_mem>>, %arg16: memref<!tpu.dma_semaphore, #tpu.memory_space<semaphore_mem>>, %arg17: memref<!tpu.dma_semaphore, #tpu.memory_space<semaphore_mem>>, %arg18: memref<!tpu.dma_semaphore, #tpu.memory_space<semaphore_mem>>, %arg19: memref<!tpu.dma_semaphore, #tpu.memory_space<semaphore_mem>>, %arg20: memref<!tpu.dma_semaphore, #tpu.memory_space<semaphore_mem>>, %arg21: memref<!tpu.dma_semaphore, #tpu.memory_space<semaphore_mem>>) attributes {dimension_semantics = [#tpu.dimension_semantics<core_parallel>, #tpu.dimension_semantics<subcore_parallel>], iteration_bounds = array<i64: 2, 16>, scalar_prefetch = 0 : i64, scratch_operands = 15 : i64, tpu.core_type = #tpu.core_type<sc_vector_subcore>, window_params = [{transform_indices = #map}, {transform_indices = #map1}, {transform_indices = #map1}, {transform_indices = #map1}, {transform_indices = #map1}]} {
    %mul3A = arith.constant 2 : i32
    %mul3A_0 = arith.muli %arg1, %mul3A : i32
    %add3A = arith.addi %mul3A_0, %arg0 : i32
    "tpu.region"() ({
      %run_scoped3A = tpu.sem_alloc : memref<!tpu.dma_semaphore, #tpu.memory_space<semaphore_mem>>
      tpu.enqueue_dma source(%arg3 : memref<128x16xf32, #tpu.memory_space<hbm>>) target(%arg10 : memref<128x16xf32, #tpu.memory_space<vmem>>) target_semaphore(%run_scoped3A : memref<!tpu.dma_semaphore, #tpu.memory_space<semaphore_mem>>)
      tpu.wait_dma2 semaphore(%run_scoped3A : memref<!tpu.dma_semaphore, #tpu.memory_space<semaphore_mem>>) src(%arg3 : memref<128x16xf32, #tpu.memory_space<hbm>>) dst(%arg10 : memref<128x16xf32, #tpu.memory_space<vmem>>)
      tpu.yield
    }) : () -> ()
    %mul3A_1 = arith.constant 632 : i32
    %mul3A_2 = arith.muli %arg1, %mul3A_1 : i32
    "tpu.region"() ({
      %run_scoped3A = tpu.sem_alloc : memref<!tpu.dma_semaphore, #tpu.memory_space<semaphore_mem>>
      %dma_start3A_41 = arith.constant 0 : i32
      %dma_start3A_42 = tpu.memref_slice %arg11[%mul3A_2, %dma_start3A_41] : memref<10112x16xf32, #tpu.memory_space<vmem_shared>> -> memref<632x16xf32, #tpu.memory_space<vmem_shared>>
      tpu.enqueue_dma source(%arg4 : memref<632x16xf32, #tpu.memory_space<hbm>>) target(%dma_start3A_42 : memref<632x16xf32, #tpu.memory_space<vmem_shared>>) target_semaphore(%run_scoped3A : memref<!tpu.dma_semaphore, #tpu.memory_space<semaphore_mem>>)
      %dma_wait3A = arith.constant 0 : i32
      %dma_wait3A_43 = tpu.memref_slice %arg11[%mul3A_2, %dma_wait3A] : memref<10112x16xf32, #tpu.memory_space<vmem_shared>> -> memref<632x16xf32, #tpu.memory_space<vmem_shared>>
      tpu.wait_dma2 semaphore(%run_scoped3A : memref<!tpu.dma_semaphore, #tpu.memory_space<semaphore_mem>>) src(%arg4 : memref<632x16xf32, #tpu.memory_space<hbm>>) dst(%dma_wait3A_43 : memref<632x16xf32, #tpu.memory_space<vmem_shared>>)
      tpu.yield
    }) : () -> ()
    %mul3A_3 = arith.constant 632 : i32
    %mul3A_4 = arith.muli %arg1, %mul3A_3 : i32
    "tpu.region"() ({
      %run_scoped3A = tpu.sem_alloc : memref<!tpu.dma_semaphore, #tpu.memory_space<semaphore_mem>>
      %dma_start3A_41 = arith.constant 0 : i32
      %dma_start3A_42 = tpu.memref_slice %arg12[%mul3A_4, %dma_start3A_41] : memref<10112x16xf32, #tpu.memory_space<vmem_shared>> -> memref<632x16xf32, #tpu.memory_space<vmem_shared>>
      tpu.enqueue_dma source(%arg4 : memref<632x16xf32, #tpu.memory_space<hbm>>) target(%dma_start3A_42 : memref<632x16xf32, #tpu.memory_space<vmem_shared>>) target_semaphore(%run_scoped3A : memref<!tpu.dma_semaphore, #tpu.memory_space<semaphore_mem>>)
      %dma_wait3A = arith.constant 0 : i32
      %dma_wait3A_43 = tpu.memref_slice %arg12[%mul3A_4, %dma_wait3A] : memref<10112x16xf32, #tpu.memory_space<vmem_shared>> -> memref<632x16xf32, #tpu.memory_space<vmem_shared>>
      tpu.wait_dma2 semaphore(%run_scoped3A : memref<!tpu.dma_semaphore, #tpu.memory_space<semaphore_mem>>) src(%arg4 : memref<632x16xf32, #tpu.memory_space<hbm>>) dst(%dma_wait3A_43 : memref<632x16xf32, #tpu.memory_space<vmem_shared>>)
      tpu.yield
    }) : () -> ()
    %barrier3A = arith.constant 0 : index
    tpu.barrier barrier_id(%barrier3A)
    %mul3A_5 = arith.constant 79 : i32
    %mul3A_6 = arith.muli %add3A, %mul3A_5 : i32
    %add3A_7 = arith.constant 0 : i32
    %add3A_8 = arith.addi %mul3A_6, %add3A_7 : i32
    %dma_start3A = arith.constant 0 : i32
    %dma_start3A_9 = arith.constant 0 : i32
    %dma_start3A_10 = tpu.memref_slice %arg2[%add3A_8, %dma_start3A, %dma_start3A_9] : memref<2528x2x128xi32, #tpu.memory_space<hbm>> -> memref<1x2x128xi32, #tpu.memory_space<hbm>>
    %dma_start3A_11 = tpu.memref_squeeze %dma_start3A_10 : memref<1x2x128xi32, #tpu.memory_space<hbm>> -> memref<2x128xi32, #tpu.memory_space<hbm>>
    %dma_start3A_12 = arith.constant 0 : i32
    %dma_start3A_13 = arith.constant 0 : i32
    %dma_start3A_14 = tpu.memref_slice %arg2[%add3A_8, %dma_start3A_12, %dma_start3A_13] : memref<2528x2x128xi32, #tpu.memory_space<hbm>> -> memref<1x2x128xi32, #tpu.memory_space<hbm>>
    %dma_start3A_15 = tpu.memref_squeeze %dma_start3A_14 : memref<1x2x128xi32, #tpu.memory_space<hbm>> -> memref<2x128xi32, #tpu.memory_space<hbm>>
    tpu.enqueue_dma source(%dma_start3A_15 : memref<2x128xi32, #tpu.memory_space<hbm>>) target(%arg7 : memref<2x128xi32, #tpu.memory_space<vmem>>) target_semaphore(%arg13 : memref<!tpu.dma_semaphore, #tpu.memory_space<semaphore_mem>>)
    %add3A_16 = arith.constant 1 : i32
    %add3A_17 = arith.addi %mul3A_6, %add3A_16 : i32
    %dma_start3A_18 = arith.constant 0 : i32
    %dma_start3A_19 = arith.constant 0 : i32
    %dma_start3A_20 = tpu.memref_slice %arg2[%add3A_17, %dma_start3A_18, %dma_start3A_19] : memref<2528x2x128xi32, #tpu.memory_space<hbm>> -> memref<1x2x128xi32, #tpu.memory_space<hbm>>
    %dma_start3A_21 = tpu.memref_squeeze %dma_start3A_20 : memref<1x2x128xi32, #tpu.memory_space<hbm>> -> memref<2x128xi32, #tpu.memory_space<hbm>>
    %dma_start3A_22 = arith.constant 0 : i32
    %dma_start3A_23 = arith.constant 0 : i32
    %dma_start3A_24 = tpu.memref_slice %arg2[%add3A_17, %dma_start3A_22, %dma_start3A_23] : memref<2528x2x128xi32, #tpu.memory_space<hbm>> -> memref<1x2x128xi32, #tpu.memory_space<hbm>>
    %dma_start3A_25 = tpu.memref_squeeze %dma_start3A_24 : memref<1x2x128xi32, #tpu.memory_space<hbm>> -> memref<2x128xi32, #tpu.memory_space<hbm>>
    tpu.enqueue_dma source(%dma_start3A_25 : memref<2x128xi32, #tpu.memory_space<hbm>>) target(%arg8 : memref<2x128xi32, #tpu.memory_space<vmem>>) target_semaphore(%arg14 : memref<!tpu.dma_semaphore, #tpu.memory_space<semaphore_mem>>)
    %scan3A = arith.constant 0 : i32
    %scan3A_26 = arith.constant 0 : i32
    %scan3A_27 = arith.constant 27 : i32
    %scan3A_28 = arith.addi %scan3A_26, %scan3A_27 : i32
    %scan3A_29 = arith.constant 1 : i32
    scf.for %scan3A_41 = %scan3A_26 to %scan3A_28 step %scan3A_29  : i32 {
      %mul3A_42 = arith.constant 3 : i32
      %mul3A_43 = arith.muli %mul3A_42, %scan3A_41 : i32
      %add3A_44 = arith.constant 0 : i32
      %add3A_45 = arith.addi %mul3A_43, %add3A_44 : i32
      %lt3A = arith.constant 79 : i32
      %lt3A_46 = arith.cmpi slt, %add3A_45, %lt3A : i32
      %convert_element_type3A = arith.extui %lt3A_46 : i1 to i32
      %cond3A = arith.constant 0 : i32
      %cond3A_47 = arith.cmpi ne, %convert_element_type3A, %cond3A : i32
      scf.if %cond3A_47 {
        %dma_wait3A = arith.constant 0 : i32
        %dma_wait3A_104 = arith.constant 0 : i32
        %dma_wait3A_105 = tpu.memref_slice %arg2[%mul3A_6, %dma_wait3A, %dma_wait3A_104] : memref<2528x2x128xi32, #tpu.memory_space<hbm>> -> memref<1x2x128xi32, #tpu.memory_space<hbm>>
        %dma_wait3A_106 = tpu.memref_squeeze %dma_wait3A_105 : memref<1x2x128xi32, #tpu.memory_space<hbm>> -> memref<2x128xi32, #tpu.memory_space<hbm>>
        %dma_wait3A_107 = arith.constant 0 : i32
        %dma_wait3A_108 = arith.constant 0 : i32
        %dma_wait3A_109 = tpu.memref_slice %arg2[%mul3A_6, %dma_wait3A_107, %dma_wait3A_108] : memref<2528x2x128xi32, #tpu.memory_space<hbm>> -> memref<1x2x128xi32, #tpu.memory_space<hbm>>
        %dma_wait3A_110 = tpu.memref_squeeze %dma_wait3A_109 : memref<1x2x128xi32, #tpu.memory_space<hbm>> -> memref<2x128xi32, #tpu.memory_space<hbm>>
        tpu.wait_dma2 semaphore(%arg13 : memref<!tpu.dma_semaphore, #tpu.memory_space<semaphore_mem>>) src(%dma_wait3A_110 : memref<2x128xi32, #tpu.memory_space<hbm>>) dst(%arg7 : memref<2x128xi32, #tpu.memory_space<vmem>>)
        %dma_start3A_111 = arith.constant 0 : i32
        %dma_start3A_112 = arith.constant 0 : i32
        %dma_start3A_113 = tpu.memref_slice %arg7[%dma_start3A_111, %dma_start3A_112] : memref<2x128xi32, #tpu.memory_space<vmem>> -> memref<1x128xi32, #tpu.memory_space<vmem>>
        %dma_start3A_114 = tpu.memref_squeeze %dma_start3A_113 : memref<1x128xi32, #tpu.memory_space<vmem>> -> memref<128xi32, #tpu.memory_space<vmem>>
        %dma_start3A_115 = arith.constant 0 : i32
        %dma_start3A_116 = arith.constant 0 : i32
        %dma_start3A_117 = tpu.memref_slice %arg11[%dma_start3A_115, %dma_start3A_116] : memref<10112x16xf32, #tpu.memory_space<vmem_shared>> -> memref<10112x16xf32, #tpu.memory_space<vmem_shared>>
        tpu.enqueue_indirect_dma source(%arg10 : memref<128x16xf32, #tpu.memory_space<vmem>>) target(%dma_start3A_117 : memref<10112x16xf32, #tpu.memory_space<vmem_shared>>) offsets(%dma_start3A_114 : memref<128xi32, #tpu.memory_space<vmem>>) semaphore(%arg16 : memref<!tpu.dma_semaphore, #tpu.memory_space<semaphore_mem>>) {add = true}
        %dma_start3A_118 = arith.constant 1 : i32
        %dma_start3A_119 = arith.constant 0 : i32
        %dma_start3A_120 = tpu.memref_slice %arg7[%dma_start3A_118, %dma_start3A_119] : memref<2x128xi32, #tpu.memory_space<vmem>> -> memref<1x128xi32, #tpu.memory_space<vmem>>
        %dma_start3A_121 = tpu.memref_squeeze %dma_start3A_120 : memref<1x128xi32, #tpu.memory_space<vmem>> -> memref<128xi32, #tpu.memory_space<vmem>>
        %dma_start3A_122 = arith.constant 0 : i32
        %dma_start3A_123 = arith.constant 0 : i32
        %dma_start3A_124 = tpu.memref_slice %arg12[%dma_start3A_122, %dma_start3A_123] : memref<10112x16xf32, #tpu.memory_space<vmem_shared>> -> memref<10112x16xf32, #tpu.memory_space<vmem_shared>>
        tpu.enqueue_indirect_dma source(%arg10 : memref<128x16xf32, #tpu.memory_space<vmem>>) target(%dma_start3A_124 : memref<10112x16xf32, #tpu.memory_space<vmem_shared>>) offsets(%dma_start3A_121 : memref<128xi32, #tpu.memory_space<vmem>>) semaphore(%arg19 : memref<!tpu.dma_semaphore, #tpu.memory_space<semaphore_mem>>) {add = true}
      } else {
      }
      %ge3A = arith.constant 1 : i32
      %ge3A_48 = arith.cmpi sge, %add3A_45, %ge3A : i32
      %le3A = arith.constant 79 : i32
      %le3A_49 = arith.cmpi sle, %add3A_45, %le3A : i32
      %and3A = arith.andi %ge3A_48, %le3A_49 : i1
      %convert_element_type3A_50 = arith.extui %and3A : i1 to i32
      %cond3A_51 = arith.constant 0 : i32
      %cond3A_52 = arith.cmpi ne, %convert_element_type3A_50, %cond3A_51 : i32
      scf.if %cond3A_52 {
        %dma_wait3A = arith.constant 0 : i32
        %dma_wait3A_104 = arith.constant 0 : i32
        %dma_wait3A_105 = tpu.memref_slice %arg9[%dma_wait3A, %dma_wait3A_104] : memref<2x128xi32, #tpu.memory_space<vmem>> -> memref<1x128xi32, #tpu.memory_space<vmem>>
        %dma_wait3A_106 = tpu.memref_squeeze %dma_wait3A_105 : memref<1x128xi32, #tpu.memory_space<vmem>> -> memref<128xi32, #tpu.memory_space<vmem>>
        %dma_wait3A_107 = arith.constant 0 : i32
        %dma_wait3A_108 = arith.constant 0 : i32
        %dma_wait3A_109 = tpu.memref_slice %arg11[%dma_wait3A_107, %dma_wait3A_108] : memref<10112x16xf32, #tpu.memory_space<vmem_shared>> -> memref<10112x16xf32, #tpu.memory_space<vmem_shared>>
        tpu.wait_indirect_dma semaphore(%arg18 : memref<!tpu.dma_semaphore, #tpu.memory_space<semaphore_mem>>) src(%arg10 : memref<128x16xf32, #tpu.memory_space<vmem>>) dst(%dma_wait3A_109 : memref<10112x16xf32, #tpu.memory_space<vmem_shared>>)
        %dma_wait3A_110 = arith.constant 1 : i32
        %dma_wait3A_111 = arith.constant 0 : i32
        %dma_wait3A_112 = tpu.memref_slice %arg9[%dma_wait3A_110, %dma_wait3A_111] : memref<2x128xi32, #tpu.memory_space<vmem>> -> memref<1x128xi32, #tpu.memory_space<vmem>>
        %dma_wait3A_113 = tpu.memref_squeeze %dma_wait3A_112 : memref<1x128xi32, #tpu.memory_space<vmem>> -> memref<128xi32, #tpu.memory_space<vmem>>
        %dma_wait3A_114 = arith.constant 0 : i32
        %dma_wait3A_115 = arith.constant 0 : i32
        %dma_wait3A_116 = tpu.memref_slice %arg12[%dma_wait3A_114, %dma_wait3A_115] : memref<10112x16xf32, #tpu.memory_space<vmem_shared>> -> memref<10112x16xf32, #tpu.memory_space<vmem_shared>>
        tpu.wait_indirect_dma semaphore(%arg21 : memref<!tpu.dma_semaphore, #tpu.memory_space<semaphore_mem>>) src(%arg10 : memref<128x16xf32, #tpu.memory_space<vmem>>) dst(%dma_wait3A_116 : memref<10112x16xf32, #tpu.memory_space<vmem_shared>>)
      } else {
      }
      %add3A_53 = arith.constant 2 : i32
      %add3A_54 = arith.addi %add3A_45, %add3A_53 : i32
      %lt3A_55 = arith.constant 79 : i32
      %lt3A_56 = arith.cmpi slt, %add3A_54, %lt3A_55 : i32
      %convert_element_type3A_57 = arith.extui %lt3A_56 : i1 to i32
      %cond3A_58 = arith.constant 0 : i32
      %cond3A_59 = arith.cmpi ne, %convert_element_type3A_57, %cond3A_58 : i32
      scf.if %cond3A_59 {
        %add3A_104 = arith.constant 2 : i32
        %add3A_105 = arith.addi %add3A_45, %add3A_104 : i32
        %add3A_106 = arith.addi %mul3A_6, %add3A_105 : i32
        %dma_start3A_107 = arith.constant 0 : i32
        %dma_start3A_108 = arith.constant 0 : i32
        %dma_start3A_109 = tpu.memref_slice %arg2[%add3A_106, %dma_start3A_107, %dma_start3A_108] : memref<2528x2x128xi32, #tpu.memory_space<hbm>> -> memref<1x2x128xi32, #tpu.memory_space<hbm>>
        %dma_start3A_110 = tpu.memref_squeeze %dma_start3A_109 : memref<1x2x128xi32, #tpu.memory_space<hbm>> -> memref<2x128xi32, #tpu.memory_space<hbm>>
        %dma_start3A_111 = arith.constant 0 : i32
        %dma_start3A_112 = arith.constant 0 : i32
        %dma_start3A_113 = tpu.memref_slice %arg2[%add3A_106, %dma_start3A_111, %dma_start3A_112] : memref<2528x2x128xi32, #tpu.memory_space<hbm>> -> memref<1x2x128xi32, #tpu.memory_space<hbm>>
        %dma_start3A_114 = tpu.memref_squeeze %dma_start3A_113 : memref<1x2x128xi32, #tpu.memory_space<hbm>> -> memref<2x128xi32, #tpu.memory_space<hbm>>
        tpu.enqueue_dma source(%dma_start3A_114 : memref<2x128xi32, #tpu.memory_space<hbm>>) target(%arg9 : memref<2x128xi32, #tpu.memory_space<vmem>>) target_semaphore(%arg15 : memref<!tpu.dma_semaphore, #tpu.memory_space<semaphore_mem>>)
      } else {
      }
      %add3A_60 = arith.constant 1 : i32
      %add3A_61 = arith.addi %mul3A_43, %add3A_60 : i32
      %lt3A_62 = arith.constant 79 : i32
      %lt3A_63 = arith.cmpi slt, %add3A_61, %lt3A_62 : i32
      %convert_element_type3A_64 = arith.extui %lt3A_63 : i1 to i32
      %cond3A_65 = arith.constant 0 : i32
      %cond3A_66 = arith.cmpi ne, %convert_element_type3A_64, %cond3A_65 : i32
      scf.if %cond3A_66 {
        %dma_wait3A = arith.constant 0 : i32
        %dma_wait3A_104 = arith.constant 0 : i32
        %dma_wait3A_105 = tpu.memref_slice %arg2[%mul3A_6, %dma_wait3A, %dma_wait3A_104] : memref<2528x2x128xi32, #tpu.memory_space<hbm>> -> memref<1x2x128xi32, #tpu.memory_space<hbm>>
        %dma_wait3A_106 = tpu.memref_squeeze %dma_wait3A_105 : memref<1x2x128xi32, #tpu.memory_space<hbm>> -> memref<2x128xi32, #tpu.memory_space<hbm>>
        %dma_wait3A_107 = arith.constant 0 : i32
        %dma_wait3A_108 = arith.constant 0 : i32
        %dma_wait3A_109 = tpu.memref_slice %arg2[%mul3A_6, %dma_wait3A_107, %dma_wait3A_108] : memref<2528x2x128xi32, #tpu.memory_space<hbm>> -> memref<1x2x128xi32, #tpu.memory_space<hbm>>
        %dma_wait3A_110 = tpu.memref_squeeze %dma_wait3A_109 : memref<1x2x128xi32, #tpu.memory_space<hbm>> -> memref<2x128xi32, #tpu.memory_space<hbm>>
        tpu.wait_dma2 semaphore(%arg14 : memref<!tpu.dma_semaphore, #tpu.memory_space<semaphore_mem>>) src(%dma_wait3A_110 : memref<2x128xi32, #tpu.memory_space<hbm>>) dst(%arg8 : memref<2x128xi32, #tpu.memory_space<vmem>>)
        %dma_start3A_111 = arith.constant 0 : i32
        %dma_start3A_112 = arith.constant 0 : i32
        %dma_start3A_113 = tpu.memref_slice %arg8[%dma_start3A_111, %dma_start3A_112] : memref<2x128xi32, #tpu.memory_space<vmem>> -> memref<1x128xi32, #tpu.memory_space<vmem>>
        %dma_start3A_114 = tpu.memref_squeeze %dma_start3A_113 : memref<1x128xi32, #tpu.memory_space<vmem>> -> memref<128xi32, #tpu.memory_space<vmem>>
        %dma_start3A_115 = arith.constant 0 : i32
        %dma_start3A_116 = arith.constant 0 : i32
        %dma_start3A_117 = tpu.memref_slice %arg11[%dma_start3A_115, %dma_start3A_116] : memref<10112x16xf32, #tpu.memory_space<vmem_shared>> -> memref<10112x16xf32, #tpu.memory_space<vmem_shared>>
        tpu.enqueue_indirect_dma source(%arg10 : memref<128x16xf32, #tpu.memory_space<vmem>>) target(%dma_start3A_117 : memref<10112x16xf32, #tpu.memory_space<vmem_shared>>) offsets(%dma_start3A_114 : memref<128xi32, #tpu.memory_space<vmem>>) semaphore(%arg17 : memref<!tpu.dma_semaphore, #tpu.memory_space<semaphore_mem>>) {add = true}
        %dma_start3A_118 = arith.constant 1 : i32
        %dma_start3A_119 = arith.constant 0 : i32
        %dma_start3A_120 = tpu.memref_slice %arg8[%dma_start3A_118, %dma_start3A_119] : memref<2x128xi32, #tpu.memory_space<vmem>> -> memref<1x128xi32, #tpu.memory_space<vmem>>
        %dma_start3A_121 = tpu.memref_squeeze %dma_start3A_120 : memref<1x128xi32, #tpu.memory_space<vmem>> -> memref<128xi32, #tpu.memory_space<vmem>>
        %dma_start3A_122 = arith.constant 0 : i32
        %dma_start3A_123 = arith.constant 0 : i32
        %dma_start3A_124 = tpu.memref_slice %arg12[%dma_start3A_122, %dma_start3A_123] : memref<10112x16xf32, #tpu.memory_space<vmem_shared>> -> memref<10112x16xf32, #tpu.memory_space<vmem_shared>>
        tpu.enqueue_indirect_dma source(%arg10 : memref<128x16xf32, #tpu.memory_space<vmem>>) target(%dma_start3A_124 : memref<10112x16xf32, #tpu.memory_space<vmem_shared>>) offsets(%dma_start3A_121 : memref<128xi32, #tpu.memory_space<vmem>>) semaphore(%arg20 : memref<!tpu.dma_semaphore, #tpu.memory_space<semaphore_mem>>) {add = true}
      } else {
      }
      %ge3A_67 = arith.constant 1 : i32
      %ge3A_68 = arith.cmpi sge, %add3A_61, %ge3A_67 : i32
      %le3A_69 = arith.constant 79 : i32
      %le3A_70 = arith.cmpi sle, %add3A_61, %le3A_69 : i32
      %and3A_71 = arith.andi %ge3A_68, %le3A_70 : i1
      %convert_element_type3A_72 = arith.extui %and3A_71 : i1 to i32
      %cond3A_73 = arith.constant 0 : i32
      %cond3A_74 = arith.cmpi ne, %convert_element_type3A_72, %cond3A_73 : i32
      scf.if %cond3A_74 {
        %dma_wait3A = arith.constant 0 : i32
        %dma_wait3A_104 = arith.constant 0 : i32
        %dma_wait3A_105 = tpu.memref_slice %arg7[%dma_wait3A, %dma_wait3A_104] : memref<2x128xi32, #tpu.memory_space<vmem>> -> memref<1x128xi32, #tpu.memory_space<vmem>>
        %dma_wait3A_106 = tpu.memref_squeeze %dma_wait3A_105 : memref<1x128xi32, #tpu.memory_space<vmem>> -> memref<128xi32, #tpu.memory_space<vmem>>
        %dma_wait3A_107 = arith.constant 0 : i32
        %dma_wait3A_108 = arith.constant 0 : i32
        %dma_wait3A_109 = tpu.memref_slice %arg11[%dma_wait3A_107, %dma_wait3A_108] : memref<10112x16xf32, #tpu.memory_space<vmem_shared>> -> memref<10112x16xf32, #tpu.memory_space<vmem_shared>>
        tpu.wait_indirect_dma semaphore(%arg16 : memref<!tpu.dma_semaphore, #tpu.memory_space<semaphore_mem>>) src(%arg10 : memref<128x16xf32, #tpu.memory_space<vmem>>) dst(%dma_wait3A_109 : memref<10112x16xf32, #tpu.memory_space<vmem_shared>>)
        %dma_wait3A_110 = arith.constant 1 : i32
        %dma_wait3A_111 = arith.constant 0 : i32
        %dma_wait3A_112 = tpu.memref_slice %arg7[%dma_wait3A_110, %dma_wait3A_111] : memref<2x128xi32, #tpu.memory_space<vmem>> -> memref<1x128xi32, #tpu.memory_space<vmem>>
        %dma_wait3A_113 = tpu.memref_squeeze %dma_wait3A_112 : memref<1x128xi32, #tpu.memory_space<vmem>> -> memref<128xi32, #tpu.memory_space<vmem>>
        %dma_wait3A_114 = arith.constant 0 : i32
        %dma_wait3A_115 = arith.constant 0 : i32
        %dma_wait3A_116 = tpu.memref_slice %arg12[%dma_wait3A_114, %dma_wait3A_115] : memref<10112x16xf32, #tpu.memory_space<vmem_shared>> -> memref<10112x16xf32, #tpu.memory_space<vmem_shared>>
        tpu.wait_indirect_dma semaphore(%arg19 : memref<!tpu.dma_semaphore, #tpu.memory_space<semaphore_mem>>) src(%arg10 : memref<128x16xf32, #tpu.memory_space<vmem>>) dst(%dma_wait3A_116 : memref<10112x16xf32, #tpu.memory_space<vmem_shared>>)
      } else {
      }
      %add3A_75 = arith.constant 2 : i32
      %add3A_76 = arith.addi %add3A_61, %add3A_75 : i32
      %lt3A_77 = arith.constant 79 : i32
      %lt3A_78 = arith.cmpi slt, %add3A_76, %lt3A_77 : i32
      %convert_element_type3A_79 = arith.extui %lt3A_78 : i1 to i32
      %cond3A_80 = arith.constant 0 : i32
      %cond3A_81 = arith.cmpi ne, %convert_element_type3A_79, %cond3A_80 : i32
      scf.if %cond3A_81 {
        %add3A_104 = arith.constant 2 : i32
        %add3A_105 = arith.addi %add3A_61, %add3A_104 : i32
        %add3A_106 = arith.addi %mul3A_6, %add3A_105 : i32
        %dma_start3A_107 = arith.constant 0 : i32
        %dma_start3A_108 = arith.constant 0 : i32
        %dma_start3A_109 = tpu.memref_slice %arg2[%add3A_106, %dma_start3A_107, %dma_start3A_108] : memref<2528x2x128xi32, #tpu.memory_space<hbm>> -> memref<1x2x128xi32, #tpu.memory_space<hbm>>
        %dma_start3A_110 = tpu.memref_squeeze %dma_start3A_109 : memref<1x2x128xi32, #tpu.memory_space<hbm>> -> memref<2x128xi32, #tpu.memory_space<hbm>>
        %dma_start3A_111 = arith.constant 0 : i32
        %dma_start3A_112 = arith.constant 0 : i32
        %dma_start3A_113 = tpu.memref_slice %arg2[%add3A_106, %dma_start3A_111, %dma_start3A_112] : memref<2528x2x128xi32, #tpu.memory_space<hbm>> -> memref<1x2x128xi32, #tpu.memory_space<hbm>>
        %dma_start3A_114 = tpu.memref_squeeze %dma_start3A_113 : memref<1x2x128xi32, #tpu.memory_space<hbm>> -> memref<2x128xi32, #tpu.memory_space<hbm>>
        tpu.enqueue_dma source(%dma_start3A_114 : memref<2x128xi32, #tpu.memory_space<hbm>>) target(%arg7 : memref<2x128xi32, #tpu.memory_space<vmem>>) target_semaphore(%arg13 : memref<!tpu.dma_semaphore, #tpu.memory_space<semaphore_mem>>)
      } else {
      }
      %add3A_82 = arith.constant 2 : i32
      %add3A_83 = arith.addi %mul3A_43, %add3A_82 : i32
      %lt3A_84 = arith.constant 79 : i32
      %lt3A_85 = arith.cmpi slt, %add3A_83, %lt3A_84 : i32
      %convert_element_type3A_86 = arith.extui %lt3A_85 : i1 to i32
      %cond3A_87 = arith.constant 0 : i32
      %cond3A_88 = arith.cmpi ne, %convert_element_type3A_86, %cond3A_87 : i32
      scf.if %cond3A_88 {
        %dma_wait3A = arith.constant 0 : i32
        %dma_wait3A_104 = arith.constant 0 : i32
        %dma_wait3A_105 = tpu.memref_slice %arg2[%mul3A_6, %dma_wait3A, %dma_wait3A_104] : memref<2528x2x128xi32, #tpu.memory_space<hbm>> -> memref<1x2x128xi32, #tpu.memory_space<hbm>>
        %dma_wait3A_106 = tpu.memref_squeeze %dma_wait3A_105 : memref<1x2x128xi32, #tpu.memory_space<hbm>> -> memref<2x128xi32, #tpu.memory_space<hbm>>
        %dma_wait3A_107 = arith.constant 0 : i32
        %dma_wait3A_108 = arith.constant 0 : i32
        %dma_wait3A_109 = tpu.memref_slice %arg2[%mul3A_6, %dma_wait3A_107, %dma_wait3A_108] : memref<2528x2x128xi32, #tpu.memory_space<hbm>> -> memref<1x2x128xi32, #tpu.memory_space<hbm>>
        %dma_wait3A_110 = tpu.memref_squeeze %dma_wait3A_109 : memref<1x2x128xi32, #tpu.memory_space<hbm>> -> memref<2x128xi32, #tpu.memory_space<hbm>>
        tpu.wait_dma2 semaphore(%arg15 : memref<!tpu.dma_semaphore, #tpu.memory_space<semaphore_mem>>) src(%dma_wait3A_110 : memref<2x128xi32, #tpu.memory_space<hbm>>) dst(%arg9 : memref<2x128xi32, #tpu.memory_space<vmem>>)
        %dma_start3A_111 = arith.constant 0 : i32
        %dma_start3A_112 = arith.constant 0 : i32
        %dma_start3A_113 = tpu.memref_slice %arg9[%dma_start3A_111, %dma_start3A_112] : memref<2x128xi32, #tpu.memory_space<vmem>> -> memref<1x128xi32, #tpu.memory_space<vmem>>
        %dma_start3A_114 = tpu.memref_squeeze %dma_start3A_113 : memref<1x128xi32, #tpu.memory_space<vmem>> -> memref<128xi32, #tpu.memory_space<vmem>>
        %dma_start3A_115 = arith.constant 0 : i32
        %dma_start3A_116 = arith.constant 0 : i32
        %dma_start3A_117 = tpu.memref_slice %arg11[%dma_start3A_115, %dma_start3A_116] : memref<10112x16xf32, #tpu.memory_space<vmem_shared>> -> memref<10112x16xf32, #tpu.memory_space<vmem_shared>>
        tpu.enqueue_indirect_dma source(%arg10 : memref<128x16xf32, #tpu.memory_space<vmem>>) target(%dma_start3A_117 : memref<10112x16xf32, #tpu.memory_space<vmem_shared>>) offsets(%dma_start3A_114 : memref<128xi32, #tpu.memory_space<vmem>>) semaphore(%arg18 : memref<!tpu.dma_semaphore, #tpu.memory_space<semaphore_mem>>) {add = true}
        %dma_start3A_118 = arith.constant 1 : i32
        %dma_start3A_119 = arith.constant 0 : i32
        %dma_start3A_120 = tpu.memref_slice %arg9[%dma_start3A_118, %dma_start3A_119] : memref<2x128xi32, #tpu.memory_space<vmem>> -> memref<1x128xi32, #tpu.memory_space<vmem>>
        %dma_start3A_121 = tpu.memref_squeeze %dma_start3A_120 : memref<1x128xi32, #tpu.memory_space<vmem>> -> memref<128xi32, #tpu.memory_space<vmem>>
        %dma_start3A_122 = arith.constant 0 : i32
        %dma_start3A_123 = arith.constant 0 : i32
        %dma_start3A_124 = tpu.memref_slice %arg12[%dma_start3A_122, %dma_start3A_123] : memref<10112x16xf32, #tpu.memory_space<vmem_shared>> -> memref<10112x16xf32, #tpu.memory_space<vmem_shared>>
        tpu.enqueue_indirect_dma source(%arg10 : memref<128x16xf32, #tpu.memory_space<vmem>>) target(%dma_start3A_124 : memref<10112x16xf32, #tpu.memory_space<vmem_shared>>) offsets(%dma_start3A_121 : memref<128xi32, #tpu.memory_space<vmem>>) semaphore(%arg21 : memref<!tpu.dma_semaphore, #tpu.memory_space<semaphore_mem>>) {add = true}
      } else {
      }
      %ge3A_89 = arith.constant 1 : i32
      %ge3A_90 = arith.cmpi sge, %add3A_83, %ge3A_89 : i32
      %le3A_91 = arith.constant 79 : i32
      %le3A_92 = arith.cmpi sle, %add3A_83, %le3A_91 : i32
      %and3A_93 = arith.andi %ge3A_90, %le3A_92 : i1
      %convert_element_type3A_94 = arith.extui %and3A_93 : i1 to i32
      %cond3A_95 = arith.constant 0 : i32
      %cond3A_96 = arith.cmpi ne, %convert_element_type3A_94, %cond3A_95 : i32
      scf.if %cond3A_96 {
        %dma_wait3A = arith.constant 0 : i32
        %dma_wait3A_104 = arith.constant 0 : i32
        %dma_wait3A_105 = tpu.memref_slice %arg8[%dma_wait3A, %dma_wait3A_104] : memref<2x128xi32, #tpu.memory_space<vmem>> -> memref<1x128xi32, #tpu.memory_space<vmem>>
        %dma_wait3A_106 = tpu.memref_squeeze %dma_wait3A_105 : memref<1x128xi32, #tpu.memory_space<vmem>> -> memref<128xi32, #tpu.memory_space<vmem>>
        %dma_wait3A_107 = arith.constant 0 : i32
        %dma_wait3A_108 = arith.constant 0 : i32
        %dma_wait3A_109 = tpu.memref_slice %arg11[%dma_wait3A_107, %dma_wait3A_108] : memref<10112x16xf32, #tpu.memory_space<vmem_shared>> -> memref<10112x16xf32, #tpu.memory_space<vmem_shared>>
        tpu.wait_indirect_dma semaphore(%arg17 : memref<!tpu.dma_semaphore, #tpu.memory_space<semaphore_mem>>) src(%arg10 : memref<128x16xf32, #tpu.memory_space<vmem>>) dst(%dma_wait3A_109 : memref<10112x16xf32, #tpu.memory_space<vmem_shared>>)
        %dma_wait3A_110 = arith.constant 1 : i32
        %dma_wait3A_111 = arith.constant 0 : i32
        %dma_wait3A_112 = tpu.memref_slice %arg8[%dma_wait3A_110, %dma_wait3A_111] : memref<2x128xi32, #tpu.memory_space<vmem>> -> memref<1x128xi32, #tpu.memory_space<vmem>>
        %dma_wait3A_113 = tpu.memref_squeeze %dma_wait3A_112 : memref<1x128xi32, #tpu.memory_space<vmem>> -> memref<128xi32, #tpu.memory_space<vmem>>
        %dma_wait3A_114 = arith.constant 0 : i32
        %dma_wait3A_115 = arith.constant 0 : i32
        %dma_wait3A_116 = tpu.memref_slice %arg12[%dma_wait3A_114, %dma_wait3A_115] : memref<10112x16xf32, #tpu.memory_space<vmem_shared>> -> memref<10112x16xf32, #tpu.memory_space<vmem_shared>>
        tpu.wait_indirect_dma semaphore(%arg20 : memref<!tpu.dma_semaphore, #tpu.memory_space<semaphore_mem>>) src(%arg10 : memref<128x16xf32, #tpu.memory_space<vmem>>) dst(%dma_wait3A_116 : memref<10112x16xf32, #tpu.memory_space<vmem_shared>>)
      } else {
      }
      %add3A_97 = arith.constant 2 : i32
      %add3A_98 = arith.addi %add3A_83, %add3A_97 : i32
      %lt3A_99 = arith.constant 79 : i32
      %lt3A_100 = arith.cmpi slt, %add3A_98, %lt3A_99 : i32
      %convert_element_type3A_101 = arith.extui %lt3A_100 : i1 to i32
      %cond3A_102 = arith.constant 0 : i32
      %cond3A_103 = arith.cmpi ne, %convert_element_type3A_101, %cond3A_102 : i32
      scf.if %cond3A_103 {
        %add3A_104 = arith.constant 2 : i32
        %add3A_105 = arith.addi %add3A_83, %add3A_104 : i32
        %add3A_106 = arith.addi %mul3A_6, %add3A_105 : i32
        %dma_start3A_107 = arith.constant 0 : i32
        %dma_start3A_108 = arith.constant 0 : i32
        %dma_start3A_109 = tpu.memref_slice %arg2[%add3A_106, %dma_start3A_107, %dma_start3A_108] : memref<2528x2x128xi32, #tpu.memory_space<hbm>> -> memref<1x2x128xi32, #tpu.memory_space<hbm>>
        %dma_start3A_110 = tpu.memref_squeeze %dma_start3A_109 : memref<1x2x128xi32, #tpu.memory_space<hbm>> -> memref<2x128xi32, #tpu.memory_space<hbm>>
        %dma_start3A_111 = arith.constant 0 : i32
        %dma_start3A_112 = arith.constant 0 : i32
        %dma_start3A_113 = tpu.memref_slice %arg2[%add3A_106, %dma_start3A_111, %dma_start3A_112] : memref<2528x2x128xi32, #tpu.memory_space<hbm>> -> memref<1x2x128xi32, #tpu.memory_space<hbm>>
        %dma_start3A_114 = tpu.memref_squeeze %dma_start3A_113 : memref<1x2x128xi32, #tpu.memory_space<hbm>> -> memref<2x128xi32, #tpu.memory_space<hbm>>
        tpu.enqueue_dma source(%dma_start3A_114 : memref<2x128xi32, #tpu.memory_space<hbm>>) target(%arg8 : memref<2x128xi32, #tpu.memory_space<vmem>>) target_semaphore(%arg14 : memref<!tpu.dma_semaphore, #tpu.memory_space<semaphore_mem>>)
      } else {
      }
    }
    %scan3A_30 = arith.constant 27 : i32
    %barrier3A_31 = arith.constant 0 : index
    tpu.barrier barrier_id(%barrier3A_31)
    %mul3A_32 = arith.constant 10112 : i32
    %mul3A_33 = arith.muli %arg0, %mul3A_32 : i32
    %mul3A_34 = arith.constant 632 : i32
    %mul3A_35 = arith.muli %arg1, %mul3A_34 : i32
    %add3A_36 = arith.addi %mul3A_33, %mul3A_35 : i32
    %mul3A_37 = arith.constant 632 : i32
    %mul3A_38 = arith.muli %arg1, %mul3A_37 : i32
    "tpu.region"() ({
      %run_scoped3A = tpu.sem_alloc : memref<!tpu.dma_semaphore, #tpu.memory_space<semaphore_mem>>
      %dma_start3A_41 = arith.constant 0 : i32
      %dma_start3A_42 = tpu.memref_slice %arg5[%add3A_36, %dma_start3A_41] : memref<20224x16xf32, #tpu.memory_space<hbm>> -> memref<632x16xf32, #tpu.memory_space<hbm>>
      %dma_start3A_43 = arith.constant 0 : i32
      %dma_start3A_44 = tpu.memref_slice %arg11[%mul3A_38, %dma_start3A_43] : memref<10112x16xf32, #tpu.memory_space<vmem_shared>> -> memref<632x16xf32, #tpu.memory_space<vmem_shared>>
      tpu.enqueue_dma source(%dma_start3A_44 : memref<632x16xf32, #tpu.memory_space<vmem_shared>>) target(%dma_start3A_42 : memref<632x16xf32, #tpu.memory_space<hbm>>) target_semaphore(%run_scoped3A : memref<!tpu.dma_semaphore, #tpu.memory_space<semaphore_mem>>)
      %dma_wait3A = arith.constant 0 : i32
      %dma_wait3A_45 = tpu.memref_slice %arg5[%add3A_36, %dma_wait3A] : memref<20224x16xf32, #tpu.memory_space<hbm>> -> memref<632x16xf32, #tpu.memory_space<hbm>>
      %dma_wait3A_46 = arith.constant 0 : i32
      %dma_wait3A_47 = tpu.memref_slice %arg11[%mul3A_38, %dma_wait3A_46] : memref<10112x16xf32, #tpu.memory_space<vmem_shared>> -> memref<632x16xf32, #tpu.memory_space<vmem_shared>>
      tpu.wait_dma2 semaphore(%run_scoped3A : memref<!tpu.dma_semaphore, #tpu.memory_space<semaphore_mem>>) src(%dma_wait3A_47 : memref<632x16xf32, #tpu.memory_space<vmem_shared>>) dst(%dma_wait3A_45 : memref<632x16xf32, #tpu.memory_space<hbm>>)
      tpu.yield
    }) : () -> ()
    %mul3A_39 = arith.constant 632 : i32
    %mul3A_40 = arith.muli %arg1, %mul3A_39 : i32
    "tpu.region"() ({
      %run_scoped3A = tpu.sem_alloc : memref<!tpu.dma_semaphore, #tpu.memory_space<semaphore_mem>>
      %dma_start3A_41 = arith.constant 0 : i32
      %dma_start3A_42 = tpu.memref_slice %arg6[%add3A_36, %dma_start3A_41] : memref<20224x16xf32, #tpu.memory_space<hbm>> -> memref<632x16xf32, #tpu.memory_space<hbm>>
      %dma_start3A_43 = arith.constant 0 : i32
      %dma_start3A_44 = tpu.memref_slice %arg12[%mul3A_40, %dma_start3A_43] : memref<10112x16xf32, #tpu.memory_space<vmem_shared>> -> memref<632x16xf32, #tpu.memory_space<vmem_shared>>
      tpu.enqueue_dma source(%dma_start3A_44 : memref<632x16xf32, #tpu.memory_space<vmem_shared>>) target(%dma_start3A_42 : memref<632x16xf32, #tpu.memory_space<hbm>>) target_semaphore(%run_scoped3A : memref<!tpu.dma_semaphore, #tpu.memory_space<semaphore_mem>>)
      %dma_wait3A = arith.constant 0 : i32
      %dma_wait3A_45 = tpu.memref_slice %arg6[%add3A_36, %dma_wait3A] : memref<20224x16xf32, #tpu.memory_space<hbm>> -> memref<632x16xf32, #tpu.memory_space<hbm>>
      %dma_wait3A_46 = arith.constant 0 : i32
      %dma_wait3A_47 = tpu.memref_slice %arg12[%mul3A_40, %dma_wait3A_46] : memref<10112x16xf32, #tpu.memory_space<vmem_shared>> -> memref<632x16xf32, #tpu.memory_space<vmem_shared>>
      tpu.wait_dma2 semaphore(%run_scoped3A : memref<!tpu.dma_semaphore, #tpu.memory_space<semaphore_mem>>) src(%dma_wait3A_47 : memref<632x16xf32, #tpu.memory_space<vmem_shared>>) dst(%dma_wait3A_45 : memref<632x16xf32, #tpu.memory_space<hbm>>)
      tpu.yield
    }) : () -> ()
    return
  }
}

#map = affine_map<(d0, d1) -> (0, 0)>
#map1 = affine_map<(d0, d1) -> (0, 0, 0)>
module attributes {stable_mosaic.version = 14 : i64} {
  func.func @agg_kernel(%arg0: i32, %arg1: i32, %arg2: memref<10000x112xf32, #tpu.memory_space<hbm>>, %arg3: memref<2528x2x128xi32, #tpu.memory_space<hbm>>, %arg4: memref<632x112xf32, #tpu.memory_space<hbm>>, %arg5: memref<20224x112xf32, #tpu.memory_space<hbm>>, %arg6: memref<2x128xi32, #tpu.memory_space<vmem>>, %arg7: memref<2x128xi32, #tpu.memory_space<vmem>>, %arg8: memref<2x128xi32, #tpu.memory_space<vmem>>, %arg9: memref<128x112xf32, #tpu.memory_space<vmem>>, %arg10: memref<128x112xf32, #tpu.memory_space<vmem>>, %arg11: memref<128x112xf32, #tpu.memory_space<vmem>>, %arg12: memref<10112x112xf32, #tpu.memory_space<vmem_shared>>, %arg13: memref<!tpu.dma_semaphore, #tpu.memory_space<semaphore_mem>>, %arg14: memref<!tpu.dma_semaphore, #tpu.memory_space<semaphore_mem>>, %arg15: memref<!tpu.dma_semaphore, #tpu.memory_space<semaphore_mem>>, %arg16: memref<!tpu.dma_semaphore, #tpu.memory_space<semaphore_mem>>, %arg17: memref<!tpu.dma_semaphore, #tpu.memory_space<semaphore_mem>>, %arg18: memref<!tpu.dma_semaphore, #tpu.memory_space<semaphore_mem>>, %arg19: memref<!tpu.dma_semaphore, #tpu.memory_space<semaphore_mem>>, %arg20: memref<!tpu.dma_semaphore, #tpu.memory_space<semaphore_mem>>, %arg21: memref<!tpu.dma_semaphore, #tpu.memory_space<semaphore_mem>>) attributes {dimension_semantics = [#tpu.dimension_semantics<core_parallel>, #tpu.dimension_semantics<subcore_parallel>], iteration_bounds = array<i64: 2, 16>, scalar_prefetch = 0 : i64, scratch_operands = 16 : i64, tpu.core_type = #tpu.core_type<sc_vector_subcore>, window_params = [{transform_indices = #map}, {transform_indices = #map1}, {transform_indices = #map}, {transform_indices = #map}]} {
    %mul3A = arith.constant 632 : i32
    %mul3A_0 = arith.muli %arg1, %mul3A : i32
    "tpu.region"() ({
      %run_scoped3A = tpu.sem_alloc : memref<!tpu.dma_semaphore, #tpu.memory_space<semaphore_mem>>
      %dma_start3A_77 = arith.constant 0 : i32
      %dma_start3A_78 = tpu.memref_slice %arg12[%mul3A_0, %dma_start3A_77] : memref<10112x112xf32, #tpu.memory_space<vmem_shared>> -> memref<632x112xf32, #tpu.memory_space<vmem_shared>>
      tpu.enqueue_dma source(%arg4 : memref<632x112xf32, #tpu.memory_space<hbm>>) target(%dma_start3A_78 : memref<632x112xf32, #tpu.memory_space<vmem_shared>>) target_semaphore(%run_scoped3A : memref<!tpu.dma_semaphore, #tpu.memory_space<semaphore_mem>>)
      %dma_wait3A_79 = arith.constant 0 : i32
      %dma_wait3A_80 = tpu.memref_slice %arg12[%mul3A_0, %dma_wait3A_79] : memref<10112x112xf32, #tpu.memory_space<vmem_shared>> -> memref<632x112xf32, #tpu.memory_space<vmem_shared>>
      tpu.wait_dma2 semaphore(%run_scoped3A : memref<!tpu.dma_semaphore, #tpu.memory_space<semaphore_mem>>) src(%arg4 : memref<632x112xf32, #tpu.memory_space<hbm>>) dst(%dma_wait3A_80 : memref<632x112xf32, #tpu.memory_space<vmem_shared>>)
      tpu.yield
    }) : () -> ()
    %barrier3A = arith.constant 0 : index
    tpu.barrier barrier_id(%barrier3A)
    %mul3A_1 = arith.constant 158 : i32
    %mul3A_2 = arith.muli %arg1, %mul3A_1 : i32
    %mul3A_3 = arith.constant 127 : i32
    %mul3A_4 = arith.muli %arg0, %mul3A_3 : i32
    %add3A = arith.addi %mul3A_2, %mul3A_4 : i32
    %eq3A = arith.constant 0 : i32
    %eq3A_5 = arith.cmpi eq, %arg0, %eq3A : i32
    %jit3A = arith.constant 127 : i32
    %jit3A_6 = arith.constant 31 : i32
    %select_n3A = arith.select %eq3A_5, %jit3A, %jit3A_6 : i32
    %add3A_7 = arith.constant 0 : i32
    %add3A_8 = arith.addi %add3A, %add3A_7 : i32
    %dma_start3A = arith.constant 0 : i32
    %dma_start3A_9 = arith.constant 0 : i32
    %dma_start3A_10 = tpu.memref_slice %arg3[%add3A_8, %dma_start3A, %dma_start3A_9] : memref<2528x2x128xi32, #tpu.memory_space<hbm>> -> memref<1x2x128xi32, #tpu.memory_space<hbm>>
    %dma_start3A_11 = tpu.memref_squeeze %dma_start3A_10 : memref<1x2x128xi32, #tpu.memory_space<hbm>> -> memref<2x128xi32, #tpu.memory_space<hbm>>
    %dma_start3A_12 = arith.constant 0 : i32
    %dma_start3A_13 = arith.constant 0 : i32
    %dma_start3A_14 = tpu.memref_slice %arg3[%add3A_8, %dma_start3A_12, %dma_start3A_13] : memref<2528x2x128xi32, #tpu.memory_space<hbm>> -> memref<1x2x128xi32, #tpu.memory_space<hbm>>
    %dma_start3A_15 = tpu.memref_squeeze %dma_start3A_14 : memref<1x2x128xi32, #tpu.memory_space<hbm>> -> memref<2x128xi32, #tpu.memory_space<hbm>>
    tpu.enqueue_dma source(%dma_start3A_15 : memref<2x128xi32, #tpu.memory_space<hbm>>) target(%arg6 : memref<2x128xi32, #tpu.memory_space<vmem>>) target_semaphore(%arg13 : memref<!tpu.dma_semaphore, #tpu.memory_space<semaphore_mem>>)
    %add3A_16 = arith.constant 1 : i32
    %add3A_17 = arith.addi %add3A, %add3A_16 : i32
    %dma_start3A_18 = arith.constant 0 : i32
    %dma_start3A_19 = arith.constant 0 : i32
    %dma_start3A_20 = tpu.memref_slice %arg3[%add3A_17, %dma_start3A_18, %dma_start3A_19] : memref<2528x2x128xi32, #tpu.memory_space<hbm>> -> memref<1x2x128xi32, #tpu.memory_space<hbm>>
    %dma_start3A_21 = tpu.memref_squeeze %dma_start3A_20 : memref<1x2x128xi32, #tpu.memory_space<hbm>> -> memref<2x128xi32, #tpu.memory_space<hbm>>
    %dma_start3A_22 = arith.constant 0 : i32
    %dma_start3A_23 = arith.constant 0 : i32
    %dma_start3A_24 = tpu.memref_slice %arg3[%add3A_17, %dma_start3A_22, %dma_start3A_23] : memref<2528x2x128xi32, #tpu.memory_space<hbm>> -> memref<1x2x128xi32, #tpu.memory_space<hbm>>
    %dma_start3A_25 = tpu.memref_squeeze %dma_start3A_24 : memref<1x2x128xi32, #tpu.memory_space<hbm>> -> memref<2x128xi32, #tpu.memory_space<hbm>>
    tpu.enqueue_dma source(%dma_start3A_25 : memref<2x128xi32, #tpu.memory_space<hbm>>) target(%arg7 : memref<2x128xi32, #tpu.memory_space<vmem>>) target_semaphore(%arg14 : memref<!tpu.dma_semaphore, #tpu.memory_space<semaphore_mem>>)
    %dma_wait3A = arith.constant 0 : i32
    %dma_wait3A_26 = arith.constant 0 : i32
    %dma_wait3A_27 = tpu.memref_slice %arg3[%add3A, %dma_wait3A, %dma_wait3A_26] : memref<2528x2x128xi32, #tpu.memory_space<hbm>> -> memref<1x2x128xi32, #tpu.memory_space<hbm>>
    %dma_wait3A_28 = tpu.memref_squeeze %dma_wait3A_27 : memref<1x2x128xi32, #tpu.memory_space<hbm>> -> memref<2x128xi32, #tpu.memory_space<hbm>>
    %dma_wait3A_29 = arith.constant 0 : i32
    %dma_wait3A_30 = arith.constant 0 : i32
    %dma_wait3A_31 = tpu.memref_slice %arg3[%add3A, %dma_wait3A_29, %dma_wait3A_30] : memref<2528x2x128xi32, #tpu.memory_space<hbm>> -> memref<1x2x128xi32, #tpu.memory_space<hbm>>
    %dma_wait3A_32 = tpu.memref_squeeze %dma_wait3A_31 : memref<1x2x128xi32, #tpu.memory_space<hbm>> -> memref<2x128xi32, #tpu.memory_space<hbm>>
    tpu.wait_dma2 semaphore(%arg13 : memref<!tpu.dma_semaphore, #tpu.memory_space<semaphore_mem>>) src(%dma_wait3A_32 : memref<2x128xi32, #tpu.memory_space<hbm>>) dst(%arg6 : memref<2x128xi32, #tpu.memory_space<vmem>>)
    %dma_start3A_33 = arith.constant 0 : i32
    %dma_start3A_34 = arith.constant 0 : i32
    %dma_start3A_35 = tpu.memref_slice %arg6[%dma_start3A_33, %dma_start3A_34] : memref<2x128xi32, #tpu.memory_space<vmem>> -> memref<1x128xi32, #tpu.memory_space<vmem>>
    %dma_start3A_36 = tpu.memref_squeeze %dma_start3A_35 : memref<1x128xi32, #tpu.memory_space<vmem>> -> memref<128xi32, #tpu.memory_space<vmem>>
    %dma_start3A_37 = arith.constant 0 : i32
    %dma_start3A_38 = arith.constant 0 : i32
    %dma_start3A_39 = tpu.memref_slice %arg2[%dma_start3A_37, %dma_start3A_38] : memref<10000x112xf32, #tpu.memory_space<hbm>> -> memref<10000x112xf32, #tpu.memory_space<hbm>>
    tpu.enqueue_indirect_dma source(%dma_start3A_39 : memref<10000x112xf32, #tpu.memory_space<hbm>>) target(%arg9 : memref<128x112xf32, #tpu.memory_space<vmem>>) offsets(%dma_start3A_36 : memref<128xi32, #tpu.memory_space<vmem>>) semaphore(%arg16 : memref<!tpu.dma_semaphore, #tpu.memory_space<semaphore_mem>>)
    %add3A_40 = arith.constant 3 : i32
    %add3A_41 = arith.addi %select_n3A, %add3A_40 : i32
    %jit3A_42 = arith.constant 3 : i32
    %div3A = arith.divsi %add3A_41, %jit3A_42 : i32
    %sign3A = arith.constant 0 : i32
    %sign3A_43 = arith.cmpi sgt, %add3A_41, %sign3A : i32
    %sign3A_44 = arith.extui %sign3A_43 : i1 to i32
    %sign3A_45 = arith.constant 0 : i32
    %sign3A_46 = arith.cmpi slt, %add3A_41, %sign3A_45 : i32
    %sign3A_47 = arith.extui %sign3A_46 : i1 to i32
    %sign3A_48 = arith.subi %sign3A_44, %sign3A_47 : i32
    %sign3A_49 = arith.constant 0 : i32
    %sign3A_50 = arith.cmpi sgt, %jit3A_42, %sign3A_49 : i32
    %sign3A_51 = arith.extui %sign3A_50 : i1 to i32
    %sign3A_52 = arith.constant 0 : i32
    %sign3A_53 = arith.cmpi slt, %jit3A_42, %sign3A_52 : i32
    %sign3A_54 = arith.extui %sign3A_53 : i1 to i32
    %sign3A_55 = arith.subi %sign3A_51, %sign3A_54 : i32
    %ne3A = arith.cmpi ne, %sign3A_48, %sign3A_55 : i32
    %rem3A = arith.remsi %add3A_41, %jit3A_42 : i32
    %ne3A_56 = arith.constant 0 : i32
    %ne3A_57 = arith.cmpi ne, %rem3A, %ne3A_56 : i32
    %and3A = arith.andi %ne3A, %ne3A_57 : i1
    %sub3A = arith.constant 1 : i32
    %sub3A_58 = arith.subi %div3A, %sub3A : i32
    %select_n3A_59 = arith.select %and3A, %sub3A_58, %div3A : i32
    %while3A = arith.constant 0 : i32
    %while3A_60 = arith.constant 0 : i32
    %while3A_61 = arith.subi %select_n3A_59, %while3A_60 : i32
    %while3A_62 = arith.addi %while3A_60, %while3A_61 : i32
    %while3A_63 = arith.constant 1 : i32
    %while3A_64 = arith.divsi %while3A_61, %while3A_63 : i32
    %while3A_65 = arith.muli %while3A_64, %while3A_63 : i32
    %while3A_66 = arith.addi %while3A_60, %while3A_65 : i32
    %while3A_67 = arith.constant 1 : i32
    scf.for %while3A_77 = %while3A_60 to %while3A_66 step %while3A_67  : i32 {
      %mul3A_78 = arith.constant 3 : i32
      %mul3A_79 = arith.muli %mul3A_78, %while3A_77 : i32
      %add3A_80 = arith.constant 0 : i32
      %add3A_81 = arith.addi %mul3A_79, %add3A_80 : i32
      %add3A_82 = arith.constant 1 : i32
      %add3A_83 = arith.addi %add3A_81, %add3A_82 : i32
      %lt3A = arith.cmpi slt, %add3A_83, %select_n3A : i32
      %convert_element_type3A = arith.extui %lt3A : i1 to i32
      %cond3A = arith.constant 0 : i32
      %cond3A_84 = arith.cmpi ne, %convert_element_type3A, %cond3A : i32
      scf.if %cond3A_84 {
        %dma_wait3A_150 = arith.constant 0 : i32
        %dma_wait3A_151 = arith.constant 0 : i32
        %dma_wait3A_152 = tpu.memref_slice %arg3[%add3A, %dma_wait3A_150, %dma_wait3A_151] : memref<2528x2x128xi32, #tpu.memory_space<hbm>> -> memref<1x2x128xi32, #tpu.memory_space<hbm>>
        %dma_wait3A_153 = tpu.memref_squeeze %dma_wait3A_152 : memref<1x2x128xi32, #tpu.memory_space<hbm>> -> memref<2x128xi32, #tpu.memory_space<hbm>>
        %dma_wait3A_154 = arith.constant 0 : i32
        %dma_wait3A_155 = arith.constant 0 : i32
        %dma_wait3A_156 = tpu.memref_slice %arg3[%add3A, %dma_wait3A_154, %dma_wait3A_155] : memref<2528x2x128xi32, #tpu.memory_space<hbm>> -> memref<1x2x128xi32, #tpu.memory_space<hbm>>
        %dma_wait3A_157 = tpu.memref_squeeze %dma_wait3A_156 : memref<1x2x128xi32, #tpu.memory_space<hbm>> -> memref<2x128xi32, #tpu.memory_space<hbm>>
        tpu.wait_dma2 semaphore(%arg14 : memref<!tpu.dma_semaphore, #tpu.memory_space<semaphore_mem>>) src(%dma_wait3A_157 : memref<2x128xi32, #tpu.memory_space<hbm>>) dst(%arg7 : memref<2x128xi32, #tpu.memory_space<vmem>>)
        %dma_start3A_158 = arith.constant 0 : i32
        %dma_start3A_159 = arith.constant 0 : i32
        %dma_start3A_160 = tpu.memref_slice %arg7[%dma_start3A_158, %dma_start3A_159] : memref<2x128xi32, #tpu.memory_space<vmem>> -> memref<1x128xi32, #tpu.memory_space<vmem>>
        %dma_start3A_161 = tpu.memref_squeeze %dma_start3A_160 : memref<1x128xi32, #tpu.memory_space<vmem>> -> memref<128xi32, #tpu.memory_space<vmem>>
        %dma_start3A_162 = arith.constant 0 : i32
        %dma_start3A_163 = arith.constant 0 : i32
        %dma_start3A_164 = tpu.memref_slice %arg2[%dma_start3A_162, %dma_start3A_163] : memref<10000x112xf32, #tpu.memory_space<hbm>> -> memref<10000x112xf32, #tpu.memory_space<hbm>>
        tpu.enqueue_indirect_dma source(%dma_start3A_164 : memref<10000x112xf32, #tpu.memory_space<hbm>>) target(%arg10 : memref<128x112xf32, #tpu.memory_space<vmem>>) offsets(%dma_start3A_161 : memref<128xi32, #tpu.memory_space<vmem>>) semaphore(%arg17 : memref<!tpu.dma_semaphore, #tpu.memory_space<semaphore_mem>>)
      } else {
      }
      %lt3A_85 = arith.cmpi slt, %add3A_81, %select_n3A : i32
      %convert_element_type3A_86 = arith.extui %lt3A_85 : i1 to i32
      %cond3A_87 = arith.constant 0 : i32
      %cond3A_88 = arith.cmpi ne, %convert_element_type3A_86, %cond3A_87 : i32
      scf.if %cond3A_88 {
        %dma_wait3A_150 = arith.constant 0 : i32
        %dma_wait3A_151 = arith.constant 0 : i32
        %dma_wait3A_152 = tpu.memref_slice %arg6[%dma_wait3A_150, %dma_wait3A_151] : memref<2x128xi32, #tpu.memory_space<vmem>> -> memref<1x128xi32, #tpu.memory_space<vmem>>
        %dma_wait3A_153 = tpu.memref_squeeze %dma_wait3A_152 : memref<1x128xi32, #tpu.memory_space<vmem>> -> memref<128xi32, #tpu.memory_space<vmem>>
        %dma_wait3A_154 = arith.constant 0 : i32
        %dma_wait3A_155 = arith.constant 0 : i32
        %dma_wait3A_156 = tpu.memref_slice %arg2[%dma_wait3A_154, %dma_wait3A_155] : memref<10000x112xf32, #tpu.memory_space<hbm>> -> memref<10000x112xf32, #tpu.memory_space<hbm>>
        tpu.wait_indirect_dma semaphore(%arg16 : memref<!tpu.dma_semaphore, #tpu.memory_space<semaphore_mem>>) src(%dma_wait3A_156 : memref<10000x112xf32, #tpu.memory_space<hbm>>) dst(%arg9 : memref<128x112xf32, #tpu.memory_space<vmem>>)
        %dma_start3A_157 = arith.constant 1 : i32
        %dma_start3A_158 = arith.constant 0 : i32
        %dma_start3A_159 = tpu.memref_slice %arg6[%dma_start3A_157, %dma_start3A_158] : memref<2x128xi32, #tpu.memory_space<vmem>> -> memref<1x128xi32, #tpu.memory_space<vmem>>
        %dma_start3A_160 = tpu.memref_squeeze %dma_start3A_159 : memref<1x128xi32, #tpu.memory_space<vmem>> -> memref<128xi32, #tpu.memory_space<vmem>>
        %dma_start3A_161 = arith.constant 0 : i32
        %dma_start3A_162 = arith.constant 0 : i32
        %dma_start3A_163 = tpu.memref_slice %arg12[%dma_start3A_161, %dma_start3A_162] : memref<10112x112xf32, #tpu.memory_space<vmem_shared>> -> memref<10112x112xf32, #tpu.memory_space<vmem_shared>>
        tpu.enqueue_indirect_dma source(%arg9 : memref<128x112xf32, #tpu.memory_space<vmem>>) target(%dma_start3A_163 : memref<10112x112xf32, #tpu.memory_space<vmem_shared>>) offsets(%dma_start3A_160 : memref<128xi32, #tpu.memory_space<vmem>>) semaphore(%arg19 : memref<!tpu.dma_semaphore, #tpu.memory_space<semaphore_mem>>) {add = true}
      } else {
      }
      %ge3A = arith.constant 1 : i32
      %ge3A_89 = arith.cmpi sge, %add3A_81, %ge3A : i32
      %le3A = arith.cmpi sle, %add3A_81, %select_n3A : i32
      %and3A_90 = arith.andi %ge3A_89, %le3A : i1
      %convert_element_type3A_91 = arith.extui %and3A_90 : i1 to i32
      %cond3A_92 = arith.constant 0 : i32
      %cond3A_93 = arith.cmpi ne, %convert_element_type3A_91, %cond3A_92 : i32
      scf.if %cond3A_93 {
        %dma_wait3A_150 = arith.constant 1 : i32
        %dma_wait3A_151 = arith.constant 0 : i32
        %dma_wait3A_152 = tpu.memref_slice %arg8[%dma_wait3A_150, %dma_wait3A_151] : memref<2x128xi32, #tpu.memory_space<vmem>> -> memref<1x128xi32, #tpu.memory_space<vmem>>
        %dma_wait3A_153 = tpu.memref_squeeze %dma_wait3A_152 : memref<1x128xi32, #tpu.memory_space<vmem>> -> memref<128xi32, #tpu.memory_space<vmem>>
        %dma_wait3A_154 = arith.constant 0 : i32
        %dma_wait3A_155 = arith.constant 0 : i32
        %dma_wait3A_156 = tpu.memref_slice %arg12[%dma_wait3A_154, %dma_wait3A_155] : memref<10112x112xf32, #tpu.memory_space<vmem_shared>> -> memref<10112x112xf32, #tpu.memory_space<vmem_shared>>
        tpu.wait_indirect_dma semaphore(%arg21 : memref<!tpu.dma_semaphore, #tpu.memory_space<semaphore_mem>>) src(%arg11 : memref<128x112xf32, #tpu.memory_space<vmem>>) dst(%dma_wait3A_156 : memref<10112x112xf32, #tpu.memory_space<vmem_shared>>)
      } else {
      }
      %add3A_94 = arith.constant 2 : i32
      %add3A_95 = arith.addi %add3A_81, %add3A_94 : i32
      %lt3A_96 = arith.cmpi slt, %add3A_95, %select_n3A : i32
      %convert_element_type3A_97 = arith.extui %lt3A_96 : i1 to i32
      %cond3A_98 = arith.constant 0 : i32
      %cond3A_99 = arith.cmpi ne, %convert_element_type3A_97, %cond3A_98 : i32
      scf.if %cond3A_99 {
        %add3A_150 = arith.constant 2 : i32
        %add3A_151 = arith.addi %add3A_81, %add3A_150 : i32
        %add3A_152 = arith.addi %add3A, %add3A_151 : i32
        %dma_start3A_153 = arith.constant 0 : i32
        %dma_start3A_154 = arith.constant 0 : i32
        %dma_start3A_155 = tpu.memref_slice %arg3[%add3A_152, %dma_start3A_153, %dma_start3A_154] : memref<2528x2x128xi32, #tpu.memory_space<hbm>> -> memref<1x2x128xi32, #tpu.memory_space<hbm>>
        %dma_start3A_156 = tpu.memref_squeeze %dma_start3A_155 : memref<1x2x128xi32, #tpu.memory_space<hbm>> -> memref<2x128xi32, #tpu.memory_space<hbm>>
        %dma_start3A_157 = arith.constant 0 : i32
        %dma_start3A_158 = arith.constant 0 : i32
        %dma_start3A_159 = tpu.memref_slice %arg3[%add3A_152, %dma_start3A_157, %dma_start3A_158] : memref<2528x2x128xi32, #tpu.memory_space<hbm>> -> memref<1x2x128xi32, #tpu.memory_space<hbm>>
        %dma_start3A_160 = tpu.memref_squeeze %dma_start3A_159 : memref<1x2x128xi32, #tpu.memory_space<hbm>> -> memref<2x128xi32, #tpu.memory_space<hbm>>
        tpu.enqueue_dma source(%dma_start3A_160 : memref<2x128xi32, #tpu.memory_space<hbm>>) target(%arg8 : memref<2x128xi32, #tpu.memory_space<vmem>>) target_semaphore(%arg15 : memref<!tpu.dma_semaphore, #tpu.memory_space<semaphore_mem>>)
      } else {
      }
      %add3A_100 = arith.constant 1 : i32
      %add3A_101 = arith.addi %mul3A_79, %add3A_100 : i32
      %add3A_102 = arith.constant 1 : i32
      %add3A_103 = arith.addi %add3A_101, %add3A_102 : i32
      %lt3A_104 = arith.cmpi slt, %add3A_103, %select_n3A : i32
      %convert_element_type3A_105 = arith.extui %lt3A_104 : i1 to i32
      %cond3A_106 = arith.constant 0 : i32
      %cond3A_107 = arith.cmpi ne, %convert_element_type3A_105, %cond3A_106 : i32
      scf.if %cond3A_107 {
        %dma_wait3A_150 = arith.constant 0 : i32
        %dma_wait3A_151 = arith.constant 0 : i32
        %dma_wait3A_152 = tpu.memref_slice %arg3[%add3A, %dma_wait3A_150, %dma_wait3A_151] : memref<2528x2x128xi32, #tpu.memory_space<hbm>> -> memref<1x2x128xi32, #tpu.memory_space<hbm>>
        %dma_wait3A_153 = tpu.memref_squeeze %dma_wait3A_152 : memref<1x2x128xi32, #tpu.memory_space<hbm>> -> memref<2x128xi32, #tpu.memory_space<hbm>>
        %dma_wait3A_154 = arith.constant 0 : i32
        %dma_wait3A_155 = arith.constant 0 : i32
        %dma_wait3A_156 = tpu.memref_slice %arg3[%add3A, %dma_wait3A_154, %dma_wait3A_155] : memref<2528x2x128xi32, #tpu.memory_space<hbm>> -> memref<1x2x128xi32, #tpu.memory_space<hbm>>
        %dma_wait3A_157 = tpu.memref_squeeze %dma_wait3A_156 : memref<1x2x128xi32, #tpu.memory_space<hbm>> -> memref<2x128xi32, #tpu.memory_space<hbm>>
        tpu.wait_dma2 semaphore(%arg15 : memref<!tpu.dma_semaphore, #tpu.memory_space<semaphore_mem>>) src(%dma_wait3A_157 : memref<2x128xi32, #tpu.memory_space<hbm>>) dst(%arg8 : memref<2x128xi32, #tpu.memory_space<vmem>>)
        %dma_start3A_158 = arith.constant 0 : i32
        %dma_start3A_159 = arith.constant 0 : i32
        %dma_start3A_160 = tpu.memref_slice %arg8[%dma_start3A_158, %dma_start3A_159] : memref<2x128xi32, #tpu.memory_space<vmem>> -> memref<1x128xi32, #tpu.memory_space<vmem>>
        %dma_start3A_161 = tpu.memref_squeeze %dma_start3A_160 : memref<1x128xi32, #tpu.memory_space<vmem>> -> memref<128xi32, #tpu.memory_space<vmem>>
        %dma_start3A_162 = arith.constant 0 : i32
        %dma_start3A_163 = arith.constant 0 : i32
        %dma_start3A_164 = tpu.memref_slice %arg2[%dma_start3A_162, %dma_start3A_163] : memref<10000x112xf32, #tpu.memory_space<hbm>> -> memref<10000x112xf32, #tpu.memory_space<hbm>>
        tpu.enqueue_indirect_dma source(%dma_start3A_164 : memref<10000x112xf32, #tpu.memory_space<hbm>>) target(%arg11 : memref<128x112xf32, #tpu.memory_space<vmem>>) offsets(%dma_start3A_161 : memref<128xi32, #tpu.memory_space<vmem>>) semaphore(%arg18 : memref<!tpu.dma_semaphore, #tpu.memory_space<semaphore_mem>>)
      } else {
      }
      %lt3A_108 = arith.cmpi slt, %add3A_101, %select_n3A : i32
      %convert_element_type3A_109 = arith.extui %lt3A_108 : i1 to i32
      %cond3A_110 = arith.constant 0 : i32
      %cond3A_111 = arith.cmpi ne, %convert_element_type3A_109, %cond3A_110 : i32
      scf.if %cond3A_111 {
        %dma_wait3A_150 = arith.constant 0 : i32
        %dma_wait3A_151 = arith.constant 0 : i32
        %dma_wait3A_152 = tpu.memref_slice %arg7[%dma_wait3A_150, %dma_wait3A_151] : memref<2x128xi32, #tpu.memory_space<vmem>> -> memref<1x128xi32, #tpu.memory_space<vmem>>
        %dma_wait3A_153 = tpu.memref_squeeze %dma_wait3A_152 : memref<1x128xi32, #tpu.memory_space<vmem>> -> memref<128xi32, #tpu.memory_space<vmem>>
        %dma_wait3A_154 = arith.constant 0 : i32
        %dma_wait3A_155 = arith.constant 0 : i32
        %dma_wait3A_156 = tpu.memref_slice %arg2[%dma_wait3A_154, %dma_wait3A_155] : memref<10000x112xf32, #tpu.memory_space<hbm>> -> memref<10000x112xf32, #tpu.memory_space<hbm>>
        tpu.wait_indirect_dma semaphore(%arg17 : memref<!tpu.dma_semaphore, #tpu.memory_space<semaphore_mem>>) src(%dma_wait3A_156 : memref<10000x112xf32, #tpu.memory_space<hbm>>) dst(%arg10 : memref<128x112xf32, #tpu.memory_space<vmem>>)
        %dma_start3A_157 = arith.constant 1 : i32
        %dma_start3A_158 = arith.constant 0 : i32
        %dma_start3A_159 = tpu.memref_slice %arg7[%dma_start3A_157, %dma_start3A_158] : memref<2x128xi32, #tpu.memory_space<vmem>> -> memref<1x128xi32, #tpu.memory_space<vmem>>
        %dma_start3A_160 = tpu.memref_squeeze %dma_start3A_159 : memref<1x128xi32, #tpu.memory_space<vmem>> -> memref<128xi32, #tpu.memory_space<vmem>>
        %dma_start3A_161 = arith.constant 0 : i32
        %dma_start3A_162 = arith.constant 0 : i32
        %dma_start3A_163 = tpu.memref_slice %arg12[%dma_start3A_161, %dma_start3A_162] : memref<10112x112xf32, #tpu.memory_space<vmem_shared>> -> memref<10112x112xf32, #tpu.memory_space<vmem_shared>>
        tpu.enqueue_indirect_dma source(%arg10 : memref<128x112xf32, #tpu.memory_space<vmem>>) target(%dma_start3A_163 : memref<10112x112xf32, #tpu.memory_space<vmem_shared>>) offsets(%dma_start3A_160 : memref<128xi32, #tpu.memory_space<vmem>>) semaphore(%arg20 : memref<!tpu.dma_semaphore, #tpu.memory_space<semaphore_mem>>) {add = true}
      } else {
      }
      %ge3A_112 = arith.constant 1 : i32
      %ge3A_113 = arith.cmpi sge, %add3A_101, %ge3A_112 : i32
      %le3A_114 = arith.cmpi sle, %add3A_101, %select_n3A : i32
      %and3A_115 = arith.andi %ge3A_113, %le3A_114 : i1
      %convert_element_type3A_116 = arith.extui %and3A_115 : i1 to i32
      %cond3A_117 = arith.constant 0 : i32
      %cond3A_118 = arith.cmpi ne, %convert_element_type3A_116, %cond3A_117 : i32
      scf.if %cond3A_118 {
        %dma_wait3A_150 = arith.constant 1 : i32
        %dma_wait3A_151 = arith.constant 0 : i32
        %dma_wait3A_152 = tpu.memref_slice %arg6[%dma_wait3A_150, %dma_wait3A_151] : memref<2x128xi32, #tpu.memory_space<vmem>> -> memref<1x128xi32, #tpu.memory_space<vmem>>
        %dma_wait3A_153 = tpu.memref_squeeze %dma_wait3A_152 : memref<1x128xi32, #tpu.memory_space<vmem>> -> memref<128xi32, #tpu.memory_space<vmem>>
        %dma_wait3A_154 = arith.constant 0 : i32
        %dma_wait3A_155 = arith.constant 0 : i32
        %dma_wait3A_156 = tpu.memref_slice %arg12[%dma_wait3A_154, %dma_wait3A_155] : memref<10112x112xf32, #tpu.memory_space<vmem_shared>> -> memref<10112x112xf32, #tpu.memory_space<vmem_shared>>
        tpu.wait_indirect_dma semaphore(%arg19 : memref<!tpu.dma_semaphore, #tpu.memory_space<semaphore_mem>>) src(%arg9 : memref<128x112xf32, #tpu.memory_space<vmem>>) dst(%dma_wait3A_156 : memref<10112x112xf32, #tpu.memory_space<vmem_shared>>)
      } else {
      }
      %add3A_119 = arith.constant 2 : i32
      %add3A_120 = arith.addi %add3A_101, %add3A_119 : i32
      %lt3A_121 = arith.cmpi slt, %add3A_120, %select_n3A : i32
      %convert_element_type3A_122 = arith.extui %lt3A_121 : i1 to i32
      %cond3A_123 = arith.constant 0 : i32
      %cond3A_124 = arith.cmpi ne, %convert_element_type3A_122, %cond3A_123 : i32
      scf.if %cond3A_124 {
        %add3A_150 = arith.constant 2 : i32
        %add3A_151 = arith.addi %add3A_101, %add3A_150 : i32
        %add3A_152 = arith.addi %add3A, %add3A_151 : i32
        %dma_start3A_153 = arith.constant 0 : i32
        %dma_start3A_154 = arith.constant 0 : i32
        %dma_start3A_155 = tpu.memref_slice %arg3[%add3A_152, %dma_start3A_153, %dma_start3A_154] : memref<2528x2x128xi32, #tpu.memory_space<hbm>> -> memref<1x2x128xi32, #tpu.memory_space<hbm>>
        %dma_start3A_156 = tpu.memref_squeeze %dma_start3A_155 : memref<1x2x128xi32, #tpu.memory_space<hbm>> -> memref<2x128xi32, #tpu.memory_space<hbm>>
        %dma_start3A_157 = arith.constant 0 : i32
        %dma_start3A_158 = arith.constant 0 : i32
        %dma_start3A_159 = tpu.memref_slice %arg3[%add3A_152, %dma_start3A_157, %dma_start3A_158] : memref<2528x2x128xi32, #tpu.memory_space<hbm>> -> memref<1x2x128xi32, #tpu.memory_space<hbm>>
        %dma_start3A_160 = tpu.memref_squeeze %dma_start3A_159 : memref<1x2x128xi32, #tpu.memory_space<hbm>> -> memref<2x128xi32, #tpu.memory_space<hbm>>
        tpu.enqueue_dma source(%dma_start3A_160 : memref<2x128xi32, #tpu.memory_space<hbm>>) target(%arg6 : memref<2x128xi32, #tpu.memory_space<vmem>>) target_semaphore(%arg13 : memref<!tpu.dma_semaphore, #tpu.memory_space<semaphore_mem>>)
      } else {
      }
      %add3A_125 = arith.constant 2 : i32
      %add3A_126 = arith.addi %mul3A_79, %add3A_125 : i32
      %add3A_127 = arith.constant 1 : i32
      %add3A_128 = arith.addi %add3A_126, %add3A_127 : i32
      %lt3A_129 = arith.cmpi slt, %add3A_128, %select_n3A : i32
      %convert_element_type3A_130 = arith.extui %lt3A_129 : i1 to i32
      %cond3A_131 = arith.constant 0 : i32
      %cond3A_132 = arith.cmpi ne, %convert_element_type3A_130, %cond3A_131 : i32
      scf.if %cond3A_132 {
        %dma_wait3A_150 = arith.constant 0 : i32
        %dma_wait3A_151 = arith.constant 0 : i32
        %dma_wait3A_152 = tpu.memref_slice %arg3[%add3A, %dma_wait3A_150, %dma_wait3A_151] : memref<2528x2x128xi32, #tpu.memory_space<hbm>> -> memref<1x2x128xi32, #tpu.memory_space<hbm>>
        %dma_wait3A_153 = tpu.memref_squeeze %dma_wait3A_152 : memref<1x2x128xi32, #tpu.memory_space<hbm>> -> memref<2x128xi32, #tpu.memory_space<hbm>>
        %dma_wait3A_154 = arith.constant 0 : i32
        %dma_wait3A_155 = arith.constant 0 : i32
        %dma_wait3A_156 = tpu.memref_slice %arg3[%add3A, %dma_wait3A_154, %dma_wait3A_155] : memref<2528x2x128xi32, #tpu.memory_space<hbm>> -> memref<1x2x128xi32, #tpu.memory_space<hbm>>
        %dma_wait3A_157 = tpu.memref_squeeze %dma_wait3A_156 : memref<1x2x128xi32, #tpu.memory_space<hbm>> -> memref<2x128xi32, #tpu.memory_space<hbm>>
        tpu.wait_dma2 semaphore(%arg13 : memref<!tpu.dma_semaphore, #tpu.memory_space<semaphore_mem>>) src(%dma_wait3A_157 : memref<2x128xi32, #tpu.memory_space<hbm>>) dst(%arg6 : memref<2x128xi32, #tpu.memory_space<vmem>>)
        %dma_start3A_158 = arith.constant 0 : i32
        %dma_start3A_159 = arith.constant 0 : i32
        %dma_start3A_160 = tpu.memref_slice %arg6[%dma_start3A_158, %dma_start3A_159] : memref<2x128xi32, #tpu.memory_space<vmem>> -> memref<1x128xi32, #tpu.memory_space<vmem>>
        %dma_start3A_161 = tpu.memref_squeeze %dma_start3A_160 : memref<1x128xi32, #tpu.memory_space<vmem>> -> memref<128xi32, #tpu.memory_space<vmem>>
        %dma_start3A_162 = arith.constant 0 : i32
        %dma_start3A_163 = arith.constant 0 : i32
        %dma_start3A_164 = tpu.memref_slice %arg2[%dma_start3A_162, %dma_start3A_163] : memref<10000x112xf32, #tpu.memory_space<hbm>> -> memref<10000x112xf32, #tpu.memory_space<hbm>>
        tpu.enqueue_indirect_dma source(%dma_start3A_164 : memref<10000x112xf32, #tpu.memory_space<hbm>>) target(%arg9 : memref<128x112xf32, #tpu.memory_space<vmem>>) offsets(%dma_start3A_161 : memref<128xi32, #tpu.memory_space<vmem>>) semaphore(%arg16 : memref<!tpu.dma_semaphore, #tpu.memory_space<semaphore_mem>>)
      } else {
      }
      %lt3A_133 = arith.cmpi slt, %add3A_126, %select_n3A : i32
      %convert_element_type3A_134 = arith.extui %lt3A_133 : i1 to i32
      %cond3A_135 = arith.constant 0 : i32
      %cond3A_136 = arith.cmpi ne, %convert_element_type3A_134, %cond3A_135 : i32
      scf.if %cond3A_136 {
        %dma_wait3A_150 = arith.constant 0 : i32
        %dma_wait3A_151 = arith.constant 0 : i32
        %dma_wait3A_152 = tpu.memref_slice %arg8[%dma_wait3A_150, %dma_wait3A_151] : memref<2x128xi32, #tpu.memory_space<vmem>> -> memref<1x128xi32, #tpu.memory_space<vmem>>
        %dma_wait3A_153 = tpu.memref_squeeze %dma_wait3A_152 : memref<1x128xi32, #tpu.memory_space<vmem>> -> memref<128xi32, #tpu.memory_space<vmem>>
        %dma_wait3A_154 = arith.constant 0 : i32
        %dma_wait3A_155 = arith.constant 0 : i32
        %dma_wait3A_156 = tpu.memref_slice %arg2[%dma_wait3A_154, %dma_wait3A_155] : memref<10000x112xf32, #tpu.memory_space<hbm>> -> memref<10000x112xf32, #tpu.memory_space<hbm>>
        tpu.wait_indirect_dma semaphore(%arg18 : memref<!tpu.dma_semaphore, #tpu.memory_space<semaphore_mem>>) src(%dma_wait3A_156 : memref<10000x112xf32, #tpu.memory_space<hbm>>) dst(%arg11 : memref<128x112xf32, #tpu.memory_space<vmem>>)
        %dma_start3A_157 = arith.constant 1 : i32
        %dma_start3A_158 = arith.constant 0 : i32
        %dma_start3A_159 = tpu.memref_slice %arg8[%dma_start3A_157, %dma_start3A_158] : memref<2x128xi32, #tpu.memory_space<vmem>> -> memref<1x128xi32, #tpu.memory_space<vmem>>
        %dma_start3A_160 = tpu.memref_squeeze %dma_start3A_159 : memref<1x128xi32, #tpu.memory_space<vmem>> -> memref<128xi32, #tpu.memory_space<vmem>>
        %dma_start3A_161 = arith.constant 0 : i32
        %dma_start3A_162 = arith.constant 0 : i32
        %dma_start3A_163 = tpu.memref_slice %arg12[%dma_start3A_161, %dma_start3A_162] : memref<10112x112xf32, #tpu.memory_space<vmem_shared>> -> memref<10112x112xf32, #tpu.memory_space<vmem_shared>>
        tpu.enqueue_indirect_dma source(%arg11 : memref<128x112xf32, #tpu.memory_space<vmem>>) target(%dma_start3A_163 : memref<10112x112xf32, #tpu.memory_space<vmem_shared>>) offsets(%dma_start3A_160 : memref<128xi32, #tpu.memory_space<vmem>>) semaphore(%arg21 : memref<!tpu.dma_semaphore, #tpu.memory_space<semaphore_mem>>) {add = true}
      } else {
      }
      %ge3A_137 = arith.constant 1 : i32
      %ge3A_138 = arith.cmpi sge, %add3A_126, %ge3A_137 : i32
      %le3A_139 = arith.cmpi sle, %add3A_126, %select_n3A : i32
      %and3A_140 = arith.andi %ge3A_138, %le3A_139 : i1
      %convert_element_type3A_141 = arith.extui %and3A_140 : i1 to i32
      %cond3A_142 = arith.constant 0 : i32
      %cond3A_143 = arith.cmpi ne, %convert_element_type3A_141, %cond3A_142 : i32
      scf.if %cond3A_143 {
        %dma_wait3A_150 = arith.constant 1 : i32
        %dma_wait3A_151 = arith.constant 0 : i32
        %dma_wait3A_152 = tpu.memref_slice %arg7[%dma_wait3A_150, %dma_wait3A_151] : memref<2x128xi32, #tpu.memory_space<vmem>> -> memref<1x128xi32, #tpu.memory_space<vmem>>
        %dma_wait3A_153 = tpu.memref_squeeze %dma_wait3A_152 : memref<1x128xi32, #tpu.memory_space<vmem>> -> memref<128xi32, #tpu.memory_space<vmem>>
        %dma_wait3A_154 = arith.constant 0 : i32
        %dma_wait3A_155 = arith.constant 0 : i32
        %dma_wait3A_156 = tpu.memref_slice %arg12[%dma_wait3A_154, %dma_wait3A_155] : memref<10112x112xf32, #tpu.memory_space<vmem_shared>> -> memref<10112x112xf32, #tpu.memory_space<vmem_shared>>
        tpu.wait_indirect_dma semaphore(%arg20 : memref<!tpu.dma_semaphore, #tpu.memory_space<semaphore_mem>>) src(%arg10 : memref<128x112xf32, #tpu.memory_space<vmem>>) dst(%dma_wait3A_156 : memref<10112x112xf32, #tpu.memory_space<vmem_shared>>)
      } else {
      }
      %add3A_144 = arith.constant 2 : i32
      %add3A_145 = arith.addi %add3A_126, %add3A_144 : i32
      %lt3A_146 = arith.cmpi slt, %add3A_145, %select_n3A : i32
      %convert_element_type3A_147 = arith.extui %lt3A_146 : i1 to i32
      %cond3A_148 = arith.constant 0 : i32
      %cond3A_149 = arith.cmpi ne, %convert_element_type3A_147, %cond3A_148 : i32
      scf.if %cond3A_149 {
        %add3A_150 = arith.constant 2 : i32
        %add3A_151 = arith.addi %add3A_126, %add3A_150 : i32
        %add3A_152 = arith.addi %add3A, %add3A_151 : i32
        %dma_start3A_153 = arith.constant 0 : i32
        %dma_start3A_154 = arith.constant 0 : i32
        %dma_start3A_155 = tpu.memref_slice %arg3[%add3A_152, %dma_start3A_153, %dma_start3A_154] : memref<2528x2x128xi32, #tpu.memory_space<hbm>> -> memref<1x2x128xi32, #tpu.memory_space<hbm>>
        %dma_start3A_156 = tpu.memref_squeeze %dma_start3A_155 : memref<1x2x128xi32, #tpu.memory_space<hbm>> -> memref<2x128xi32, #tpu.memory_space<hbm>>
        %dma_start3A_157 = arith.constant 0 : i32
        %dma_start3A_158 = arith.constant 0 : i32
        %dma_start3A_159 = tpu.memref_slice %arg3[%add3A_152, %dma_start3A_157, %dma_start3A_158] : memref<2528x2x128xi32, #tpu.memory_space<hbm>> -> memref<1x2x128xi32, #tpu.memory_space<hbm>>
        %dma_start3A_160 = tpu.memref_squeeze %dma_start3A_159 : memref<1x2x128xi32, #tpu.memory_space<hbm>> -> memref<2x128xi32, #tpu.memory_space<hbm>>
        tpu.enqueue_dma source(%dma_start3A_160 : memref<2x128xi32, #tpu.memory_space<hbm>>) target(%arg7 : memref<2x128xi32, #tpu.memory_space<vmem>>) target_semaphore(%arg14 : memref<!tpu.dma_semaphore, #tpu.memory_space<semaphore_mem>>)
      } else {
      }
    }
    %while3A_68 = arith.constant 1 : i32
    scf.for %while3A_77 = %while3A_66 to %while3A_62 step %while3A_68  : i32 {
      %mul3A_78 = arith.constant 3 : i32
      %mul3A_79 = arith.muli %mul3A_78, %while3A_77 : i32
      %add3A_80 = arith.constant 0 : i32
      %add3A_81 = arith.addi %mul3A_79, %add3A_80 : i32
      %add3A_82 = arith.constant 1 : i32
      %add3A_83 = arith.addi %add3A_81, %add3A_82 : i32
      %lt3A = arith.cmpi slt, %add3A_83, %select_n3A : i32
      %convert_element_type3A = arith.extui %lt3A : i1 to i32
      %cond3A = arith.constant 0 : i32
      %cond3A_84 = arith.cmpi ne, %convert_element_type3A, %cond3A : i32
      scf.if %cond3A_84 {
        %dma_wait3A_150 = arith.constant 0 : i32
        %dma_wait3A_151 = arith.constant 0 : i32
        %dma_wait3A_152 = tpu.memref_slice %arg3[%add3A, %dma_wait3A_150, %dma_wait3A_151] : memref<2528x2x128xi32, #tpu.memory_space<hbm>> -> memref<1x2x128xi32, #tpu.memory_space<hbm>>
        %dma_wait3A_153 = tpu.memref_squeeze %dma_wait3A_152 : memref<1x2x128xi32, #tpu.memory_space<hbm>> -> memref<2x128xi32, #tpu.memory_space<hbm>>
        %dma_wait3A_154 = arith.constant 0 : i32
        %dma_wait3A_155 = arith.constant 0 : i32
        %dma_wait3A_156 = tpu.memref_slice %arg3[%add3A, %dma_wait3A_154, %dma_wait3A_155] : memref<2528x2x128xi32, #tpu.memory_space<hbm>> -> memref<1x2x128xi32, #tpu.memory_space<hbm>>
        %dma_wait3A_157 = tpu.memref_squeeze %dma_wait3A_156 : memref<1x2x128xi32, #tpu.memory_space<hbm>> -> memref<2x128xi32, #tpu.memory_space<hbm>>
        tpu.wait_dma2 semaphore(%arg14 : memref<!tpu.dma_semaphore, #tpu.memory_space<semaphore_mem>>) src(%dma_wait3A_157 : memref<2x128xi32, #tpu.memory_space<hbm>>) dst(%arg7 : memref<2x128xi32, #tpu.memory_space<vmem>>)
        %dma_start3A_158 = arith.constant 0 : i32
        %dma_start3A_159 = arith.constant 0 : i32
        %dma_start3A_160 = tpu.memref_slice %arg7[%dma_start3A_158, %dma_start3A_159] : memref<2x128xi32, #tpu.memory_space<vmem>> -> memref<1x128xi32, #tpu.memory_space<vmem>>
        %dma_start3A_161 = tpu.memref_squeeze %dma_start3A_160 : memref<1x128xi32, #tpu.memory_space<vmem>> -> memref<128xi32, #tpu.memory_space<vmem>>
        %dma_start3A_162 = arith.constant 0 : i32
        %dma_start3A_163 = arith.constant 0 : i32
        %dma_start3A_164 = tpu.memref_slice %arg2[%dma_start3A_162, %dma_start3A_163] : memref<10000x112xf32, #tpu.memory_space<hbm>> -> memref<10000x112xf32, #tpu.memory_space<hbm>>
        tpu.enqueue_indirect_dma source(%dma_start3A_164 : memref<10000x112xf32, #tpu.memory_space<hbm>>) target(%arg10 : memref<128x112xf32, #tpu.memory_space<vmem>>) offsets(%dma_start3A_161 : memref<128xi32, #tpu.memory_space<vmem>>) semaphore(%arg17 : memref<!tpu.dma_semaphore, #tpu.memory_space<semaphore_mem>>)
      } else {
      }
      %lt3A_85 = arith.cmpi slt, %add3A_81, %select_n3A : i32
      %convert_element_type3A_86 = arith.extui %lt3A_85 : i1 to i32
      %cond3A_87 = arith.constant 0 : i32
      %cond3A_88 = arith.cmpi ne, %convert_element_type3A_86, %cond3A_87 : i32
      scf.if %cond3A_88 {
        %dma_wait3A_150 = arith.constant 0 : i32
        %dma_wait3A_151 = arith.constant 0 : i32
        %dma_wait3A_152 = tpu.memref_slice %arg6[%dma_wait3A_150, %dma_wait3A_151] : memref<2x128xi32, #tpu.memory_space<vmem>> -> memref<1x128xi32, #tpu.memory_space<vmem>>
        %dma_wait3A_153 = tpu.memref_squeeze %dma_wait3A_152 : memref<1x128xi32, #tpu.memory_space<vmem>> -> memref<128xi32, #tpu.memory_space<vmem>>
        %dma_wait3A_154 = arith.constant 0 : i32
        %dma_wait3A_155 = arith.constant 0 : i32
        %dma_wait3A_156 = tpu.memref_slice %arg2[%dma_wait3A_154, %dma_wait3A_155] : memref<10000x112xf32, #tpu.memory_space<hbm>> -> memref<10000x112xf32, #tpu.memory_space<hbm>>
        tpu.wait_indirect_dma semaphore(%arg16 : memref<!tpu.dma_semaphore, #tpu.memory_space<semaphore_mem>>) src(%dma_wait3A_156 : memref<10000x112xf32, #tpu.memory_space<hbm>>) dst(%arg9 : memref<128x112xf32, #tpu.memory_space<vmem>>)
        %dma_start3A_157 = arith.constant 1 : i32
        %dma_start3A_158 = arith.constant 0 : i32
        %dma_start3A_159 = tpu.memref_slice %arg6[%dma_start3A_157, %dma_start3A_158] : memref<2x128xi32, #tpu.memory_space<vmem>> -> memref<1x128xi32, #tpu.memory_space<vmem>>
        %dma_start3A_160 = tpu.memref_squeeze %dma_start3A_159 : memref<1x128xi32, #tpu.memory_space<vmem>> -> memref<128xi32, #tpu.memory_space<vmem>>
        %dma_start3A_161 = arith.constant 0 : i32
        %dma_start3A_162 = arith.constant 0 : i32
        %dma_start3A_163 = tpu.memref_slice %arg12[%dma_start3A_161, %dma_start3A_162] : memref<10112x112xf32, #tpu.memory_space<vmem_shared>> -> memref<10112x112xf32, #tpu.memory_space<vmem_shared>>
        tpu.enqueue_indirect_dma source(%arg9 : memref<128x112xf32, #tpu.memory_space<vmem>>) target(%dma_start3A_163 : memref<10112x112xf32, #tpu.memory_space<vmem_shared>>) offsets(%dma_start3A_160 : memref<128xi32, #tpu.memory_space<vmem>>) semaphore(%arg19 : memref<!tpu.dma_semaphore, #tpu.memory_space<semaphore_mem>>) {add = true}
      } else {
      }
      %ge3A = arith.constant 1 : i32
      %ge3A_89 = arith.cmpi sge, %add3A_81, %ge3A : i32
      %le3A = arith.cmpi sle, %add3A_81, %select_n3A : i32
      %and3A_90 = arith.andi %ge3A_89, %le3A : i1
      %convert_element_type3A_91 = arith.extui %and3A_90 : i1 to i32
      %cond3A_92 = arith.constant 0 : i32
      %cond3A_93 = arith.cmpi ne, %convert_element_type3A_91, %cond3A_92 : i32
      scf.if %cond3A_93 {
        %dma_wait3A_150 = arith.constant 1 : i32
        %dma_wait3A_151 = arith.constant 0 : i32
        %dma_wait3A_152 = tpu.memref_slice %arg8[%dma_wait3A_150, %dma_wait3A_151] : memref<2x128xi32, #tpu.memory_space<vmem>> -> memref<1x128xi32, #tpu.memory_space<vmem>>
        %dma_wait3A_153 = tpu.memref_squeeze %dma_wait3A_152 : memref<1x128xi32, #tpu.memory_space<vmem>> -> memref<128xi32, #tpu.memory_space<vmem>>
        %dma_wait3A_154 = arith.constant 0 : i32
        %dma_wait3A_155 = arith.constant 0 : i32
        %dma_wait3A_156 = tpu.memref_slice %arg12[%dma_wait3A_154, %dma_wait3A_155] : memref<10112x112xf32, #tpu.memory_space<vmem_shared>> -> memref<10112x112xf32, #tpu.memory_space<vmem_shared>>
        tpu.wait_indirect_dma semaphore(%arg21 : memref<!tpu.dma_semaphore, #tpu.memory_space<semaphore_mem>>) src(%arg11 : memref<128x112xf32, #tpu.memory_space<vmem>>) dst(%dma_wait3A_156 : memref<10112x112xf32, #tpu.memory_space<vmem_shared>>)
      } else {
      }
      %add3A_94 = arith.constant 2 : i32
      %add3A_95 = arith.addi %add3A_81, %add3A_94 : i32
      %lt3A_96 = arith.cmpi slt, %add3A_95, %select_n3A : i32
      %convert_element_type3A_97 = arith.extui %lt3A_96 : i1 to i32
      %cond3A_98 = arith.constant 0 : i32
      %cond3A_99 = arith.cmpi ne, %convert_element_type3A_97, %cond3A_98 : i32
      scf.if %cond3A_99 {
        %add3A_150 = arith.constant 2 : i32
        %add3A_151 = arith.addi %add3A_81, %add3A_150 : i32
        %add3A_152 = arith.addi %add3A, %add3A_151 : i32
        %dma_start3A_153 = arith.constant 0 : i32
        %dma_start3A_154 = arith.constant 0 : i32
        %dma_start3A_155 = tpu.memref_slice %arg3[%add3A_152, %dma_start3A_153, %dma_start3A_154] : memref<2528x2x128xi32, #tpu.memory_space<hbm>> -> memref<1x2x128xi32, #tpu.memory_space<hbm>>
        %dma_start3A_156 = tpu.memref_squeeze %dma_start3A_155 : memref<1x2x128xi32, #tpu.memory_space<hbm>> -> memref<2x128xi32, #tpu.memory_space<hbm>>
        %dma_start3A_157 = arith.constant 0 : i32
        %dma_start3A_158 = arith.constant 0 : i32
        %dma_start3A_159 = tpu.memref_slice %arg3[%add3A_152, %dma_start3A_157, %dma_start3A_158] : memref<2528x2x128xi32, #tpu.memory_space<hbm>> -> memref<1x2x128xi32, #tpu.memory_space<hbm>>
        %dma_start3A_160 = tpu.memref_squeeze %dma_start3A_159 : memref<1x2x128xi32, #tpu.memory_space<hbm>> -> memref<2x128xi32, #tpu.memory_space<hbm>>
        tpu.enqueue_dma source(%dma_start3A_160 : memref<2x128xi32, #tpu.memory_space<hbm>>) target(%arg8 : memref<2x128xi32, #tpu.memory_space<vmem>>) target_semaphore(%arg15 : memref<!tpu.dma_semaphore, #tpu.memory_space<semaphore_mem>>)
      } else {
      }
      %add3A_100 = arith.constant 1 : i32
      %add3A_101 = arith.addi %mul3A_79, %add3A_100 : i32
      %add3A_102 = arith.constant 1 : i32
      %add3A_103 = arith.addi %add3A_101, %add3A_102 : i32
      %lt3A_104 = arith.cmpi slt, %add3A_103, %select_n3A : i32
      %convert_element_type3A_105 = arith.extui %lt3A_104 : i1 to i32
      %cond3A_106 = arith.constant 0 : i32
      %cond3A_107 = arith.cmpi ne, %convert_element_type3A_105, %cond3A_106 : i32
      scf.if %cond3A_107 {
        %dma_wait3A_150 = arith.constant 0 : i32
        %dma_wait3A_151 = arith.constant 0 : i32
        %dma_wait3A_152 = tpu.memref_slice %arg3[%add3A, %dma_wait3A_150, %dma_wait3A_151] : memref<2528x2x128xi32, #tpu.memory_space<hbm>> -> memref<1x2x128xi32, #tpu.memory_space<hbm>>
        %dma_wait3A_153 = tpu.memref_squeeze %dma_wait3A_152 : memref<1x2x128xi32, #tpu.memory_space<hbm>> -> memref<2x128xi32, #tpu.memory_space<hbm>>
        %dma_wait3A_154 = arith.constant 0 : i32
        %dma_wait3A_155 = arith.constant 0 : i32
        %dma_wait3A_156 = tpu.memref_slice %arg3[%add3A, %dma_wait3A_154, %dma_wait3A_155] : memref<2528x2x128xi32, #tpu.memory_space<hbm>> -> memref<1x2x128xi32, #tpu.memory_space<hbm>>
        %dma_wait3A_157 = tpu.memref_squeeze %dma_wait3A_156 : memref<1x2x128xi32, #tpu.memory_space<hbm>> -> memref<2x128xi32, #tpu.memory_space<hbm>>
        tpu.wait_dma2 semaphore(%arg15 : memref<!tpu.dma_semaphore, #tpu.memory_space<semaphore_mem>>) src(%dma_wait3A_157 : memref<2x128xi32, #tpu.memory_space<hbm>>) dst(%arg8 : memref<2x128xi32, #tpu.memory_space<vmem>>)
        %dma_start3A_158 = arith.constant 0 : i32
        %dma_start3A_159 = arith.constant 0 : i32
        %dma_start3A_160 = tpu.memref_slice %arg8[%dma_start3A_158, %dma_start3A_159] : memref<2x128xi32, #tpu.memory_space<vmem>> -> memref<1x128xi32, #tpu.memory_space<vmem>>
        %dma_start3A_161 = tpu.memref_squeeze %dma_start3A_160 : memref<1x128xi32, #tpu.memory_space<vmem>> -> memref<128xi32, #tpu.memory_space<vmem>>
        %dma_start3A_162 = arith.constant 0 : i32
        %dma_start3A_163 = arith.constant 0 : i32
        %dma_start3A_164 = tpu.memref_slice %arg2[%dma_start3A_162, %dma_start3A_163] : memref<10000x112xf32, #tpu.memory_space<hbm>> -> memref<10000x112xf32, #tpu.memory_space<hbm>>
        tpu.enqueue_indirect_dma source(%dma_start3A_164 : memref<10000x112xf32, #tpu.memory_space<hbm>>) target(%arg11 : memref<128x112xf32, #tpu.memory_space<vmem>>) offsets(%dma_start3A_161 : memref<128xi32, #tpu.memory_space<vmem>>) semaphore(%arg18 : memref<!tpu.dma_semaphore, #tpu.memory_space<semaphore_mem>>)
      } else {
      }
      %lt3A_108 = arith.cmpi slt, %add3A_101, %select_n3A : i32
      %convert_element_type3A_109 = arith.extui %lt3A_108 : i1 to i32
      %cond3A_110 = arith.constant 0 : i32
      %cond3A_111 = arith.cmpi ne, %convert_element_type3A_109, %cond3A_110 : i32
      scf.if %cond3A_111 {
        %dma_wait3A_150 = arith.constant 0 : i32
        %dma_wait3A_151 = arith.constant 0 : i32
        %dma_wait3A_152 = tpu.memref_slice %arg7[%dma_wait3A_150, %dma_wait3A_151] : memref<2x128xi32, #tpu.memory_space<vmem>> -> memref<1x128xi32, #tpu.memory_space<vmem>>
        %dma_wait3A_153 = tpu.memref_squeeze %dma_wait3A_152 : memref<1x128xi32, #tpu.memory_space<vmem>> -> memref<128xi32, #tpu.memory_space<vmem>>
        %dma_wait3A_154 = arith.constant 0 : i32
        %dma_wait3A_155 = arith.constant 0 : i32
        %dma_wait3A_156 = tpu.memref_slice %arg2[%dma_wait3A_154, %dma_wait3A_155] : memref<10000x112xf32, #tpu.memory_space<hbm>> -> memref<10000x112xf32, #tpu.memory_space<hbm>>
        tpu.wait_indirect_dma semaphore(%arg17 : memref<!tpu.dma_semaphore, #tpu.memory_space<semaphore_mem>>) src(%dma_wait3A_156 : memref<10000x112xf32, #tpu.memory_space<hbm>>) dst(%arg10 : memref<128x112xf32, #tpu.memory_space<vmem>>)
        %dma_start3A_157 = arith.constant 1 : i32
        %dma_start3A_158 = arith.constant 0 : i32
        %dma_start3A_159 = tpu.memref_slice %arg7[%dma_start3A_157, %dma_start3A_158] : memref<2x128xi32, #tpu.memory_space<vmem>> -> memref<1x128xi32, #tpu.memory_space<vmem>>
        %dma_start3A_160 = tpu.memref_squeeze %dma_start3A_159 : memref<1x128xi32, #tpu.memory_space<vmem>> -> memref<128xi32, #tpu.memory_space<vmem>>
        %dma_start3A_161 = arith.constant 0 : i32
        %dma_start3A_162 = arith.constant 0 : i32
        %dma_start3A_163 = tpu.memref_slice %arg12[%dma_start3A_161, %dma_start3A_162] : memref<10112x112xf32, #tpu.memory_space<vmem_shared>> -> memref<10112x112xf32, #tpu.memory_space<vmem_shared>>
        tpu.enqueue_indirect_dma source(%arg10 : memref<128x112xf32, #tpu.memory_space<vmem>>) target(%dma_start3A_163 : memref<10112x112xf32, #tpu.memory_space<vmem_shared>>) offsets(%dma_start3A_160 : memref<128xi32, #tpu.memory_space<vmem>>) semaphore(%arg20 : memref<!tpu.dma_semaphore, #tpu.memory_space<semaphore_mem>>) {add = true}
      } else {
      }
      %ge3A_112 = arith.constant 1 : i32
      %ge3A_113 = arith.cmpi sge, %add3A_101, %ge3A_112 : i32
      %le3A_114 = arith.cmpi sle, %add3A_101, %select_n3A : i32
      %and3A_115 = arith.andi %ge3A_113, %le3A_114 : i1
      %convert_element_type3A_116 = arith.extui %and3A_115 : i1 to i32
      %cond3A_117 = arith.constant 0 : i32
      %cond3A_118 = arith.cmpi ne, %convert_element_type3A_116, %cond3A_117 : i32
      scf.if %cond3A_118 {
        %dma_wait3A_150 = arith.constant 1 : i32
        %dma_wait3A_151 = arith.constant 0 : i32
        %dma_wait3A_152 = tpu.memref_slice %arg6[%dma_wait3A_150, %dma_wait3A_151] : memref<2x128xi32, #tpu.memory_space<vmem>> -> memref<1x128xi32, #tpu.memory_space<vmem>>
        %dma_wait3A_153 = tpu.memref_squeeze %dma_wait3A_152 : memref<1x128xi32, #tpu.memory_space<vmem>> -> memref<128xi32, #tpu.memory_space<vmem>>
        %dma_wait3A_154 = arith.constant 0 : i32
        %dma_wait3A_155 = arith.constant 0 : i32
        %dma_wait3A_156 = tpu.memref_slice %arg12[%dma_wait3A_154, %dma_wait3A_155] : memref<10112x112xf32, #tpu.memory_space<vmem_shared>> -> memref<10112x112xf32, #tpu.memory_space<vmem_shared>>
        tpu.wait_indirect_dma semaphore(%arg19 : memref<!tpu.dma_semaphore, #tpu.memory_space<semaphore_mem>>) src(%arg9 : memref<128x112xf32, #tpu.memory_space<vmem>>) dst(%dma_wait3A_156 : memref<10112x112xf32, #tpu.memory_space<vmem_shared>>)
      } else {
      }
      %add3A_119 = arith.constant 2 : i32
      %add3A_120 = arith.addi %add3A_101, %add3A_119 : i32
      %lt3A_121 = arith.cmpi slt, %add3A_120, %select_n3A : i32
      %convert_element_type3A_122 = arith.extui %lt3A_121 : i1 to i32
      %cond3A_123 = arith.constant 0 : i32
      %cond3A_124 = arith.cmpi ne, %convert_element_type3A_122, %cond3A_123 : i32
      scf.if %cond3A_124 {
        %add3A_150 = arith.constant 2 : i32
        %add3A_151 = arith.addi %add3A_101, %add3A_150 : i32
        %add3A_152 = arith.addi %add3A, %add3A_151 : i32
        %dma_start3A_153 = arith.constant 0 : i32
        %dma_start3A_154 = arith.constant 0 : i32
        %dma_start3A_155 = tpu.memref_slice %arg3[%add3A_152, %dma_start3A_153, %dma_start3A_154] : memref<2528x2x128xi32, #tpu.memory_space<hbm>> -> memref<1x2x128xi32, #tpu.memory_space<hbm>>
        %dma_start3A_156 = tpu.memref_squeeze %dma_start3A_155 : memref<1x2x128xi32, #tpu.memory_space<hbm>> -> memref<2x128xi32, #tpu.memory_space<hbm>>
        %dma_start3A_157 = arith.constant 0 : i32
        %dma_start3A_158 = arith.constant 0 : i32
        %dma_start3A_159 = tpu.memref_slice %arg3[%add3A_152, %dma_start3A_157, %dma_start3A_158] : memref<2528x2x128xi32, #tpu.memory_space<hbm>> -> memref<1x2x128xi32, #tpu.memory_space<hbm>>
        %dma_start3A_160 = tpu.memref_squeeze %dma_start3A_159 : memref<1x2x128xi32, #tpu.memory_space<hbm>> -> memref<2x128xi32, #tpu.memory_space<hbm>>
        tpu.enqueue_dma source(%dma_start3A_160 : memref<2x128xi32, #tpu.memory_space<hbm>>) target(%arg6 : memref<2x128xi32, #tpu.memory_space<vmem>>) target_semaphore(%arg13 : memref<!tpu.dma_semaphore, #tpu.memory_space<semaphore_mem>>)
      } else {
      }
      %add3A_125 = arith.constant 2 : i32
      %add3A_126 = arith.addi %mul3A_79, %add3A_125 : i32
      %add3A_127 = arith.constant 1 : i32
      %add3A_128 = arith.addi %add3A_126, %add3A_127 : i32
      %lt3A_129 = arith.cmpi slt, %add3A_128, %select_n3A : i32
      %convert_element_type3A_130 = arith.extui %lt3A_129 : i1 to i32
      %cond3A_131 = arith.constant 0 : i32
      %cond3A_132 = arith.cmpi ne, %convert_element_type3A_130, %cond3A_131 : i32
      scf.if %cond3A_132 {
        %dma_wait3A_150 = arith.constant 0 : i32
        %dma_wait3A_151 = arith.constant 0 : i32
        %dma_wait3A_152 = tpu.memref_slice %arg3[%add3A, %dma_wait3A_150, %dma_wait3A_151] : memref<2528x2x128xi32, #tpu.memory_space<hbm>> -> memref<1x2x128xi32, #tpu.memory_space<hbm>>
        %dma_wait3A_153 = tpu.memref_squeeze %dma_wait3A_152 : memref<1x2x128xi32, #tpu.memory_space<hbm>> -> memref<2x128xi32, #tpu.memory_space<hbm>>
        %dma_wait3A_154 = arith.constant 0 : i32
        %dma_wait3A_155 = arith.constant 0 : i32
        %dma_wait3A_156 = tpu.memref_slice %arg3[%add3A, %dma_wait3A_154, %dma_wait3A_155] : memref<2528x2x128xi32, #tpu.memory_space<hbm>> -> memref<1x2x128xi32, #tpu.memory_space<hbm>>
        %dma_wait3A_157 = tpu.memref_squeeze %dma_wait3A_156 : memref<1x2x128xi32, #tpu.memory_space<hbm>> -> memref<2x128xi32, #tpu.memory_space<hbm>>
        tpu.wait_dma2 semaphore(%arg13 : memref<!tpu.dma_semaphore, #tpu.memory_space<semaphore_mem>>) src(%dma_wait3A_157 : memref<2x128xi32, #tpu.memory_space<hbm>>) dst(%arg6 : memref<2x128xi32, #tpu.memory_space<vmem>>)
        %dma_start3A_158 = arith.constant 0 : i32
        %dma_start3A_159 = arith.constant 0 : i32
        %dma_start3A_160 = tpu.memref_slice %arg6[%dma_start3A_158, %dma_start3A_159] : memref<2x128xi32, #tpu.memory_space<vmem>> -> memref<1x128xi32, #tpu.memory_space<vmem>>
        %dma_start3A_161 = tpu.memref_squeeze %dma_start3A_160 : memref<1x128xi32, #tpu.memory_space<vmem>> -> memref<128xi32, #tpu.memory_space<vmem>>
        %dma_start3A_162 = arith.constant 0 : i32
        %dma_start3A_163 = arith.constant 0 : i32
        %dma_start3A_164 = tpu.memref_slice %arg2[%dma_start3A_162, %dma_start3A_163] : memref<10000x112xf32, #tpu.memory_space<hbm>> -> memref<10000x112xf32, #tpu.memory_space<hbm>>
        tpu.enqueue_indirect_dma source(%dma_start3A_164 : memref<10000x112xf32, #tpu.memory_space<hbm>>) target(%arg9 : memref<128x112xf32, #tpu.memory_space<vmem>>) offsets(%dma_start3A_161 : memref<128xi32, #tpu.memory_space<vmem>>) semaphore(%arg16 : memref<!tpu.dma_semaphore, #tpu.memory_space<semaphore_mem>>)
      } else {
      }
      %lt3A_133 = arith.cmpi slt, %add3A_126, %select_n3A : i32
      %convert_element_type3A_134 = arith.extui %lt3A_133 : i1 to i32
      %cond3A_135 = arith.constant 0 : i32
      %cond3A_136 = arith.cmpi ne, %convert_element_type3A_134, %cond3A_135 : i32
      scf.if %cond3A_136 {
        %dma_wait3A_150 = arith.constant 0 : i32
        %dma_wait3A_151 = arith.constant 0 : i32
        %dma_wait3A_152 = tpu.memref_slice %arg8[%dma_wait3A_150, %dma_wait3A_151] : memref<2x128xi32, #tpu.memory_space<vmem>> -> memref<1x128xi32, #tpu.memory_space<vmem>>
        %dma_wait3A_153 = tpu.memref_squeeze %dma_wait3A_152 : memref<1x128xi32, #tpu.memory_space<vmem>> -> memref<128xi32, #tpu.memory_space<vmem>>
        %dma_wait3A_154 = arith.constant 0 : i32
        %dma_wait3A_155 = arith.constant 0 : i32
        %dma_wait3A_156 = tpu.memref_slice %arg2[%dma_wait3A_154, %dma_wait3A_155] : memref<10000x112xf32, #tpu.memory_space<hbm>> -> memref<10000x112xf32, #tpu.memory_space<hbm>>
        tpu.wait_indirect_dma semaphore(%arg18 : memref<!tpu.dma_semaphore, #tpu.memory_space<semaphore_mem>>) src(%dma_wait3A_156 : memref<10000x112xf32, #tpu.memory_space<hbm>>) dst(%arg11 : memref<128x112xf32, #tpu.memory_space<vmem>>)
        %dma_start3A_157 = arith.constant 1 : i32
        %dma_start3A_158 = arith.constant 0 : i32
        %dma_start3A_159 = tpu.memref_slice %arg8[%dma_start3A_157, %dma_start3A_158] : memref<2x128xi32, #tpu.memory_space<vmem>> -> memref<1x128xi32, #tpu.memory_space<vmem>>
        %dma_start3A_160 = tpu.memref_squeeze %dma_start3A_159 : memref<1x128xi32, #tpu.memory_space<vmem>> -> memref<128xi32, #tpu.memory_space<vmem>>
        %dma_start3A_161 = arith.constant 0 : i32
        %dma_start3A_162 = arith.constant 0 : i32
        %dma_start3A_163 = tpu.memref_slice %arg12[%dma_start3A_161, %dma_start3A_162] : memref<10112x112xf32, #tpu.memory_space<vmem_shared>> -> memref<10112x112xf32, #tpu.memory_space<vmem_shared>>
        tpu.enqueue_indirect_dma source(%arg11 : memref<128x112xf32, #tpu.memory_space<vmem>>) target(%dma_start3A_163 : memref<10112x112xf32, #tpu.memory_space<vmem_shared>>) offsets(%dma_start3A_160 : memref<128xi32, #tpu.memory_space<vmem>>) semaphore(%arg21 : memref<!tpu.dma_semaphore, #tpu.memory_space<semaphore_mem>>) {add = true}
      } else {
      }
      %ge3A_137 = arith.constant 1 : i32
      %ge3A_138 = arith.cmpi sge, %add3A_126, %ge3A_137 : i32
      %le3A_139 = arith.cmpi sle, %add3A_126, %select_n3A : i32
      %and3A_140 = arith.andi %ge3A_138, %le3A_139 : i1
      %convert_element_type3A_141 = arith.extui %and3A_140 : i1 to i32
      %cond3A_142 = arith.constant 0 : i32
      %cond3A_143 = arith.cmpi ne, %convert_element_type3A_141, %cond3A_142 : i32
      scf.if %cond3A_143 {
        %dma_wait3A_150 = arith.constant 1 : i32
        %dma_wait3A_151 = arith.constant 0 : i32
        %dma_wait3A_152 = tpu.memref_slice %arg7[%dma_wait3A_150, %dma_wait3A_151] : memref<2x128xi32, #tpu.memory_space<vmem>> -> memref<1x128xi32, #tpu.memory_space<vmem>>
        %dma_wait3A_153 = tpu.memref_squeeze %dma_wait3A_152 : memref<1x128xi32, #tpu.memory_space<vmem>> -> memref<128xi32, #tpu.memory_space<vmem>>
        %dma_wait3A_154 = arith.constant 0 : i32
        %dma_wait3A_155 = arith.constant 0 : i32
        %dma_wait3A_156 = tpu.memref_slice %arg12[%dma_wait3A_154, %dma_wait3A_155] : memref<10112x112xf32, #tpu.memory_space<vmem_shared>> -> memref<10112x112xf32, #tpu.memory_space<vmem_shared>>
        tpu.wait_indirect_dma semaphore(%arg20 : memref<!tpu.dma_semaphore, #tpu.memory_space<semaphore_mem>>) src(%arg10 : memref<128x112xf32, #tpu.memory_space<vmem>>) dst(%dma_wait3A_156 : memref<10112x112xf32, #tpu.memory_space<vmem_shared>>)
      } else {
      }
      %add3A_144 = arith.constant 2 : i32
      %add3A_145 = arith.addi %add3A_126, %add3A_144 : i32
      %lt3A_146 = arith.cmpi slt, %add3A_145, %select_n3A : i32
      %convert_element_type3A_147 = arith.extui %lt3A_146 : i1 to i32
      %cond3A_148 = arith.constant 0 : i32
      %cond3A_149 = arith.cmpi ne, %convert_element_type3A_147, %cond3A_148 : i32
      scf.if %cond3A_149 {
        %add3A_150 = arith.constant 2 : i32
        %add3A_151 = arith.addi %add3A_126, %add3A_150 : i32
        %add3A_152 = arith.addi %add3A, %add3A_151 : i32
        %dma_start3A_153 = arith.constant 0 : i32
        %dma_start3A_154 = arith.constant 0 : i32
        %dma_start3A_155 = tpu.memref_slice %arg3[%add3A_152, %dma_start3A_153, %dma_start3A_154] : memref<2528x2x128xi32, #tpu.memory_space<hbm>> -> memref<1x2x128xi32, #tpu.memory_space<hbm>>
        %dma_start3A_156 = tpu.memref_squeeze %dma_start3A_155 : memref<1x2x128xi32, #tpu.memory_space<hbm>> -> memref<2x128xi32, #tpu.memory_space<hbm>>
        %dma_start3A_157 = arith.constant 0 : i32
        %dma_start3A_158 = arith.constant 0 : i32
        %dma_start3A_159 = tpu.memref_slice %arg3[%add3A_152, %dma_start3A_157, %dma_start3A_158] : memref<2528x2x128xi32, #tpu.memory_space<hbm>> -> memref<1x2x128xi32, #tpu.memory_space<hbm>>
        %dma_start3A_160 = tpu.memref_squeeze %dma_start3A_159 : memref<1x2x128xi32, #tpu.memory_space<hbm>> -> memref<2x128xi32, #tpu.memory_space<hbm>>
        tpu.enqueue_dma source(%dma_start3A_160 : memref<2x128xi32, #tpu.memory_space<hbm>>) target(%arg7 : memref<2x128xi32, #tpu.memory_space<vmem>>) target_semaphore(%arg14 : memref<!tpu.dma_semaphore, #tpu.memory_space<semaphore_mem>>)
      } else {
      }
    }
    %barrier3A_69 = arith.constant 0 : index
    tpu.barrier barrier_id(%barrier3A_69)
    %mul3A_70 = arith.constant 10112 : i32
    %mul3A_71 = arith.muli %arg0, %mul3A_70 : i32
    %mul3A_72 = arith.constant 632 : i32
    %mul3A_73 = arith.muli %arg1, %mul3A_72 : i32
    %add3A_74 = arith.addi %mul3A_71, %mul3A_73 : i32
    %mul3A_75 = arith.constant 632 : i32
    %mul3A_76 = arith.muli %arg1, %mul3A_75 : i32
    "tpu.region"() ({
      %run_scoped3A = tpu.sem_alloc : memref<!tpu.dma_semaphore, #tpu.memory_space<semaphore_mem>>
      %dma_start3A_77 = arith.constant 0 : i32
      %dma_start3A_78 = tpu.memref_slice %arg5[%add3A_74, %dma_start3A_77] : memref<20224x112xf32, #tpu.memory_space<hbm>> -> memref<632x112xf32, #tpu.memory_space<hbm>>
      %dma_start3A_79 = arith.constant 0 : i32
      %dma_start3A_80 = tpu.memref_slice %arg12[%mul3A_76, %dma_start3A_79] : memref<10112x112xf32, #tpu.memory_space<vmem_shared>> -> memref<632x112xf32, #tpu.memory_space<vmem_shared>>
      tpu.enqueue_dma source(%dma_start3A_80 : memref<632x112xf32, #tpu.memory_space<vmem_shared>>) target(%dma_start3A_78 : memref<632x112xf32, #tpu.memory_space<hbm>>) target_semaphore(%run_scoped3A : memref<!tpu.dma_semaphore, #tpu.memory_space<semaphore_mem>>)
      %dma_wait3A_81 = arith.constant 0 : i32
      %dma_wait3A_82 = tpu.memref_slice %arg5[%add3A_74, %dma_wait3A_81] : memref<20224x112xf32, #tpu.memory_space<hbm>> -> memref<632x112xf32, #tpu.memory_space<hbm>>
      %dma_wait3A_83 = arith.constant 0 : i32
      %dma_wait3A_84 = tpu.memref_slice %arg12[%mul3A_76, %dma_wait3A_83] : memref<10112x112xf32, #tpu.memory_space<vmem_shared>> -> memref<632x112xf32, #tpu.memory_space<vmem_shared>>
      tpu.wait_dma2 semaphore(%run_scoped3A : memref<!tpu.dma_semaphore, #tpu.memory_space<semaphore_mem>>) src(%dma_wait3A_84 : memref<632x112xf32, #tpu.memory_space<vmem_shared>>) dst(%dma_wait3A_82 : memref<632x112xf32, #tpu.memory_space<hbm>>)
      tpu.yield
    }) : () -> ()
    return
  }
}

#map = affine_map<(d0, d1) -> (0, 0)>
#map1 = affine_map<(d0, d1) -> (0, 0, 0)>
module attributes {stable_mosaic.version = 14 : i64} {
  func.func @agg_kernel(%arg0: i32, %arg1: i32, %arg2: memref<10000x128xf32, #tpu.memory_space<hbm>>, %arg3: memref<2528x2x128xi32, #tpu.memory_space<hbm>>, %arg4: memref<632x128xf32, #tpu.memory_space<hbm>>, %arg5: memref<20224x128xf32, #tpu.memory_space<hbm>>, %arg6: memref<2x128xi32, #tpu.memory_space<vmem>>, %arg7: memref<2x128xi32, #tpu.memory_space<vmem>>, %arg8: memref<2x128xi32, #tpu.memory_space<vmem>>, %arg9: memref<128x128xf32, #tpu.memory_space<vmem>>, %arg10: memref<128x128xf32, #tpu.memory_space<vmem>>, %arg11: memref<128x128xf32, #tpu.memory_space<vmem>>, %arg12: memref<10112x128xf32, #tpu.memory_space<vmem_shared>>, %arg13: memref<!tpu.dma_semaphore, #tpu.memory_space<semaphore_mem>>, %arg14: memref<!tpu.dma_semaphore, #tpu.memory_space<semaphore_mem>>, %arg15: memref<!tpu.dma_semaphore, #tpu.memory_space<semaphore_mem>>, %arg16: memref<!tpu.dma_semaphore, #tpu.memory_space<semaphore_mem>>, %arg17: memref<!tpu.dma_semaphore, #tpu.memory_space<semaphore_mem>>, %arg18: memref<!tpu.dma_semaphore, #tpu.memory_space<semaphore_mem>>, %arg19: memref<!tpu.dma_semaphore, #tpu.memory_space<semaphore_mem>>, %arg20: memref<!tpu.dma_semaphore, #tpu.memory_space<semaphore_mem>>, %arg21: memref<!tpu.dma_semaphore, #tpu.memory_space<semaphore_mem>>) attributes {dimension_semantics = [#tpu.dimension_semantics<core_parallel>, #tpu.dimension_semantics<subcore_parallel>], iteration_bounds = array<i64: 2, 16>, scalar_prefetch = 0 : i64, scratch_operands = 16 : i64, tpu.core_type = #tpu.core_type<sc_vector_subcore>, window_params = [{transform_indices = #map}, {transform_indices = #map1}, {transform_indices = #map}, {transform_indices = #map}]} {
    %mul3A = arith.constant 632 : i32
    %mul3A_0 = arith.muli %arg1, %mul3A : i32
    "tpu.region"() ({
      %run_scoped3A = tpu.sem_alloc : memref<!tpu.dma_semaphore, #tpu.memory_space<semaphore_mem>>
      %dma_start3A_77 = arith.constant 0 : i32
      %dma_start3A_78 = tpu.memref_slice %arg12[%mul3A_0, %dma_start3A_77] : memref<10112x128xf32, #tpu.memory_space<vmem_shared>> -> memref<632x128xf32, #tpu.memory_space<vmem_shared>>
      tpu.enqueue_dma source(%arg4 : memref<632x128xf32, #tpu.memory_space<hbm>>) target(%dma_start3A_78 : memref<632x128xf32, #tpu.memory_space<vmem_shared>>) target_semaphore(%run_scoped3A : memref<!tpu.dma_semaphore, #tpu.memory_space<semaphore_mem>>)
      %dma_wait3A_79 = arith.constant 0 : i32
      %dma_wait3A_80 = tpu.memref_slice %arg12[%mul3A_0, %dma_wait3A_79] : memref<10112x128xf32, #tpu.memory_space<vmem_shared>> -> memref<632x128xf32, #tpu.memory_space<vmem_shared>>
      tpu.wait_dma2 semaphore(%run_scoped3A : memref<!tpu.dma_semaphore, #tpu.memory_space<semaphore_mem>>) src(%arg4 : memref<632x128xf32, #tpu.memory_space<hbm>>) dst(%dma_wait3A_80 : memref<632x128xf32, #tpu.memory_space<vmem_shared>>)
      tpu.yield
    }) : () -> ()
    %barrier3A = arith.constant 0 : index
    tpu.barrier barrier_id(%barrier3A)
    %mul3A_1 = arith.constant 158 : i32
    %mul3A_2 = arith.muli %arg1, %mul3A_1 : i32
    %mul3A_3 = arith.constant 127 : i32
    %mul3A_4 = arith.muli %arg0, %mul3A_3 : i32
    %add3A = arith.addi %mul3A_2, %mul3A_4 : i32
    %eq3A = arith.constant 0 : i32
    %eq3A_5 = arith.cmpi eq, %arg0, %eq3A : i32
    %jit3A = arith.constant 127 : i32
    %jit3A_6 = arith.constant 31 : i32
    %select_n3A = arith.select %eq3A_5, %jit3A, %jit3A_6 : i32
    %add3A_7 = arith.constant 0 : i32
    %add3A_8 = arith.addi %add3A, %add3A_7 : i32
    %dma_start3A = arith.constant 0 : i32
    %dma_start3A_9 = arith.constant 0 : i32
    %dma_start3A_10 = tpu.memref_slice %arg3[%add3A_8, %dma_start3A, %dma_start3A_9] : memref<2528x2x128xi32, #tpu.memory_space<hbm>> -> memref<1x2x128xi32, #tpu.memory_space<hbm>>
    %dma_start3A_11 = tpu.memref_squeeze %dma_start3A_10 : memref<1x2x128xi32, #tpu.memory_space<hbm>> -> memref<2x128xi32, #tpu.memory_space<hbm>>
    %dma_start3A_12 = arith.constant 0 : i32
    %dma_start3A_13 = arith.constant 0 : i32
    %dma_start3A_14 = tpu.memref_slice %arg3[%add3A_8, %dma_start3A_12, %dma_start3A_13] : memref<2528x2x128xi32, #tpu.memory_space<hbm>> -> memref<1x2x128xi32, #tpu.memory_space<hbm>>
    %dma_start3A_15 = tpu.memref_squeeze %dma_start3A_14 : memref<1x2x128xi32, #tpu.memory_space<hbm>> -> memref<2x128xi32, #tpu.memory_space<hbm>>
    tpu.enqueue_dma source(%dma_start3A_15 : memref<2x128xi32, #tpu.memory_space<hbm>>) target(%arg6 : memref<2x128xi32, #tpu.memory_space<vmem>>) target_semaphore(%arg13 : memref<!tpu.dma_semaphore, #tpu.memory_space<semaphore_mem>>)
    %add3A_16 = arith.constant 1 : i32
    %add3A_17 = arith.addi %add3A, %add3A_16 : i32
    %dma_start3A_18 = arith.constant 0 : i32
    %dma_start3A_19 = arith.constant 0 : i32
    %dma_start3A_20 = tpu.memref_slice %arg3[%add3A_17, %dma_start3A_18, %dma_start3A_19] : memref<2528x2x128xi32, #tpu.memory_space<hbm>> -> memref<1x2x128xi32, #tpu.memory_space<hbm>>
    %dma_start3A_21 = tpu.memref_squeeze %dma_start3A_20 : memref<1x2x128xi32, #tpu.memory_space<hbm>> -> memref<2x128xi32, #tpu.memory_space<hbm>>
    %dma_start3A_22 = arith.constant 0 : i32
    %dma_start3A_23 = arith.constant 0 : i32
    %dma_start3A_24 = tpu.memref_slice %arg3[%add3A_17, %dma_start3A_22, %dma_start3A_23] : memref<2528x2x128xi32, #tpu.memory_space<hbm>> -> memref<1x2x128xi32, #tpu.memory_space<hbm>>
    %dma_start3A_25 = tpu.memref_squeeze %dma_start3A_24 : memref<1x2x128xi32, #tpu.memory_space<hbm>> -> memref<2x128xi32, #tpu.memory_space<hbm>>
    tpu.enqueue_dma source(%dma_start3A_25 : memref<2x128xi32, #tpu.memory_space<hbm>>) target(%arg7 : memref<2x128xi32, #tpu.memory_space<vmem>>) target_semaphore(%arg14 : memref<!tpu.dma_semaphore, #tpu.memory_space<semaphore_mem>>)
    %dma_wait3A = arith.constant 0 : i32
    %dma_wait3A_26 = arith.constant 0 : i32
    %dma_wait3A_27 = tpu.memref_slice %arg3[%add3A, %dma_wait3A, %dma_wait3A_26] : memref<2528x2x128xi32, #tpu.memory_space<hbm>> -> memref<1x2x128xi32, #tpu.memory_space<hbm>>
    %dma_wait3A_28 = tpu.memref_squeeze %dma_wait3A_27 : memref<1x2x128xi32, #tpu.memory_space<hbm>> -> memref<2x128xi32, #tpu.memory_space<hbm>>
    %dma_wait3A_29 = arith.constant 0 : i32
    %dma_wait3A_30 = arith.constant 0 : i32
    %dma_wait3A_31 = tpu.memref_slice %arg3[%add3A, %dma_wait3A_29, %dma_wait3A_30] : memref<2528x2x128xi32, #tpu.memory_space<hbm>> -> memref<1x2x128xi32, #tpu.memory_space<hbm>>
    %dma_wait3A_32 = tpu.memref_squeeze %dma_wait3A_31 : memref<1x2x128xi32, #tpu.memory_space<hbm>> -> memref<2x128xi32, #tpu.memory_space<hbm>>
    tpu.wait_dma2 semaphore(%arg13 : memref<!tpu.dma_semaphore, #tpu.memory_space<semaphore_mem>>) src(%dma_wait3A_32 : memref<2x128xi32, #tpu.memory_space<hbm>>) dst(%arg6 : memref<2x128xi32, #tpu.memory_space<vmem>>)
    %dma_start3A_33 = arith.constant 0 : i32
    %dma_start3A_34 = arith.constant 0 : i32
    %dma_start3A_35 = tpu.memref_slice %arg6[%dma_start3A_33, %dma_start3A_34] : memref<2x128xi32, #tpu.memory_space<vmem>> -> memref<1x128xi32, #tpu.memory_space<vmem>>
    %dma_start3A_36 = tpu.memref_squeeze %dma_start3A_35 : memref<1x128xi32, #tpu.memory_space<vmem>> -> memref<128xi32, #tpu.memory_space<vmem>>
    %dma_start3A_37 = arith.constant 0 : i32
    %dma_start3A_38 = arith.constant 0 : i32
    %dma_start3A_39 = tpu.memref_slice %arg2[%dma_start3A_37, %dma_start3A_38] : memref<10000x128xf32, #tpu.memory_space<hbm>> -> memref<10000x128xf32, #tpu.memory_space<hbm>>
    tpu.enqueue_indirect_dma source(%dma_start3A_39 : memref<10000x128xf32, #tpu.memory_space<hbm>>) target(%arg9 : memref<128x128xf32, #tpu.memory_space<vmem>>) offsets(%dma_start3A_36 : memref<128xi32, #tpu.memory_space<vmem>>) semaphore(%arg16 : memref<!tpu.dma_semaphore, #tpu.memory_space<semaphore_mem>>)
    %add3A_40 = arith.constant 3 : i32
    %add3A_41 = arith.addi %select_n3A, %add3A_40 : i32
    %jit3A_42 = arith.constant 3 : i32
    %div3A = arith.divsi %add3A_41, %jit3A_42 : i32
    %sign3A = arith.constant 0 : i32
    %sign3A_43 = arith.cmpi sgt, %add3A_41, %sign3A : i32
    %sign3A_44 = arith.extui %sign3A_43 : i1 to i32
    %sign3A_45 = arith.constant 0 : i32
    %sign3A_46 = arith.cmpi slt, %add3A_41, %sign3A_45 : i32
    %sign3A_47 = arith.extui %sign3A_46 : i1 to i32
    %sign3A_48 = arith.subi %sign3A_44, %sign3A_47 : i32
    %sign3A_49 = arith.constant 0 : i32
    %sign3A_50 = arith.cmpi sgt, %jit3A_42, %sign3A_49 : i32
    %sign3A_51 = arith.extui %sign3A_50 : i1 to i32
    %sign3A_52 = arith.constant 0 : i32
    %sign3A_53 = arith.cmpi slt, %jit3A_42, %sign3A_52 : i32
    %sign3A_54 = arith.extui %sign3A_53 : i1 to i32
    %sign3A_55 = arith.subi %sign3A_51, %sign3A_54 : i32
    %ne3A = arith.cmpi ne, %sign3A_48, %sign3A_55 : i32
    %rem3A = arith.remsi %add3A_41, %jit3A_42 : i32
    %ne3A_56 = arith.constant 0 : i32
    %ne3A_57 = arith.cmpi ne, %rem3A, %ne3A_56 : i32
    %and3A = arith.andi %ne3A, %ne3A_57 : i1
    %sub3A = arith.constant 1 : i32
    %sub3A_58 = arith.subi %div3A, %sub3A : i32
    %select_n3A_59 = arith.select %and3A, %sub3A_58, %div3A : i32
    %while3A = arith.constant 0 : i32
    %while3A_60 = arith.constant 0 : i32
    %while3A_61 = arith.subi %select_n3A_59, %while3A_60 : i32
    %while3A_62 = arith.addi %while3A_60, %while3A_61 : i32
    %while3A_63 = arith.constant 1 : i32
    %while3A_64 = arith.divsi %while3A_61, %while3A_63 : i32
    %while3A_65 = arith.muli %while3A_64, %while3A_63 : i32
    %while3A_66 = arith.addi %while3A_60, %while3A_65 : i32
    %while3A_67 = arith.constant 1 : i32
    scf.for %while3A_77 = %while3A_60 to %while3A_66 step %while3A_67  : i32 {
      %mul3A_78 = arith.constant 3 : i32
      %mul3A_79 = arith.muli %mul3A_78, %while3A_77 : i32
      %add3A_80 = arith.constant 0 : i32
      %add3A_81 = arith.addi %mul3A_79, %add3A_80 : i32
      %add3A_82 = arith.constant 1 : i32
      %add3A_83 = arith.addi %add3A_81, %add3A_82 : i32
      %lt3A = arith.cmpi slt, %add3A_83, %select_n3A : i32
      %convert_element_type3A = arith.extui %lt3A : i1 to i32
      %cond3A = arith.constant 0 : i32
      %cond3A_84 = arith.cmpi ne, %convert_element_type3A, %cond3A : i32
      scf.if %cond3A_84 {
        %dma_wait3A_150 = arith.constant 0 : i32
        %dma_wait3A_151 = arith.constant 0 : i32
        %dma_wait3A_152 = tpu.memref_slice %arg3[%add3A, %dma_wait3A_150, %dma_wait3A_151] : memref<2528x2x128xi32, #tpu.memory_space<hbm>> -> memref<1x2x128xi32, #tpu.memory_space<hbm>>
        %dma_wait3A_153 = tpu.memref_squeeze %dma_wait3A_152 : memref<1x2x128xi32, #tpu.memory_space<hbm>> -> memref<2x128xi32, #tpu.memory_space<hbm>>
        %dma_wait3A_154 = arith.constant 0 : i32
        %dma_wait3A_155 = arith.constant 0 : i32
        %dma_wait3A_156 = tpu.memref_slice %arg3[%add3A, %dma_wait3A_154, %dma_wait3A_155] : memref<2528x2x128xi32, #tpu.memory_space<hbm>> -> memref<1x2x128xi32, #tpu.memory_space<hbm>>
        %dma_wait3A_157 = tpu.memref_squeeze %dma_wait3A_156 : memref<1x2x128xi32, #tpu.memory_space<hbm>> -> memref<2x128xi32, #tpu.memory_space<hbm>>
        tpu.wait_dma2 semaphore(%arg14 : memref<!tpu.dma_semaphore, #tpu.memory_space<semaphore_mem>>) src(%dma_wait3A_157 : memref<2x128xi32, #tpu.memory_space<hbm>>) dst(%arg7 : memref<2x128xi32, #tpu.memory_space<vmem>>)
        %dma_start3A_158 = arith.constant 0 : i32
        %dma_start3A_159 = arith.constant 0 : i32
        %dma_start3A_160 = tpu.memref_slice %arg7[%dma_start3A_158, %dma_start3A_159] : memref<2x128xi32, #tpu.memory_space<vmem>> -> memref<1x128xi32, #tpu.memory_space<vmem>>
        %dma_start3A_161 = tpu.memref_squeeze %dma_start3A_160 : memref<1x128xi32, #tpu.memory_space<vmem>> -> memref<128xi32, #tpu.memory_space<vmem>>
        %dma_start3A_162 = arith.constant 0 : i32
        %dma_start3A_163 = arith.constant 0 : i32
        %dma_start3A_164 = tpu.memref_slice %arg2[%dma_start3A_162, %dma_start3A_163] : memref<10000x128xf32, #tpu.memory_space<hbm>> -> memref<10000x128xf32, #tpu.memory_space<hbm>>
        tpu.enqueue_indirect_dma source(%dma_start3A_164 : memref<10000x128xf32, #tpu.memory_space<hbm>>) target(%arg10 : memref<128x128xf32, #tpu.memory_space<vmem>>) offsets(%dma_start3A_161 : memref<128xi32, #tpu.memory_space<vmem>>) semaphore(%arg17 : memref<!tpu.dma_semaphore, #tpu.memory_space<semaphore_mem>>)
      } else {
      }
      %lt3A_85 = arith.cmpi slt, %add3A_81, %select_n3A : i32
      %convert_element_type3A_86 = arith.extui %lt3A_85 : i1 to i32
      %cond3A_87 = arith.constant 0 : i32
      %cond3A_88 = arith.cmpi ne, %convert_element_type3A_86, %cond3A_87 : i32
      scf.if %cond3A_88 {
        %dma_wait3A_150 = arith.constant 0 : i32
        %dma_wait3A_151 = arith.constant 0 : i32
        %dma_wait3A_152 = tpu.memref_slice %arg6[%dma_wait3A_150, %dma_wait3A_151] : memref<2x128xi32, #tpu.memory_space<vmem>> -> memref<1x128xi32, #tpu.memory_space<vmem>>
        %dma_wait3A_153 = tpu.memref_squeeze %dma_wait3A_152 : memref<1x128xi32, #tpu.memory_space<vmem>> -> memref<128xi32, #tpu.memory_space<vmem>>
        %dma_wait3A_154 = arith.constant 0 : i32
        %dma_wait3A_155 = arith.constant 0 : i32
        %dma_wait3A_156 = tpu.memref_slice %arg2[%dma_wait3A_154, %dma_wait3A_155] : memref<10000x128xf32, #tpu.memory_space<hbm>> -> memref<10000x128xf32, #tpu.memory_space<hbm>>
        tpu.wait_indirect_dma semaphore(%arg16 : memref<!tpu.dma_semaphore, #tpu.memory_space<semaphore_mem>>) src(%dma_wait3A_156 : memref<10000x128xf32, #tpu.memory_space<hbm>>) dst(%arg9 : memref<128x128xf32, #tpu.memory_space<vmem>>)
        %dma_start3A_157 = arith.constant 1 : i32
        %dma_start3A_158 = arith.constant 0 : i32
        %dma_start3A_159 = tpu.memref_slice %arg6[%dma_start3A_157, %dma_start3A_158] : memref<2x128xi32, #tpu.memory_space<vmem>> -> memref<1x128xi32, #tpu.memory_space<vmem>>
        %dma_start3A_160 = tpu.memref_squeeze %dma_start3A_159 : memref<1x128xi32, #tpu.memory_space<vmem>> -> memref<128xi32, #tpu.memory_space<vmem>>
        %dma_start3A_161 = arith.constant 0 : i32
        %dma_start3A_162 = arith.constant 0 : i32
        %dma_start3A_163 = tpu.memref_slice %arg12[%dma_start3A_161, %dma_start3A_162] : memref<10112x128xf32, #tpu.memory_space<vmem_shared>> -> memref<10112x128xf32, #tpu.memory_space<vmem_shared>>
        tpu.enqueue_indirect_dma source(%arg9 : memref<128x128xf32, #tpu.memory_space<vmem>>) target(%dma_start3A_163 : memref<10112x128xf32, #tpu.memory_space<vmem_shared>>) offsets(%dma_start3A_160 : memref<128xi32, #tpu.memory_space<vmem>>) semaphore(%arg19 : memref<!tpu.dma_semaphore, #tpu.memory_space<semaphore_mem>>) {add = true}
      } else {
      }
      %ge3A = arith.constant 1 : i32
      %ge3A_89 = arith.cmpi sge, %add3A_81, %ge3A : i32
      %le3A = arith.cmpi sle, %add3A_81, %select_n3A : i32
      %and3A_90 = arith.andi %ge3A_89, %le3A : i1
      %convert_element_type3A_91 = arith.extui %and3A_90 : i1 to i32
      %cond3A_92 = arith.constant 0 : i32
      %cond3A_93 = arith.cmpi ne, %convert_element_type3A_91, %cond3A_92 : i32
      scf.if %cond3A_93 {
        %dma_wait3A_150 = arith.constant 1 : i32
        %dma_wait3A_151 = arith.constant 0 : i32
        %dma_wait3A_152 = tpu.memref_slice %arg8[%dma_wait3A_150, %dma_wait3A_151] : memref<2x128xi32, #tpu.memory_space<vmem>> -> memref<1x128xi32, #tpu.memory_space<vmem>>
        %dma_wait3A_153 = tpu.memref_squeeze %dma_wait3A_152 : memref<1x128xi32, #tpu.memory_space<vmem>> -> memref<128xi32, #tpu.memory_space<vmem>>
        %dma_wait3A_154 = arith.constant 0 : i32
        %dma_wait3A_155 = arith.constant 0 : i32
        %dma_wait3A_156 = tpu.memref_slice %arg12[%dma_wait3A_154, %dma_wait3A_155] : memref<10112x128xf32, #tpu.memory_space<vmem_shared>> -> memref<10112x128xf32, #tpu.memory_space<vmem_shared>>
        tpu.wait_indirect_dma semaphore(%arg21 : memref<!tpu.dma_semaphore, #tpu.memory_space<semaphore_mem>>) src(%arg11 : memref<128x128xf32, #tpu.memory_space<vmem>>) dst(%dma_wait3A_156 : memref<10112x128xf32, #tpu.memory_space<vmem_shared>>)
      } else {
      }
      %add3A_94 = arith.constant 2 : i32
      %add3A_95 = arith.addi %add3A_81, %add3A_94 : i32
      %lt3A_96 = arith.cmpi slt, %add3A_95, %select_n3A : i32
      %convert_element_type3A_97 = arith.extui %lt3A_96 : i1 to i32
      %cond3A_98 = arith.constant 0 : i32
      %cond3A_99 = arith.cmpi ne, %convert_element_type3A_97, %cond3A_98 : i32
      scf.if %cond3A_99 {
        %add3A_150 = arith.constant 2 : i32
        %add3A_151 = arith.addi %add3A_81, %add3A_150 : i32
        %add3A_152 = arith.addi %add3A, %add3A_151 : i32
        %dma_start3A_153 = arith.constant 0 : i32
        %dma_start3A_154 = arith.constant 0 : i32
        %dma_start3A_155 = tpu.memref_slice %arg3[%add3A_152, %dma_start3A_153, %dma_start3A_154] : memref<2528x2x128xi32, #tpu.memory_space<hbm>> -> memref<1x2x128xi32, #tpu.memory_space<hbm>>
        %dma_start3A_156 = tpu.memref_squeeze %dma_start3A_155 : memref<1x2x128xi32, #tpu.memory_space<hbm>> -> memref<2x128xi32, #tpu.memory_space<hbm>>
        %dma_start3A_157 = arith.constant 0 : i32
        %dma_start3A_158 = arith.constant 0 : i32
        %dma_start3A_159 = tpu.memref_slice %arg3[%add3A_152, %dma_start3A_157, %dma_start3A_158] : memref<2528x2x128xi32, #tpu.memory_space<hbm>> -> memref<1x2x128xi32, #tpu.memory_space<hbm>>
        %dma_start3A_160 = tpu.memref_squeeze %dma_start3A_159 : memref<1x2x128xi32, #tpu.memory_space<hbm>> -> memref<2x128xi32, #tpu.memory_space<hbm>>
        tpu.enqueue_dma source(%dma_start3A_160 : memref<2x128xi32, #tpu.memory_space<hbm>>) target(%arg8 : memref<2x128xi32, #tpu.memory_space<vmem>>) target_semaphore(%arg15 : memref<!tpu.dma_semaphore, #tpu.memory_space<semaphore_mem>>)
      } else {
      }
      %add3A_100 = arith.constant 1 : i32
      %add3A_101 = arith.addi %mul3A_79, %add3A_100 : i32
      %add3A_102 = arith.constant 1 : i32
      %add3A_103 = arith.addi %add3A_101, %add3A_102 : i32
      %lt3A_104 = arith.cmpi slt, %add3A_103, %select_n3A : i32
      %convert_element_type3A_105 = arith.extui %lt3A_104 : i1 to i32
      %cond3A_106 = arith.constant 0 : i32
      %cond3A_107 = arith.cmpi ne, %convert_element_type3A_105, %cond3A_106 : i32
      scf.if %cond3A_107 {
        %dma_wait3A_150 = arith.constant 0 : i32
        %dma_wait3A_151 = arith.constant 0 : i32
        %dma_wait3A_152 = tpu.memref_slice %arg3[%add3A, %dma_wait3A_150, %dma_wait3A_151] : memref<2528x2x128xi32, #tpu.memory_space<hbm>> -> memref<1x2x128xi32, #tpu.memory_space<hbm>>
        %dma_wait3A_153 = tpu.memref_squeeze %dma_wait3A_152 : memref<1x2x128xi32, #tpu.memory_space<hbm>> -> memref<2x128xi32, #tpu.memory_space<hbm>>
        %dma_wait3A_154 = arith.constant 0 : i32
        %dma_wait3A_155 = arith.constant 0 : i32
        %dma_wait3A_156 = tpu.memref_slice %arg3[%add3A, %dma_wait3A_154, %dma_wait3A_155] : memref<2528x2x128xi32, #tpu.memory_space<hbm>> -> memref<1x2x128xi32, #tpu.memory_space<hbm>>
        %dma_wait3A_157 = tpu.memref_squeeze %dma_wait3A_156 : memref<1x2x128xi32, #tpu.memory_space<hbm>> -> memref<2x128xi32, #tpu.memory_space<hbm>>
        tpu.wait_dma2 semaphore(%arg15 : memref<!tpu.dma_semaphore, #tpu.memory_space<semaphore_mem>>) src(%dma_wait3A_157 : memref<2x128xi32, #tpu.memory_space<hbm>>) dst(%arg8 : memref<2x128xi32, #tpu.memory_space<vmem>>)
        %dma_start3A_158 = arith.constant 0 : i32
        %dma_start3A_159 = arith.constant 0 : i32
        %dma_start3A_160 = tpu.memref_slice %arg8[%dma_start3A_158, %dma_start3A_159] : memref<2x128xi32, #tpu.memory_space<vmem>> -> memref<1x128xi32, #tpu.memory_space<vmem>>
        %dma_start3A_161 = tpu.memref_squeeze %dma_start3A_160 : memref<1x128xi32, #tpu.memory_space<vmem>> -> memref<128xi32, #tpu.memory_space<vmem>>
        %dma_start3A_162 = arith.constant 0 : i32
        %dma_start3A_163 = arith.constant 0 : i32
        %dma_start3A_164 = tpu.memref_slice %arg2[%dma_start3A_162, %dma_start3A_163] : memref<10000x128xf32, #tpu.memory_space<hbm>> -> memref<10000x128xf32, #tpu.memory_space<hbm>>
        tpu.enqueue_indirect_dma source(%dma_start3A_164 : memref<10000x128xf32, #tpu.memory_space<hbm>>) target(%arg11 : memref<128x128xf32, #tpu.memory_space<vmem>>) offsets(%dma_start3A_161 : memref<128xi32, #tpu.memory_space<vmem>>) semaphore(%arg18 : memref<!tpu.dma_semaphore, #tpu.memory_space<semaphore_mem>>)
      } else {
      }
      %lt3A_108 = arith.cmpi slt, %add3A_101, %select_n3A : i32
      %convert_element_type3A_109 = arith.extui %lt3A_108 : i1 to i32
      %cond3A_110 = arith.constant 0 : i32
      %cond3A_111 = arith.cmpi ne, %convert_element_type3A_109, %cond3A_110 : i32
      scf.if %cond3A_111 {
        %dma_wait3A_150 = arith.constant 0 : i32
        %dma_wait3A_151 = arith.constant 0 : i32
        %dma_wait3A_152 = tpu.memref_slice %arg7[%dma_wait3A_150, %dma_wait3A_151] : memref<2x128xi32, #tpu.memory_space<vmem>> -> memref<1x128xi32, #tpu.memory_space<vmem>>
        %dma_wait3A_153 = tpu.memref_squeeze %dma_wait3A_152 : memref<1x128xi32, #tpu.memory_space<vmem>> -> memref<128xi32, #tpu.memory_space<vmem>>
        %dma_wait3A_154 = arith.constant 0 : i32
        %dma_wait3A_155 = arith.constant 0 : i32
        %dma_wait3A_156 = tpu.memref_slice %arg2[%dma_wait3A_154, %dma_wait3A_155] : memref<10000x128xf32, #tpu.memory_space<hbm>> -> memref<10000x128xf32, #tpu.memory_space<hbm>>
        tpu.wait_indirect_dma semaphore(%arg17 : memref<!tpu.dma_semaphore, #tpu.memory_space<semaphore_mem>>) src(%dma_wait3A_156 : memref<10000x128xf32, #tpu.memory_space<hbm>>) dst(%arg10 : memref<128x128xf32, #tpu.memory_space<vmem>>)
        %dma_start3A_157 = arith.constant 1 : i32
        %dma_start3A_158 = arith.constant 0 : i32
        %dma_start3A_159 = tpu.memref_slice %arg7[%dma_start3A_157, %dma_start3A_158] : memref<2x128xi32, #tpu.memory_space<vmem>> -> memref<1x128xi32, #tpu.memory_space<vmem>>
        %dma_start3A_160 = tpu.memref_squeeze %dma_start3A_159 : memref<1x128xi32, #tpu.memory_space<vmem>> -> memref<128xi32, #tpu.memory_space<vmem>>
        %dma_start3A_161 = arith.constant 0 : i32
        %dma_start3A_162 = arith.constant 0 : i32
        %dma_start3A_163 = tpu.memref_slice %arg12[%dma_start3A_161, %dma_start3A_162] : memref<10112x128xf32, #tpu.memory_space<vmem_shared>> -> memref<10112x128xf32, #tpu.memory_space<vmem_shared>>
        tpu.enqueue_indirect_dma source(%arg10 : memref<128x128xf32, #tpu.memory_space<vmem>>) target(%dma_start3A_163 : memref<10112x128xf32, #tpu.memory_space<vmem_shared>>) offsets(%dma_start3A_160 : memref<128xi32, #tpu.memory_space<vmem>>) semaphore(%arg20 : memref<!tpu.dma_semaphore, #tpu.memory_space<semaphore_mem>>) {add = true}
      } else {
      }
      %ge3A_112 = arith.constant 1 : i32
      %ge3A_113 = arith.cmpi sge, %add3A_101, %ge3A_112 : i32
      %le3A_114 = arith.cmpi sle, %add3A_101, %select_n3A : i32
      %and3A_115 = arith.andi %ge3A_113, %le3A_114 : i1
      %convert_element_type3A_116 = arith.extui %and3A_115 : i1 to i32
      %cond3A_117 = arith.constant 0 : i32
      %cond3A_118 = arith.cmpi ne, %convert_element_type3A_116, %cond3A_117 : i32
      scf.if %cond3A_118 {
        %dma_wait3A_150 = arith.constant 1 : i32
        %dma_wait3A_151 = arith.constant 0 : i32
        %dma_wait3A_152 = tpu.memref_slice %arg6[%dma_wait3A_150, %dma_wait3A_151] : memref<2x128xi32, #tpu.memory_space<vmem>> -> memref<1x128xi32, #tpu.memory_space<vmem>>
        %dma_wait3A_153 = tpu.memref_squeeze %dma_wait3A_152 : memref<1x128xi32, #tpu.memory_space<vmem>> -> memref<128xi32, #tpu.memory_space<vmem>>
        %dma_wait3A_154 = arith.constant 0 : i32
        %dma_wait3A_155 = arith.constant 0 : i32
        %dma_wait3A_156 = tpu.memref_slice %arg12[%dma_wait3A_154, %dma_wait3A_155] : memref<10112x128xf32, #tpu.memory_space<vmem_shared>> -> memref<10112x128xf32, #tpu.memory_space<vmem_shared>>
        tpu.wait_indirect_dma semaphore(%arg19 : memref<!tpu.dma_semaphore, #tpu.memory_space<semaphore_mem>>) src(%arg9 : memref<128x128xf32, #tpu.memory_space<vmem>>) dst(%dma_wait3A_156 : memref<10112x128xf32, #tpu.memory_space<vmem_shared>>)
      } else {
      }
      %add3A_119 = arith.constant 2 : i32
      %add3A_120 = arith.addi %add3A_101, %add3A_119 : i32
      %lt3A_121 = arith.cmpi slt, %add3A_120, %select_n3A : i32
      %convert_element_type3A_122 = arith.extui %lt3A_121 : i1 to i32
      %cond3A_123 = arith.constant 0 : i32
      %cond3A_124 = arith.cmpi ne, %convert_element_type3A_122, %cond3A_123 : i32
      scf.if %cond3A_124 {
        %add3A_150 = arith.constant 2 : i32
        %add3A_151 = arith.addi %add3A_101, %add3A_150 : i32
        %add3A_152 = arith.addi %add3A, %add3A_151 : i32
        %dma_start3A_153 = arith.constant 0 : i32
        %dma_start3A_154 = arith.constant 0 : i32
        %dma_start3A_155 = tpu.memref_slice %arg3[%add3A_152, %dma_start3A_153, %dma_start3A_154] : memref<2528x2x128xi32, #tpu.memory_space<hbm>> -> memref<1x2x128xi32, #tpu.memory_space<hbm>>
        %dma_start3A_156 = tpu.memref_squeeze %dma_start3A_155 : memref<1x2x128xi32, #tpu.memory_space<hbm>> -> memref<2x128xi32, #tpu.memory_space<hbm>>
        %dma_start3A_157 = arith.constant 0 : i32
        %dma_start3A_158 = arith.constant 0 : i32
        %dma_start3A_159 = tpu.memref_slice %arg3[%add3A_152, %dma_start3A_157, %dma_start3A_158] : memref<2528x2x128xi32, #tpu.memory_space<hbm>> -> memref<1x2x128xi32, #tpu.memory_space<hbm>>
        %dma_start3A_160 = tpu.memref_squeeze %dma_start3A_159 : memref<1x2x128xi32, #tpu.memory_space<hbm>> -> memref<2x128xi32, #tpu.memory_space<hbm>>
        tpu.enqueue_dma source(%dma_start3A_160 : memref<2x128xi32, #tpu.memory_space<hbm>>) target(%arg6 : memref<2x128xi32, #tpu.memory_space<vmem>>) target_semaphore(%arg13 : memref<!tpu.dma_semaphore, #tpu.memory_space<semaphore_mem>>)
      } else {
      }
      %add3A_125 = arith.constant 2 : i32
      %add3A_126 = arith.addi %mul3A_79, %add3A_125 : i32
      %add3A_127 = arith.constant 1 : i32
      %add3A_128 = arith.addi %add3A_126, %add3A_127 : i32
      %lt3A_129 = arith.cmpi slt, %add3A_128, %select_n3A : i32
      %convert_element_type3A_130 = arith.extui %lt3A_129 : i1 to i32
      %cond3A_131 = arith.constant 0 : i32
      %cond3A_132 = arith.cmpi ne, %convert_element_type3A_130, %cond3A_131 : i32
      scf.if %cond3A_132 {
        %dma_wait3A_150 = arith.constant 0 : i32
        %dma_wait3A_151 = arith.constant 0 : i32
        %dma_wait3A_152 = tpu.memref_slice %arg3[%add3A, %dma_wait3A_150, %dma_wait3A_151] : memref<2528x2x128xi32, #tpu.memory_space<hbm>> -> memref<1x2x128xi32, #tpu.memory_space<hbm>>
        %dma_wait3A_153 = tpu.memref_squeeze %dma_wait3A_152 : memref<1x2x128xi32, #tpu.memory_space<hbm>> -> memref<2x128xi32, #tpu.memory_space<hbm>>
        %dma_wait3A_154 = arith.constant 0 : i32
        %dma_wait3A_155 = arith.constant 0 : i32
        %dma_wait3A_156 = tpu.memref_slice %arg3[%add3A, %dma_wait3A_154, %dma_wait3A_155] : memref<2528x2x128xi32, #tpu.memory_space<hbm>> -> memref<1x2x128xi32, #tpu.memory_space<hbm>>
        %dma_wait3A_157 = tpu.memref_squeeze %dma_wait3A_156 : memref<1x2x128xi32, #tpu.memory_space<hbm>> -> memref<2x128xi32, #tpu.memory_space<hbm>>
        tpu.wait_dma2 semaphore(%arg13 : memref<!tpu.dma_semaphore, #tpu.memory_space<semaphore_mem>>) src(%dma_wait3A_157 : memref<2x128xi32, #tpu.memory_space<hbm>>) dst(%arg6 : memref<2x128xi32, #tpu.memory_space<vmem>>)
        %dma_start3A_158 = arith.constant 0 : i32
        %dma_start3A_159 = arith.constant 0 : i32
        %dma_start3A_160 = tpu.memref_slice %arg6[%dma_start3A_158, %dma_start3A_159] : memref<2x128xi32, #tpu.memory_space<vmem>> -> memref<1x128xi32, #tpu.memory_space<vmem>>
        %dma_start3A_161 = tpu.memref_squeeze %dma_start3A_160 : memref<1x128xi32, #tpu.memory_space<vmem>> -> memref<128xi32, #tpu.memory_space<vmem>>
        %dma_start3A_162 = arith.constant 0 : i32
        %dma_start3A_163 = arith.constant 0 : i32
        %dma_start3A_164 = tpu.memref_slice %arg2[%dma_start3A_162, %dma_start3A_163] : memref<10000x128xf32, #tpu.memory_space<hbm>> -> memref<10000x128xf32, #tpu.memory_space<hbm>>
        tpu.enqueue_indirect_dma source(%dma_start3A_164 : memref<10000x128xf32, #tpu.memory_space<hbm>>) target(%arg9 : memref<128x128xf32, #tpu.memory_space<vmem>>) offsets(%dma_start3A_161 : memref<128xi32, #tpu.memory_space<vmem>>) semaphore(%arg16 : memref<!tpu.dma_semaphore, #tpu.memory_space<semaphore_mem>>)
      } else {
      }
      %lt3A_133 = arith.cmpi slt, %add3A_126, %select_n3A : i32
      %convert_element_type3A_134 = arith.extui %lt3A_133 : i1 to i32
      %cond3A_135 = arith.constant 0 : i32
      %cond3A_136 = arith.cmpi ne, %convert_element_type3A_134, %cond3A_135 : i32
      scf.if %cond3A_136 {
        %dma_wait3A_150 = arith.constant 0 : i32
        %dma_wait3A_151 = arith.constant 0 : i32
        %dma_wait3A_152 = tpu.memref_slice %arg8[%dma_wait3A_150, %dma_wait3A_151] : memref<2x128xi32, #tpu.memory_space<vmem>> -> memref<1x128xi32, #tpu.memory_space<vmem>>
        %dma_wait3A_153 = tpu.memref_squeeze %dma_wait3A_152 : memref<1x128xi32, #tpu.memory_space<vmem>> -> memref<128xi32, #tpu.memory_space<vmem>>
        %dma_wait3A_154 = arith.constant 0 : i32
        %dma_wait3A_155 = arith.constant 0 : i32
        %dma_wait3A_156 = tpu.memref_slice %arg2[%dma_wait3A_154, %dma_wait3A_155] : memref<10000x128xf32, #tpu.memory_space<hbm>> -> memref<10000x128xf32, #tpu.memory_space<hbm>>
        tpu.wait_indirect_dma semaphore(%arg18 : memref<!tpu.dma_semaphore, #tpu.memory_space<semaphore_mem>>) src(%dma_wait3A_156 : memref<10000x128xf32, #tpu.memory_space<hbm>>) dst(%arg11 : memref<128x128xf32, #tpu.memory_space<vmem>>)
        %dma_start3A_157 = arith.constant 1 : i32
        %dma_start3A_158 = arith.constant 0 : i32
        %dma_start3A_159 = tpu.memref_slice %arg8[%dma_start3A_157, %dma_start3A_158] : memref<2x128xi32, #tpu.memory_space<vmem>> -> memref<1x128xi32, #tpu.memory_space<vmem>>
        %dma_start3A_160 = tpu.memref_squeeze %dma_start3A_159 : memref<1x128xi32, #tpu.memory_space<vmem>> -> memref<128xi32, #tpu.memory_space<vmem>>
        %dma_start3A_161 = arith.constant 0 : i32
        %dma_start3A_162 = arith.constant 0 : i32
        %dma_start3A_163 = tpu.memref_slice %arg12[%dma_start3A_161, %dma_start3A_162] : memref<10112x128xf32, #tpu.memory_space<vmem_shared>> -> memref<10112x128xf32, #tpu.memory_space<vmem_shared>>
        tpu.enqueue_indirect_dma source(%arg11 : memref<128x128xf32, #tpu.memory_space<vmem>>) target(%dma_start3A_163 : memref<10112x128xf32, #tpu.memory_space<vmem_shared>>) offsets(%dma_start3A_160 : memref<128xi32, #tpu.memory_space<vmem>>) semaphore(%arg21 : memref<!tpu.dma_semaphore, #tpu.memory_space<semaphore_mem>>) {add = true}
      } else {
      }
      %ge3A_137 = arith.constant 1 : i32
      %ge3A_138 = arith.cmpi sge, %add3A_126, %ge3A_137 : i32
      %le3A_139 = arith.cmpi sle, %add3A_126, %select_n3A : i32
      %and3A_140 = arith.andi %ge3A_138, %le3A_139 : i1
      %convert_element_type3A_141 = arith.extui %and3A_140 : i1 to i32
      %cond3A_142 = arith.constant 0 : i32
      %cond3A_143 = arith.cmpi ne, %convert_element_type3A_141, %cond3A_142 : i32
      scf.if %cond3A_143 {
        %dma_wait3A_150 = arith.constant 1 : i32
        %dma_wait3A_151 = arith.constant 0 : i32
        %dma_wait3A_152 = tpu.memref_slice %arg7[%dma_wait3A_150, %dma_wait3A_151] : memref<2x128xi32, #tpu.memory_space<vmem>> -> memref<1x128xi32, #tpu.memory_space<vmem>>
        %dma_wait3A_153 = tpu.memref_squeeze %dma_wait3A_152 : memref<1x128xi32, #tpu.memory_space<vmem>> -> memref<128xi32, #tpu.memory_space<vmem>>
        %dma_wait3A_154 = arith.constant 0 : i32
        %dma_wait3A_155 = arith.constant 0 : i32
        %dma_wait3A_156 = tpu.memref_slice %arg12[%dma_wait3A_154, %dma_wait3A_155] : memref<10112x128xf32, #tpu.memory_space<vmem_shared>> -> memref<10112x128xf32, #tpu.memory_space<vmem_shared>>
        tpu.wait_indirect_dma semaphore(%arg20 : memref<!tpu.dma_semaphore, #tpu.memory_space<semaphore_mem>>) src(%arg10 : memref<128x128xf32, #tpu.memory_space<vmem>>) dst(%dma_wait3A_156 : memref<10112x128xf32, #tpu.memory_space<vmem_shared>>)
      } else {
      }
      %add3A_144 = arith.constant 2 : i32
      %add3A_145 = arith.addi %add3A_126, %add3A_144 : i32
      %lt3A_146 = arith.cmpi slt, %add3A_145, %select_n3A : i32
      %convert_element_type3A_147 = arith.extui %lt3A_146 : i1 to i32
      %cond3A_148 = arith.constant 0 : i32
      %cond3A_149 = arith.cmpi ne, %convert_element_type3A_147, %cond3A_148 : i32
      scf.if %cond3A_149 {
        %add3A_150 = arith.constant 2 : i32
        %add3A_151 = arith.addi %add3A_126, %add3A_150 : i32
        %add3A_152 = arith.addi %add3A, %add3A_151 : i32
        %dma_start3A_153 = arith.constant 0 : i32
        %dma_start3A_154 = arith.constant 0 : i32
        %dma_start3A_155 = tpu.memref_slice %arg3[%add3A_152, %dma_start3A_153, %dma_start3A_154] : memref<2528x2x128xi32, #tpu.memory_space<hbm>> -> memref<1x2x128xi32, #tpu.memory_space<hbm>>
        %dma_start3A_156 = tpu.memref_squeeze %dma_start3A_155 : memref<1x2x128xi32, #tpu.memory_space<hbm>> -> memref<2x128xi32, #tpu.memory_space<hbm>>
        %dma_start3A_157 = arith.constant 0 : i32
        %dma_start3A_158 = arith.constant 0 : i32
        %dma_start3A_159 = tpu.memref_slice %arg3[%add3A_152, %dma_start3A_157, %dma_start3A_158] : memref<2528x2x128xi32, #tpu.memory_space<hbm>> -> memref<1x2x128xi32, #tpu.memory_space<hbm>>
        %dma_start3A_160 = tpu.memref_squeeze %dma_start3A_159 : memref<1x2x128xi32, #tpu.memory_space<hbm>> -> memref<2x128xi32, #tpu.memory_space<hbm>>
        tpu.enqueue_dma source(%dma_start3A_160 : memref<2x128xi32, #tpu.memory_space<hbm>>) target(%arg7 : memref<2x128xi32, #tpu.memory_space<vmem>>) target_semaphore(%arg14 : memref<!tpu.dma_semaphore, #tpu.memory_space<semaphore_mem>>)
      } else {
      }
    }
    %while3A_68 = arith.constant 1 : i32
    scf.for %while3A_77 = %while3A_66 to %while3A_62 step %while3A_68  : i32 {
      %mul3A_78 = arith.constant 3 : i32
      %mul3A_79 = arith.muli %mul3A_78, %while3A_77 : i32
      %add3A_80 = arith.constant 0 : i32
      %add3A_81 = arith.addi %mul3A_79, %add3A_80 : i32
      %add3A_82 = arith.constant 1 : i32
      %add3A_83 = arith.addi %add3A_81, %add3A_82 : i32
      %lt3A = arith.cmpi slt, %add3A_83, %select_n3A : i32
      %convert_element_type3A = arith.extui %lt3A : i1 to i32
      %cond3A = arith.constant 0 : i32
      %cond3A_84 = arith.cmpi ne, %convert_element_type3A, %cond3A : i32
      scf.if %cond3A_84 {
        %dma_wait3A_150 = arith.constant 0 : i32
        %dma_wait3A_151 = arith.constant 0 : i32
        %dma_wait3A_152 = tpu.memref_slice %arg3[%add3A, %dma_wait3A_150, %dma_wait3A_151] : memref<2528x2x128xi32, #tpu.memory_space<hbm>> -> memref<1x2x128xi32, #tpu.memory_space<hbm>>
        %dma_wait3A_153 = tpu.memref_squeeze %dma_wait3A_152 : memref<1x2x128xi32, #tpu.memory_space<hbm>> -> memref<2x128xi32, #tpu.memory_space<hbm>>
        %dma_wait3A_154 = arith.constant 0 : i32
        %dma_wait3A_155 = arith.constant 0 : i32
        %dma_wait3A_156 = tpu.memref_slice %arg3[%add3A, %dma_wait3A_154, %dma_wait3A_155] : memref<2528x2x128xi32, #tpu.memory_space<hbm>> -> memref<1x2x128xi32, #tpu.memory_space<hbm>>
        %dma_wait3A_157 = tpu.memref_squeeze %dma_wait3A_156 : memref<1x2x128xi32, #tpu.memory_space<hbm>> -> memref<2x128xi32, #tpu.memory_space<hbm>>
        tpu.wait_dma2 semaphore(%arg14 : memref<!tpu.dma_semaphore, #tpu.memory_space<semaphore_mem>>) src(%dma_wait3A_157 : memref<2x128xi32, #tpu.memory_space<hbm>>) dst(%arg7 : memref<2x128xi32, #tpu.memory_space<vmem>>)
        %dma_start3A_158 = arith.constant 0 : i32
        %dma_start3A_159 = arith.constant 0 : i32
        %dma_start3A_160 = tpu.memref_slice %arg7[%dma_start3A_158, %dma_start3A_159] : memref<2x128xi32, #tpu.memory_space<vmem>> -> memref<1x128xi32, #tpu.memory_space<vmem>>
        %dma_start3A_161 = tpu.memref_squeeze %dma_start3A_160 : memref<1x128xi32, #tpu.memory_space<vmem>> -> memref<128xi32, #tpu.memory_space<vmem>>
        %dma_start3A_162 = arith.constant 0 : i32
        %dma_start3A_163 = arith.constant 0 : i32
        %dma_start3A_164 = tpu.memref_slice %arg2[%dma_start3A_162, %dma_start3A_163] : memref<10000x128xf32, #tpu.memory_space<hbm>> -> memref<10000x128xf32, #tpu.memory_space<hbm>>
        tpu.enqueue_indirect_dma source(%dma_start3A_164 : memref<10000x128xf32, #tpu.memory_space<hbm>>) target(%arg10 : memref<128x128xf32, #tpu.memory_space<vmem>>) offsets(%dma_start3A_161 : memref<128xi32, #tpu.memory_space<vmem>>) semaphore(%arg17 : memref<!tpu.dma_semaphore, #tpu.memory_space<semaphore_mem>>)
      } else {
      }
      %lt3A_85 = arith.cmpi slt, %add3A_81, %select_n3A : i32
      %convert_element_type3A_86 = arith.extui %lt3A_85 : i1 to i32
      %cond3A_87 = arith.constant 0 : i32
      %cond3A_88 = arith.cmpi ne, %convert_element_type3A_86, %cond3A_87 : i32
      scf.if %cond3A_88 {
        %dma_wait3A_150 = arith.constant 0 : i32
        %dma_wait3A_151 = arith.constant 0 : i32
        %dma_wait3A_152 = tpu.memref_slice %arg6[%dma_wait3A_150, %dma_wait3A_151] : memref<2x128xi32, #tpu.memory_space<vmem>> -> memref<1x128xi32, #tpu.memory_space<vmem>>
        %dma_wait3A_153 = tpu.memref_squeeze %dma_wait3A_152 : memref<1x128xi32, #tpu.memory_space<vmem>> -> memref<128xi32, #tpu.memory_space<vmem>>
        %dma_wait3A_154 = arith.constant 0 : i32
        %dma_wait3A_155 = arith.constant 0 : i32
        %dma_wait3A_156 = tpu.memref_slice %arg2[%dma_wait3A_154, %dma_wait3A_155] : memref<10000x128xf32, #tpu.memory_space<hbm>> -> memref<10000x128xf32, #tpu.memory_space<hbm>>
        tpu.wait_indirect_dma semaphore(%arg16 : memref<!tpu.dma_semaphore, #tpu.memory_space<semaphore_mem>>) src(%dma_wait3A_156 : memref<10000x128xf32, #tpu.memory_space<hbm>>) dst(%arg9 : memref<128x128xf32, #tpu.memory_space<vmem>>)
        %dma_start3A_157 = arith.constant 1 : i32
        %dma_start3A_158 = arith.constant 0 : i32
        %dma_start3A_159 = tpu.memref_slice %arg6[%dma_start3A_157, %dma_start3A_158] : memref<2x128xi32, #tpu.memory_space<vmem>> -> memref<1x128xi32, #tpu.memory_space<vmem>>
        %dma_start3A_160 = tpu.memref_squeeze %dma_start3A_159 : memref<1x128xi32, #tpu.memory_space<vmem>> -> memref<128xi32, #tpu.memory_space<vmem>>
        %dma_start3A_161 = arith.constant 0 : i32
        %dma_start3A_162 = arith.constant 0 : i32
        %dma_start3A_163 = tpu.memref_slice %arg12[%dma_start3A_161, %dma_start3A_162] : memref<10112x128xf32, #tpu.memory_space<vmem_shared>> -> memref<10112x128xf32, #tpu.memory_space<vmem_shared>>
        tpu.enqueue_indirect_dma source(%arg9 : memref<128x128xf32, #tpu.memory_space<vmem>>) target(%dma_start3A_163 : memref<10112x128xf32, #tpu.memory_space<vmem_shared>>) offsets(%dma_start3A_160 : memref<128xi32, #tpu.memory_space<vmem>>) semaphore(%arg19 : memref<!tpu.dma_semaphore, #tpu.memory_space<semaphore_mem>>) {add = true}
      } else {
      }
      %ge3A = arith.constant 1 : i32
      %ge3A_89 = arith.cmpi sge, %add3A_81, %ge3A : i32
      %le3A = arith.cmpi sle, %add3A_81, %select_n3A : i32
      %and3A_90 = arith.andi %ge3A_89, %le3A : i1
      %convert_element_type3A_91 = arith.extui %and3A_90 : i1 to i32
      %cond3A_92 = arith.constant 0 : i32
      %cond3A_93 = arith.cmpi ne, %convert_element_type3A_91, %cond3A_92 : i32
      scf.if %cond3A_93 {
        %dma_wait3A_150 = arith.constant 1 : i32
        %dma_wait3A_151 = arith.constant 0 : i32
        %dma_wait3A_152 = tpu.memref_slice %arg8[%dma_wait3A_150, %dma_wait3A_151] : memref<2x128xi32, #tpu.memory_space<vmem>> -> memref<1x128xi32, #tpu.memory_space<vmem>>
        %dma_wait3A_153 = tpu.memref_squeeze %dma_wait3A_152 : memref<1x128xi32, #tpu.memory_space<vmem>> -> memref<128xi32, #tpu.memory_space<vmem>>
        %dma_wait3A_154 = arith.constant 0 : i32
        %dma_wait3A_155 = arith.constant 0 : i32
        %dma_wait3A_156 = tpu.memref_slice %arg12[%dma_wait3A_154, %dma_wait3A_155] : memref<10112x128xf32, #tpu.memory_space<vmem_shared>> -> memref<10112x128xf32, #tpu.memory_space<vmem_shared>>
        tpu.wait_indirect_dma semaphore(%arg21 : memref<!tpu.dma_semaphore, #tpu.memory_space<semaphore_mem>>) src(%arg11 : memref<128x128xf32, #tpu.memory_space<vmem>>) dst(%dma_wait3A_156 : memref<10112x128xf32, #tpu.memory_space<vmem_shared>>)
      } else {
      }
      %add3A_94 = arith.constant 2 : i32
      %add3A_95 = arith.addi %add3A_81, %add3A_94 : i32
      %lt3A_96 = arith.cmpi slt, %add3A_95, %select_n3A : i32
      %convert_element_type3A_97 = arith.extui %lt3A_96 : i1 to i32
      %cond3A_98 = arith.constant 0 : i32
      %cond3A_99 = arith.cmpi ne, %convert_element_type3A_97, %cond3A_98 : i32
      scf.if %cond3A_99 {
        %add3A_150 = arith.constant 2 : i32
        %add3A_151 = arith.addi %add3A_81, %add3A_150 : i32
        %add3A_152 = arith.addi %add3A, %add3A_151 : i32
        %dma_start3A_153 = arith.constant 0 : i32
        %dma_start3A_154 = arith.constant 0 : i32
        %dma_start3A_155 = tpu.memref_slice %arg3[%add3A_152, %dma_start3A_153, %dma_start3A_154] : memref<2528x2x128xi32, #tpu.memory_space<hbm>> -> memref<1x2x128xi32, #tpu.memory_space<hbm>>
        %dma_start3A_156 = tpu.memref_squeeze %dma_start3A_155 : memref<1x2x128xi32, #tpu.memory_space<hbm>> -> memref<2x128xi32, #tpu.memory_space<hbm>>
        %dma_start3A_157 = arith.constant 0 : i32
        %dma_start3A_158 = arith.constant 0 : i32
        %dma_start3A_159 = tpu.memref_slice %arg3[%add3A_152, %dma_start3A_157, %dma_start3A_158] : memref<2528x2x128xi32, #tpu.memory_space<hbm>> -> memref<1x2x128xi32, #tpu.memory_space<hbm>>
        %dma_start3A_160 = tpu.memref_squeeze %dma_start3A_159 : memref<1x2x128xi32, #tpu.memory_space<hbm>> -> memref<2x128xi32, #tpu.memory_space<hbm>>
        tpu.enqueue_dma source(%dma_start3A_160 : memref<2x128xi32, #tpu.memory_space<hbm>>) target(%arg8 : memref<2x128xi32, #tpu.memory_space<vmem>>) target_semaphore(%arg15 : memref<!tpu.dma_semaphore, #tpu.memory_space<semaphore_mem>>)
      } else {
      }
      %add3A_100 = arith.constant 1 : i32
      %add3A_101 = arith.addi %mul3A_79, %add3A_100 : i32
      %add3A_102 = arith.constant 1 : i32
      %add3A_103 = arith.addi %add3A_101, %add3A_102 : i32
      %lt3A_104 = arith.cmpi slt, %add3A_103, %select_n3A : i32
      %convert_element_type3A_105 = arith.extui %lt3A_104 : i1 to i32
      %cond3A_106 = arith.constant 0 : i32
      %cond3A_107 = arith.cmpi ne, %convert_element_type3A_105, %cond3A_106 : i32
      scf.if %cond3A_107 {
        %dma_wait3A_150 = arith.constant 0 : i32
        %dma_wait3A_151 = arith.constant 0 : i32
        %dma_wait3A_152 = tpu.memref_slice %arg3[%add3A, %dma_wait3A_150, %dma_wait3A_151] : memref<2528x2x128xi32, #tpu.memory_space<hbm>> -> memref<1x2x128xi32, #tpu.memory_space<hbm>>
        %dma_wait3A_153 = tpu.memref_squeeze %dma_wait3A_152 : memref<1x2x128xi32, #tpu.memory_space<hbm>> -> memref<2x128xi32, #tpu.memory_space<hbm>>
        %dma_wait3A_154 = arith.constant 0 : i32
        %dma_wait3A_155 = arith.constant 0 : i32
        %dma_wait3A_156 = tpu.memref_slice %arg3[%add3A, %dma_wait3A_154, %dma_wait3A_155] : memref<2528x2x128xi32, #tpu.memory_space<hbm>> -> memref<1x2x128xi32, #tpu.memory_space<hbm>>
        %dma_wait3A_157 = tpu.memref_squeeze %dma_wait3A_156 : memref<1x2x128xi32, #tpu.memory_space<hbm>> -> memref<2x128xi32, #tpu.memory_space<hbm>>
        tpu.wait_dma2 semaphore(%arg15 : memref<!tpu.dma_semaphore, #tpu.memory_space<semaphore_mem>>) src(%dma_wait3A_157 : memref<2x128xi32, #tpu.memory_space<hbm>>) dst(%arg8 : memref<2x128xi32, #tpu.memory_space<vmem>>)
        %dma_start3A_158 = arith.constant 0 : i32
        %dma_start3A_159 = arith.constant 0 : i32
        %dma_start3A_160 = tpu.memref_slice %arg8[%dma_start3A_158, %dma_start3A_159] : memref<2x128xi32, #tpu.memory_space<vmem>> -> memref<1x128xi32, #tpu.memory_space<vmem>>
        %dma_start3A_161 = tpu.memref_squeeze %dma_start3A_160 : memref<1x128xi32, #tpu.memory_space<vmem>> -> memref<128xi32, #tpu.memory_space<vmem>>
        %dma_start3A_162 = arith.constant 0 : i32
        %dma_start3A_163 = arith.constant 0 : i32
        %dma_start3A_164 = tpu.memref_slice %arg2[%dma_start3A_162, %dma_start3A_163] : memref<10000x128xf32, #tpu.memory_space<hbm>> -> memref<10000x128xf32, #tpu.memory_space<hbm>>
        tpu.enqueue_indirect_dma source(%dma_start3A_164 : memref<10000x128xf32, #tpu.memory_space<hbm>>) target(%arg11 : memref<128x128xf32, #tpu.memory_space<vmem>>) offsets(%dma_start3A_161 : memref<128xi32, #tpu.memory_space<vmem>>) semaphore(%arg18 : memref<!tpu.dma_semaphore, #tpu.memory_space<semaphore_mem>>)
      } else {
      }
      %lt3A_108 = arith.cmpi slt, %add3A_101, %select_n3A : i32
      %convert_element_type3A_109 = arith.extui %lt3A_108 : i1 to i32
      %cond3A_110 = arith.constant 0 : i32
      %cond3A_111 = arith.cmpi ne, %convert_element_type3A_109, %cond3A_110 : i32
      scf.if %cond3A_111 {
        %dma_wait3A_150 = arith.constant 0 : i32
        %dma_wait3A_151 = arith.constant 0 : i32
        %dma_wait3A_152 = tpu.memref_slice %arg7[%dma_wait3A_150, %dma_wait3A_151] : memref<2x128xi32, #tpu.memory_space<vmem>> -> memref<1x128xi32, #tpu.memory_space<vmem>>
        %dma_wait3A_153 = tpu.memref_squeeze %dma_wait3A_152 : memref<1x128xi32, #tpu.memory_space<vmem>> -> memref<128xi32, #tpu.memory_space<vmem>>
        %dma_wait3A_154 = arith.constant 0 : i32
        %dma_wait3A_155 = arith.constant 0 : i32
        %dma_wait3A_156 = tpu.memref_slice %arg2[%dma_wait3A_154, %dma_wait3A_155] : memref<10000x128xf32, #tpu.memory_space<hbm>> -> memref<10000x128xf32, #tpu.memory_space<hbm>>
        tpu.wait_indirect_dma semaphore(%arg17 : memref<!tpu.dma_semaphore, #tpu.memory_space<semaphore_mem>>) src(%dma_wait3A_156 : memref<10000x128xf32, #tpu.memory_space<hbm>>) dst(%arg10 : memref<128x128xf32, #tpu.memory_space<vmem>>)
        %dma_start3A_157 = arith.constant 1 : i32
        %dma_start3A_158 = arith.constant 0 : i32
        %dma_start3A_159 = tpu.memref_slice %arg7[%dma_start3A_157, %dma_start3A_158] : memref<2x128xi32, #tpu.memory_space<vmem>> -> memref<1x128xi32, #tpu.memory_space<vmem>>
        %dma_start3A_160 = tpu.memref_squeeze %dma_start3A_159 : memref<1x128xi32, #tpu.memory_space<vmem>> -> memref<128xi32, #tpu.memory_space<vmem>>
        %dma_start3A_161 = arith.constant 0 : i32
        %dma_start3A_162 = arith.constant 0 : i32
        %dma_start3A_163 = tpu.memref_slice %arg12[%dma_start3A_161, %dma_start3A_162] : memref<10112x128xf32, #tpu.memory_space<vmem_shared>> -> memref<10112x128xf32, #tpu.memory_space<vmem_shared>>
        tpu.enqueue_indirect_dma source(%arg10 : memref<128x128xf32, #tpu.memory_space<vmem>>) target(%dma_start3A_163 : memref<10112x128xf32, #tpu.memory_space<vmem_shared>>) offsets(%dma_start3A_160 : memref<128xi32, #tpu.memory_space<vmem>>) semaphore(%arg20 : memref<!tpu.dma_semaphore, #tpu.memory_space<semaphore_mem>>) {add = true}
      } else {
      }
      %ge3A_112 = arith.constant 1 : i32
      %ge3A_113 = arith.cmpi sge, %add3A_101, %ge3A_112 : i32
      %le3A_114 = arith.cmpi sle, %add3A_101, %select_n3A : i32
      %and3A_115 = arith.andi %ge3A_113, %le3A_114 : i1
      %convert_element_type3A_116 = arith.extui %and3A_115 : i1 to i32
      %cond3A_117 = arith.constant 0 : i32
      %cond3A_118 = arith.cmpi ne, %convert_element_type3A_116, %cond3A_117 : i32
      scf.if %cond3A_118 {
        %dma_wait3A_150 = arith.constant 1 : i32
        %dma_wait3A_151 = arith.constant 0 : i32
        %dma_wait3A_152 = tpu.memref_slice %arg6[%dma_wait3A_150, %dma_wait3A_151] : memref<2x128xi32, #tpu.memory_space<vmem>> -> memref<1x128xi32, #tpu.memory_space<vmem>>
        %dma_wait3A_153 = tpu.memref_squeeze %dma_wait3A_152 : memref<1x128xi32, #tpu.memory_space<vmem>> -> memref<128xi32, #tpu.memory_space<vmem>>
        %dma_wait3A_154 = arith.constant 0 : i32
        %dma_wait3A_155 = arith.constant 0 : i32
        %dma_wait3A_156 = tpu.memref_slice %arg12[%dma_wait3A_154, %dma_wait3A_155] : memref<10112x128xf32, #tpu.memory_space<vmem_shared>> -> memref<10112x128xf32, #tpu.memory_space<vmem_shared>>
        tpu.wait_indirect_dma semaphore(%arg19 : memref<!tpu.dma_semaphore, #tpu.memory_space<semaphore_mem>>) src(%arg9 : memref<128x128xf32, #tpu.memory_space<vmem>>) dst(%dma_wait3A_156 : memref<10112x128xf32, #tpu.memory_space<vmem_shared>>)
      } else {
      }
      %add3A_119 = arith.constant 2 : i32
      %add3A_120 = arith.addi %add3A_101, %add3A_119 : i32
      %lt3A_121 = arith.cmpi slt, %add3A_120, %select_n3A : i32
      %convert_element_type3A_122 = arith.extui %lt3A_121 : i1 to i32
      %cond3A_123 = arith.constant 0 : i32
      %cond3A_124 = arith.cmpi ne, %convert_element_type3A_122, %cond3A_123 : i32
      scf.if %cond3A_124 {
        %add3A_150 = arith.constant 2 : i32
        %add3A_151 = arith.addi %add3A_101, %add3A_150 : i32
        %add3A_152 = arith.addi %add3A, %add3A_151 : i32
        %dma_start3A_153 = arith.constant 0 : i32
        %dma_start3A_154 = arith.constant 0 : i32
        %dma_start3A_155 = tpu.memref_slice %arg3[%add3A_152, %dma_start3A_153, %dma_start3A_154] : memref<2528x2x128xi32, #tpu.memory_space<hbm>> -> memref<1x2x128xi32, #tpu.memory_space<hbm>>
        %dma_start3A_156 = tpu.memref_squeeze %dma_start3A_155 : memref<1x2x128xi32, #tpu.memory_space<hbm>> -> memref<2x128xi32, #tpu.memory_space<hbm>>
        %dma_start3A_157 = arith.constant 0 : i32
        %dma_start3A_158 = arith.constant 0 : i32
        %dma_start3A_159 = tpu.memref_slice %arg3[%add3A_152, %dma_start3A_157, %dma_start3A_158] : memref<2528x2x128xi32, #tpu.memory_space<hbm>> -> memref<1x2x128xi32, #tpu.memory_space<hbm>>
        %dma_start3A_160 = tpu.memref_squeeze %dma_start3A_159 : memref<1x2x128xi32, #tpu.memory_space<hbm>> -> memref<2x128xi32, #tpu.memory_space<hbm>>
        tpu.enqueue_dma source(%dma_start3A_160 : memref<2x128xi32, #tpu.memory_space<hbm>>) target(%arg6 : memref<2x128xi32, #tpu.memory_space<vmem>>) target_semaphore(%arg13 : memref<!tpu.dma_semaphore, #tpu.memory_space<semaphore_mem>>)
      } else {
      }
      %add3A_125 = arith.constant 2 : i32
      %add3A_126 = arith.addi %mul3A_79, %add3A_125 : i32
      %add3A_127 = arith.constant 1 : i32
      %add3A_128 = arith.addi %add3A_126, %add3A_127 : i32
      %lt3A_129 = arith.cmpi slt, %add3A_128, %select_n3A : i32
      %convert_element_type3A_130 = arith.extui %lt3A_129 : i1 to i32
      %cond3A_131 = arith.constant 0 : i32
      %cond3A_132 = arith.cmpi ne, %convert_element_type3A_130, %cond3A_131 : i32
      scf.if %cond3A_132 {
        %dma_wait3A_150 = arith.constant 0 : i32
        %dma_wait3A_151 = arith.constant 0 : i32
        %dma_wait3A_152 = tpu.memref_slice %arg3[%add3A, %dma_wait3A_150, %dma_wait3A_151] : memref<2528x2x128xi32, #tpu.memory_space<hbm>> -> memref<1x2x128xi32, #tpu.memory_space<hbm>>
        %dma_wait3A_153 = tpu.memref_squeeze %dma_wait3A_152 : memref<1x2x128xi32, #tpu.memory_space<hbm>> -> memref<2x128xi32, #tpu.memory_space<hbm>>
        %dma_wait3A_154 = arith.constant 0 : i32
        %dma_wait3A_155 = arith.constant 0 : i32
        %dma_wait3A_156 = tpu.memref_slice %arg3[%add3A, %dma_wait3A_154, %dma_wait3A_155] : memref<2528x2x128xi32, #tpu.memory_space<hbm>> -> memref<1x2x128xi32, #tpu.memory_space<hbm>>
        %dma_wait3A_157 = tpu.memref_squeeze %dma_wait3A_156 : memref<1x2x128xi32, #tpu.memory_space<hbm>> -> memref<2x128xi32, #tpu.memory_space<hbm>>
        tpu.wait_dma2 semaphore(%arg13 : memref<!tpu.dma_semaphore, #tpu.memory_space<semaphore_mem>>) src(%dma_wait3A_157 : memref<2x128xi32, #tpu.memory_space<hbm>>) dst(%arg6 : memref<2x128xi32, #tpu.memory_space<vmem>>)
        %dma_start3A_158 = arith.constant 0 : i32
        %dma_start3A_159 = arith.constant 0 : i32
        %dma_start3A_160 = tpu.memref_slice %arg6[%dma_start3A_158, %dma_start3A_159] : memref<2x128xi32, #tpu.memory_space<vmem>> -> memref<1x128xi32, #tpu.memory_space<vmem>>
        %dma_start3A_161 = tpu.memref_squeeze %dma_start3A_160 : memref<1x128xi32, #tpu.memory_space<vmem>> -> memref<128xi32, #tpu.memory_space<vmem>>
        %dma_start3A_162 = arith.constant 0 : i32
        %dma_start3A_163 = arith.constant 0 : i32
        %dma_start3A_164 = tpu.memref_slice %arg2[%dma_start3A_162, %dma_start3A_163] : memref<10000x128xf32, #tpu.memory_space<hbm>> -> memref<10000x128xf32, #tpu.memory_space<hbm>>
        tpu.enqueue_indirect_dma source(%dma_start3A_164 : memref<10000x128xf32, #tpu.memory_space<hbm>>) target(%arg9 : memref<128x128xf32, #tpu.memory_space<vmem>>) offsets(%dma_start3A_161 : memref<128xi32, #tpu.memory_space<vmem>>) semaphore(%arg16 : memref<!tpu.dma_semaphore, #tpu.memory_space<semaphore_mem>>)
      } else {
      }
      %lt3A_133 = arith.cmpi slt, %add3A_126, %select_n3A : i32
      %convert_element_type3A_134 = arith.extui %lt3A_133 : i1 to i32
      %cond3A_135 = arith.constant 0 : i32
      %cond3A_136 = arith.cmpi ne, %convert_element_type3A_134, %cond3A_135 : i32
      scf.if %cond3A_136 {
        %dma_wait3A_150 = arith.constant 0 : i32
        %dma_wait3A_151 = arith.constant 0 : i32
        %dma_wait3A_152 = tpu.memref_slice %arg8[%dma_wait3A_150, %dma_wait3A_151] : memref<2x128xi32, #tpu.memory_space<vmem>> -> memref<1x128xi32, #tpu.memory_space<vmem>>
        %dma_wait3A_153 = tpu.memref_squeeze %dma_wait3A_152 : memref<1x128xi32, #tpu.memory_space<vmem>> -> memref<128xi32, #tpu.memory_space<vmem>>
        %dma_wait3A_154 = arith.constant 0 : i32
        %dma_wait3A_155 = arith.constant 0 : i32
        %dma_wait3A_156 = tpu.memref_slice %arg2[%dma_wait3A_154, %dma_wait3A_155] : memref<10000x128xf32, #tpu.memory_space<hbm>> -> memref<10000x128xf32, #tpu.memory_space<hbm>>
        tpu.wait_indirect_dma semaphore(%arg18 : memref<!tpu.dma_semaphore, #tpu.memory_space<semaphore_mem>>) src(%dma_wait3A_156 : memref<10000x128xf32, #tpu.memory_space<hbm>>) dst(%arg11 : memref<128x128xf32, #tpu.memory_space<vmem>>)
        %dma_start3A_157 = arith.constant 1 : i32
        %dma_start3A_158 = arith.constant 0 : i32
        %dma_start3A_159 = tpu.memref_slice %arg8[%dma_start3A_157, %dma_start3A_158] : memref<2x128xi32, #tpu.memory_space<vmem>> -> memref<1x128xi32, #tpu.memory_space<vmem>>
        %dma_start3A_160 = tpu.memref_squeeze %dma_start3A_159 : memref<1x128xi32, #tpu.memory_space<vmem>> -> memref<128xi32, #tpu.memory_space<vmem>>
        %dma_start3A_161 = arith.constant 0 : i32
        %dma_start3A_162 = arith.constant 0 : i32
        %dma_start3A_163 = tpu.memref_slice %arg12[%dma_start3A_161, %dma_start3A_162] : memref<10112x128xf32, #tpu.memory_space<vmem_shared>> -> memref<10112x128xf32, #tpu.memory_space<vmem_shared>>
        tpu.enqueue_indirect_dma source(%arg11 : memref<128x128xf32, #tpu.memory_space<vmem>>) target(%dma_start3A_163 : memref<10112x128xf32, #tpu.memory_space<vmem_shared>>) offsets(%dma_start3A_160 : memref<128xi32, #tpu.memory_space<vmem>>) semaphore(%arg21 : memref<!tpu.dma_semaphore, #tpu.memory_space<semaphore_mem>>) {add = true}
      } else {
      }
      %ge3A_137 = arith.constant 1 : i32
      %ge3A_138 = arith.cmpi sge, %add3A_126, %ge3A_137 : i32
      %le3A_139 = arith.cmpi sle, %add3A_126, %select_n3A : i32
      %and3A_140 = arith.andi %ge3A_138, %le3A_139 : i1
      %convert_element_type3A_141 = arith.extui %and3A_140 : i1 to i32
      %cond3A_142 = arith.constant 0 : i32
      %cond3A_143 = arith.cmpi ne, %convert_element_type3A_141, %cond3A_142 : i32
      scf.if %cond3A_143 {
        %dma_wait3A_150 = arith.constant 1 : i32
        %dma_wait3A_151 = arith.constant 0 : i32
        %dma_wait3A_152 = tpu.memref_slice %arg7[%dma_wait3A_150, %dma_wait3A_151] : memref<2x128xi32, #tpu.memory_space<vmem>> -> memref<1x128xi32, #tpu.memory_space<vmem>>
        %dma_wait3A_153 = tpu.memref_squeeze %dma_wait3A_152 : memref<1x128xi32, #tpu.memory_space<vmem>> -> memref<128xi32, #tpu.memory_space<vmem>>
        %dma_wait3A_154 = arith.constant 0 : i32
        %dma_wait3A_155 = arith.constant 0 : i32
        %dma_wait3A_156 = tpu.memref_slice %arg12[%dma_wait3A_154, %dma_wait3A_155] : memref<10112x128xf32, #tpu.memory_space<vmem_shared>> -> memref<10112x128xf32, #tpu.memory_space<vmem_shared>>
        tpu.wait_indirect_dma semaphore(%arg20 : memref<!tpu.dma_semaphore, #tpu.memory_space<semaphore_mem>>) src(%arg10 : memref<128x128xf32, #tpu.memory_space<vmem>>) dst(%dma_wait3A_156 : memref<10112x128xf32, #tpu.memory_space<vmem_shared>>)
      } else {
      }
      %add3A_144 = arith.constant 2 : i32
      %add3A_145 = arith.addi %add3A_126, %add3A_144 : i32
      %lt3A_146 = arith.cmpi slt, %add3A_145, %select_n3A : i32
      %convert_element_type3A_147 = arith.extui %lt3A_146 : i1 to i32
      %cond3A_148 = arith.constant 0 : i32
      %cond3A_149 = arith.cmpi ne, %convert_element_type3A_147, %cond3A_148 : i32
      scf.if %cond3A_149 {
        %add3A_150 = arith.constant 2 : i32
        %add3A_151 = arith.addi %add3A_126, %add3A_150 : i32
        %add3A_152 = arith.addi %add3A, %add3A_151 : i32
        %dma_start3A_153 = arith.constant 0 : i32
        %dma_start3A_154 = arith.constant 0 : i32
        %dma_start3A_155 = tpu.memref_slice %arg3[%add3A_152, %dma_start3A_153, %dma_start3A_154] : memref<2528x2x128xi32, #tpu.memory_space<hbm>> -> memref<1x2x128xi32, #tpu.memory_space<hbm>>
        %dma_start3A_156 = tpu.memref_squeeze %dma_start3A_155 : memref<1x2x128xi32, #tpu.memory_space<hbm>> -> memref<2x128xi32, #tpu.memory_space<hbm>>
        %dma_start3A_157 = arith.constant 0 : i32
        %dma_start3A_158 = arith.constant 0 : i32
        %dma_start3A_159 = tpu.memref_slice %arg3[%add3A_152, %dma_start3A_157, %dma_start3A_158] : memref<2528x2x128xi32, #tpu.memory_space<hbm>> -> memref<1x2x128xi32, #tpu.memory_space<hbm>>
        %dma_start3A_160 = tpu.memref_squeeze %dma_start3A_159 : memref<1x2x128xi32, #tpu.memory_space<hbm>> -> memref<2x128xi32, #tpu.memory_space<hbm>>
        tpu.enqueue_dma source(%dma_start3A_160 : memref<2x128xi32, #tpu.memory_space<hbm>>) target(%arg7 : memref<2x128xi32, #tpu.memory_space<vmem>>) target_semaphore(%arg14 : memref<!tpu.dma_semaphore, #tpu.memory_space<semaphore_mem>>)
      } else {
      }
    }
    %barrier3A_69 = arith.constant 0 : index
    tpu.barrier barrier_id(%barrier3A_69)
    %mul3A_70 = arith.constant 10112 : i32
    %mul3A_71 = arith.muli %arg0, %mul3A_70 : i32
    %mul3A_72 = arith.constant 632 : i32
    %mul3A_73 = arith.muli %arg1, %mul3A_72 : i32
    %add3A_74 = arith.addi %mul3A_71, %mul3A_73 : i32
    %mul3A_75 = arith.constant 632 : i32
    %mul3A_76 = arith.muli %arg1, %mul3A_75 : i32
    "tpu.region"() ({
      %run_scoped3A = tpu.sem_alloc : memref<!tpu.dma_semaphore, #tpu.memory_space<semaphore_mem>>
      %dma_start3A_77 = arith.constant 0 : i32
      %dma_start3A_78 = tpu.memref_slice %arg5[%add3A_74, %dma_start3A_77] : memref<20224x128xf32, #tpu.memory_space<hbm>> -> memref<632x128xf32, #tpu.memory_space<hbm>>
      %dma_start3A_79 = arith.constant 0 : i32
      %dma_start3A_80 = tpu.memref_slice %arg12[%mul3A_76, %dma_start3A_79] : memref<10112x128xf32, #tpu.memory_space<vmem_shared>> -> memref<632x128xf32, #tpu.memory_space<vmem_shared>>
      tpu.enqueue_dma source(%dma_start3A_80 : memref<632x128xf32, #tpu.memory_space<vmem_shared>>) target(%dma_start3A_78 : memref<632x128xf32, #tpu.memory_space<hbm>>) target_semaphore(%run_scoped3A : memref<!tpu.dma_semaphore, #tpu.memory_space<semaphore_mem>>)
      %dma_wait3A_81 = arith.constant 0 : i32
      %dma_wait3A_82 = tpu.memref_slice %arg5[%add3A_74, %dma_wait3A_81] : memref<20224x128xf32, #tpu.memory_space<hbm>> -> memref<632x128xf32, #tpu.memory_space<hbm>>
      %dma_wait3A_83 = arith.constant 0 : i32
      %dma_wait3A_84 = tpu.memref_slice %arg12[%mul3A_76, %dma_wait3A_83] : memref<10112x128xf32, #tpu.memory_space<vmem_shared>> -> memref<632x128xf32, #tpu.memory_space<vmem_shared>>
      tpu.wait_dma2 semaphore(%run_scoped3A : memref<!tpu.dma_semaphore, #tpu.memory_space<semaphore_mem>>) src(%dma_wait3A_84 : memref<632x128xf32, #tpu.memory_space<vmem_shared>>) dst(%dma_wait3A_82 : memref<632x128xf32, #tpu.memory_space<hbm>>)
      tpu.yield
    }) : () -> ()
    return
  }
}

module attributes {stable_mosaic.version = 14 : i64} {
  func.func @_tc1_body(%arg0: i32, %arg1: memref<1000x128xf32, #tpu.memory_space<vmem>>, %arg2: memref<2x1000x16xf32, #tpu.memory_space<vmem>>, %arg3: memref<1000x128xf32, #tpu.memory_space<vmem>>) attributes {dimension_semantics = [#tpu.dimension_semantics<arbitrary>], iteration_bounds = array<i64: 10>, scalar_prefetch = 0 : i64, scratch_operands = 0 : i64, tpu.core_type = #tpu.core_type<tc>, window_params = [{transform_indices = @transform_0, window_bounds = array<i64: 1000, 128>}, {transform_indices = @transform_1, window_bounds = array<i64: 2, 1000, 16>}, {transform_indices = @transform_2, window_bounds = array<i64: 1000, 128>}]} {
    %get3A = arith.constant 0 : index
    %get3A_0 = arith.constant 0 : index
    %get3A_1 = vector.load %arg1[%get3A, %get3A_0] : memref<1000x128xf32, #tpu.memory_space<vmem>>, vector<1000x128xf32>
    %get3A_2 = arith.constant 0 : index
    %get3A_3 = arith.constant 0 : index
    %get3A_4 = arith.constant 0 : index
    %get3A_5 = vector.load %arg2[%get3A_2, %get3A_3, %get3A_4] : memref<2x1000x16xf32, #tpu.memory_space<vmem>>, vector<1x1000x1xf32>
    %get3A_6 = vector.shape_cast %get3A_5 : vector<1x1000x1xf32> to vector<1000x1xf32>
    %get3A_7 = arith.constant 1 : index
    %get3A_8 = arith.constant 0 : index
    %get3A_9 = arith.constant 0 : index
    %get3A_10 = vector.load %arg2[%get3A_7, %get3A_8, %get3A_9] : memref<2x1000x16xf32, #tpu.memory_space<vmem>>, vector<1x1000x1xf32>
    %get3A_11 = vector.shape_cast %get3A_10 : vector<1x1000x1xf32> to vector<1000x1xf32>
    %add3A = arith.addf %get3A_6, %get3A_11 : vector<1000x1xf32>
    %gt3A = arith.constant 0.000000e+00 : f32
    %gt3A_12 = vector.broadcast %gt3A : f32 to vector<1000x1xf32>
    %gt3A_13 = arith.cmpf ogt, %add3A, %gt3A_12 : vector<1000x1xf32>
    %max3A = arith.constant 1.000000e+00 : f32
    %max3A_14 = vector.broadcast %max3A : f32 to vector<1000x1xf32>
    %max3A_15 = arith.maximumf %add3A, %max3A_14 : vector<1000x1xf32>
    %rsqrt3A = math.rsqrt %max3A_15 : vector<1000x1xf32>
    %jit3A = arith.constant 0.000000e+00 : f32
    %broadcast_in_dim3A = vector.broadcast %jit3A : f32 to vector<1000x1xf32>
    %select_n3A = arith.select %gt3A_13, %rsqrt3A, %broadcast_in_dim3A : vector<1000x1xi1>, vector<1000x1xf32>
    %mul3A = vector.broadcast %select_n3A : vector<1000x1xf32> to vector<1000x128xf32>
    %mul3A_16 = arith.mulf %get3A_1, %mul3A : vector<1000x128xf32>
    %swap3A = arith.constant 0 : index
    %swap3A_17 = arith.constant 0 : index
    %swap3A_18 = vector.load %arg3[%swap3A, %swap3A_17] : memref<1000x128xf32, #tpu.memory_space<vmem>>, vector<1000x128xf32>
    tpu.vector_store %arg3[%swap3A, %swap3A_17], %mul3A_16 {strides = array<i32>} : memref<1000x128xf32, #tpu.memory_space<vmem>>, vector<1000x128xf32>,
    return
  }
  func.func @transform_0(%arg0: i32) -> (i32, i32) {
    %c0_i32 = arith.constant 0 : i32
    %c0_i32_0 = arith.constant 0 : i32
    return %arg0, %c0_i32 : i32, i32
  }
  func.func @transform_1(%arg0: i32) -> (i32, i32, i32) {
    %c0_i32 = arith.constant 0 : i32
    %c0_i32_0 = arith.constant 0 : i32
    %c0_i32_1 = arith.constant 0 : i32
    return %c0_i32, %arg0, %c0_i32_0 : i32, i32, i32
  }
  func.func @transform_2(%arg0: i32) -> (i32, i32) {
    %c0_i32 = arith.constant 0 : i32
    %c0_i32_0 = arith.constant 0 : i32
    return %arg0, %c0_i32 : i32, i32
  }
}

module attributes {stable_mosaic.version = 14 : i64} {
  func.func @_tc2_body(%arg0: i32, %arg1: memref<2x1000x128xf32, #tpu.memory_space<vmem>>, %arg2: memref<2x1000x16xf32, #tpu.memory_space<vmem>>, %arg3: memref<128x150xf32, #tpu.memory_space<vmem>>, %arg4: memref<1x150xf32, #tpu.memory_space<vmem>>, %arg5: memref<150x112xf32, #tpu.memory_space<vmem>>, %arg6: memref<1000x150xf32, #tpu.memory_space<vmem>>, %arg7: memref<1000x112xf32, #tpu.memory_space<vmem>>) attributes {dimension_semantics = [#tpu.dimension_semantics<arbitrary>], iteration_bounds = array<i64: 10>, scalar_prefetch = 0 : i64, scratch_operands = 0 : i64, tpu.core_type = #tpu.core_type<tc>, window_params = [{transform_indices = @transform_0, window_bounds = array<i64: 2, 1000, 128>}, {transform_indices = @transform_1, window_bounds = array<i64: 2, 1000, 16>}, {pipeline_mode = #tpu.pipeline_mode<synchronous>, transform_indices = @transform_2, window_bounds = array<i64: 128, 150>}, {pipeline_mode = #tpu.pipeline_mode<synchronous>, transform_indices = @transform_3, window_bounds = array<i64: 1, 150>}, {pipeline_mode = #tpu.pipeline_mode<synchronous>, transform_indices = @transform_4, window_bounds = array<i64: 150, 112>}, {transform_indices = @transform_5, window_bounds = array<i64: 1000, 150>}, {transform_indices = @transform_6, window_bounds = array<i64: 1000, 112>}]} {
    %get3A = arith.constant 0 : index
    %get3A_0 = arith.constant 0 : index
    %get3A_1 = arith.constant 0 : index
    %get3A_2 = vector.load %arg1[%get3A, %get3A_0, %get3A_1] : memref<2x1000x128xf32, #tpu.memory_space<vmem>>, vector<1x1000x128xf32>
    %get3A_3 = vector.shape_cast %get3A_2 : vector<1x1000x128xf32> to vector<1000x128xf32>
    %get3A_4 = arith.constant 1 : index
    %get3A_5 = arith.constant 0 : index
    %get3A_6 = arith.constant 0 : index
    %get3A_7 = vector.load %arg1[%get3A_4, %get3A_5, %get3A_6] : memref<2x1000x128xf32, #tpu.memory_space<vmem>>, vector<1x1000x128xf32>
    %get3A_8 = vector.shape_cast %get3A_7 : vector<1x1000x128xf32> to vector<1000x128xf32>
    %add3A = arith.addf %get3A_3, %get3A_8 : vector<1000x128xf32>
    %get3A_9 = arith.constant 0 : index
    %get3A_10 = arith.constant 0 : index
    %get3A_11 = vector.load %arg3[%get3A_9, %get3A_10] : memref<128x150xf32, #tpu.memory_space<vmem>>, vector<128x150xf32>
    %dot_general3A = arith.constant dense<0.000000e+00> : vector<1000x150xf32>
    %dot_general3A_12 = tpu.matmul %add3A, %get3A_11, %dot_general3A {dimension_numbers = #tpu.dot_dimension_numbers<[1], [0], [0], [1], [0, 0, 1, 1], [], []>, precision = #tpu.contract_precision<fp32>, transpose_lhs_hint = false} : vector<1000x128xf32>, vector<128x150xf32>, vector<1000x150xf32> -> vector<1000x150xf32>
    %get3A_13 = arith.constant 0 : index
    %get3A_14 = arith.constant 0 : index
    %get3A_15 = arith.constant 0 : index
    %get3A_16 = vector.load %arg2[%get3A_13, %get3A_14, %get3A_15] : memref<2x1000x16xf32, #tpu.memory_space<vmem>>, vector<1x1000x1xf32>
    %get3A_17 = vector.shape_cast %get3A_16 : vector<1x1000x1xf32> to vector<1000x1xf32>
    %get3A_18 = arith.constant 1 : index
    %get3A_19 = arith.constant 0 : index
    %get3A_20 = arith.constant 0 : index
    %get3A_21 = vector.load %arg2[%get3A_18, %get3A_19, %get3A_20] : memref<2x1000x16xf32, #tpu.memory_space<vmem>>, vector<1x1000x1xf32>
    %get3A_22 = vector.shape_cast %get3A_21 : vector<1x1000x1xf32> to vector<1000x1xf32>
    %add3A_23 = arith.addf %get3A_17, %get3A_22 : vector<1000x1xf32>
    %gt3A = arith.constant 0.000000e+00 : f32
    %gt3A_24 = vector.broadcast %gt3A : f32 to vector<1000x1xf32>
    %gt3A_25 = arith.cmpf ogt, %add3A_23, %gt3A_24 : vector<1000x1xf32>
    %max3A = arith.constant 1.000000e+00 : f32
    %max3A_26 = vector.broadcast %max3A : f32 to vector<1000x1xf32>
    %max3A_27 = arith.maximumf %add3A_23, %max3A_26 : vector<1000x1xf32>
    %rsqrt3A = math.rsqrt %max3A_27 : vector<1000x1xf32>
    %jit3A = arith.constant 0.000000e+00 : f32
    %broadcast_in_dim3A = vector.broadcast %jit3A : f32 to vector<1000x1xf32>
    %select_n3A = arith.select %gt3A_25, %rsqrt3A, %broadcast_in_dim3A : vector<1000x1xi1>, vector<1000x1xf32>
    %mul3A = vector.broadcast %select_n3A : vector<1000x1xf32> to vector<1000x150xf32>
    %mul3A_28 = arith.mulf %dot_general3A_12, %mul3A : vector<1000x150xf32>
    %get3A_29 = arith.constant 0 : index
    %get3A_30 = arith.constant 0 : index
    %get3A_31 = vector.load %arg4[%get3A_29, %get3A_30] : memref<1x150xf32, #tpu.memory_space<vmem>>, vector<1x150xf32>
    %add3A_32 = vector.broadcast %get3A_31 : vector<1x150xf32> to vector<1000x150xf32>
    %add3A_33 = arith.addf %mul3A_28, %add3A_32 : vector<1000x150xf32>
    %gt3A_34 = arith.constant 0.000000e+00 : f32
    %gt3A_35 = vector.broadcast %gt3A_34 : f32 to vector<1000x150xf32>
    %gt3A_36 = arith.cmpf ogt, %add3A_33, %gt3A_35 : vector<1000x150xf32>
    %min3A = arith.constant 0.000000e+00 : f32
    %min3A_37 = vector.broadcast %min3A : f32 to vector<1000x150xf32>
    %min3A_38 = arith.minimumf %add3A_33, %min3A_37 : vector<1000x150xf32>
    %exp3A = math.exp %min3A_38 : vector<1000x150xf32>
    %sub3A = arith.constant 1.000000e+00 : f32
    %sub3A_39 = vector.broadcast %sub3A : f32 to vector<1000x150xf32>
    %sub3A_40 = arith.subf %exp3A, %sub3A_39 : vector<1000x150xf32>
    %select_n3A_41 = arith.select %gt3A_36, %add3A_33, %sub3A_40 : vector<1000x150xi1>, vector<1000x150xf32>
    %swap3A = arith.constant 0 : index
    %swap3A_42 = arith.constant 0 : index
    %swap3A_43 = vector.load %arg6[%swap3A, %swap3A_42] : memref<1000x150xf32, #tpu.memory_space<vmem>>, vector<1000x150xf32>
    tpu.vector_store %arg6[%swap3A, %swap3A_42], %select_n3A_41 {strides = array<i32>} : memref<1000x150xf32, #tpu.memory_space<vmem>>, vector<1000x150xf32>,
    %get3A_44 = arith.constant 0 : index
    %get3A_45 = arith.constant 0 : index
    %get3A_46 = vector.load %arg5[%get3A_44, %get3A_45] : memref<150x112xf32, #tpu.memory_space<vmem>>, vector<150x112xf32>
    %dot_general3A_47 = arith.constant dense<0.000000e+00> : vector<1000x112xf32>
    %dot_general3A_48 = tpu.matmul %select_n3A_41, %get3A_46, %dot_general3A_47 {dimension_numbers = #tpu.dot_dimension_numbers<[1], [0], [0], [1], [0, 0, 1, 1], [], []>, precision = #tpu.contract_precision<fp32>, transpose_lhs_hint = false} : vector<1000x150xf32>, vector<150x112xf32>, vector<1000x112xf32> -> vector<1000x112xf32>
    %swap3A_49 = arith.constant 0 : index
    %swap3A_50 = arith.constant 0 : index
    %swap3A_51 = vector.load %arg7[%swap3A_49, %swap3A_50] : memref<1000x112xf32, #tpu.memory_space<vmem>>, vector<1000x112xf32>
    tpu.vector_store %arg7[%swap3A_49, %swap3A_50], %dot_general3A_48 {strides = array<i32>} : memref<1000x112xf32, #tpu.memory_space<vmem>>, vector<1000x112xf32>,
    return
  }
  func.func @transform_0(%arg0: i32) -> (i32, i32, i32) {
    %c0_i32 = arith.constant 0 : i32
    %c0_i32_0 = arith.constant 0 : i32
    %c0_i32_1 = arith.constant 0 : i32
    return %c0_i32, %arg0, %c0_i32_0 : i32, i32, i32
  }
  func.func @transform_1(%arg0: i32) -> (i32, i32, i32) {
    %c0_i32 = arith.constant 0 : i32
    %c0_i32_0 = arith.constant 0 : i32
    %c0_i32_1 = arith.constant 0 : i32
    return %c0_i32, %arg0, %c0_i32_0 : i32, i32, i32
  }
  func.func @transform_2(%arg0: i32) -> (i32, i32) {
    %c0_i32 = arith.constant 0 : i32
    %c0_i32_0 = arith.constant 0 : i32
    %c0_i32_1 = arith.constant 0 : i32
    return %c0_i32, %c0_i32_0 : i32, i32
  }
  func.func @transform_3(%arg0: i32) -> (i32, i32) {
    %c0_i32 = arith.constant 0 : i32
    %c0_i32_0 = arith.constant 0 : i32
    %c0_i32_1 = arith.constant 0 : i32
    return %c0_i32, %c0_i32_0 : i32, i32
  }
  func.func @transform_4(%arg0: i32) -> (i32, i32) {
    %c0_i32 = arith.constant 0 : i32
    %c0_i32_0 = arith.constant 0 : i32
    %c0_i32_1 = arith.constant 0 : i32
    return %c0_i32, %c0_i32_0 : i32, i32
  }
  func.func @transform_5(%arg0: i32) -> (i32, i32) {
    %c0_i32 = arith.constant 0 : i32
    %c0_i32_0 = arith.constant 0 : i32
    return %arg0, %c0_i32 : i32, i32
  }
  func.func @transform_6(%arg0: i32) -> (i32, i32) {
    %c0_i32 = arith.constant 0 : i32
    %c0_i32_0 = arith.constant 0 : i32
    return %arg0, %c0_i32 : i32, i32
  }
}

module attributes {stable_mosaic.version = 14 : i64} {
  func.func @_tc3_body(%arg0: i32, %arg1: memref<1000x150xf32, #tpu.memory_space<vmem>>, %arg2: memref<2x1000x112xf32, #tpu.memory_space<vmem>>, %arg3: memref<2x1000x16xf32, #tpu.memory_space<vmem>>, %arg4: memref<150x100xf32, #tpu.memory_space<vmem>>, %arg5: memref<1x100xf32, #tpu.memory_space<vmem>>, %arg6: memref<100x64xf32, #tpu.memory_space<vmem>>, %arg7: memref<1x64xf32, #tpu.memory_space<vmem>>, %arg8: memref<1000x64xf32, #tpu.memory_space<vmem>>) attributes {dimension_semantics = [#tpu.dimension_semantics<arbitrary>], iteration_bounds = array<i64: 10>, scalar_prefetch = 0 : i64, scratch_operands = 0 : i64, tpu.core_type = #tpu.core_type<tc>, window_params = [{transform_indices = @transform_0, window_bounds = array<i64: 1000, 150>}, {transform_indices = @transform_1, window_bounds = array<i64: 2, 1000, 112>}, {transform_indices = @transform_2, window_bounds = array<i64: 2, 1000, 16>}, {pipeline_mode = #tpu.pipeline_mode<synchronous>, transform_indices = @transform_3, window_bounds = array<i64: 150, 100>}, {pipeline_mode = #tpu.pipeline_mode<synchronous>, transform_indices = @transform_4, window_bounds = array<i64: 1, 100>}, {pipeline_mode = #tpu.pipeline_mode<synchronous>, transform_indices = @transform_5, window_bounds = array<i64: 100, 64>}, {pipeline_mode = #tpu.pipeline_mode<synchronous>, transform_indices = @transform_6, window_bounds = array<i64: 1, 64>}, {transform_indices = @transform_7, window_bounds = array<i64: 1000, 64>}]} {
    %get3A = arith.constant 0 : index
    %get3A_0 = arith.constant 0 : index
    %get3A_1 = arith.constant 0 : index
    %get3A_2 = vector.load %arg2[%get3A, %get3A_0, %get3A_1] : memref<2x1000x112xf32, #tpu.memory_space<vmem>>, vector<1x1000x112xf32>
    %get3A_3 = vector.shape_cast %get3A_2 : vector<1x1000x112xf32> to vector<1000x112xf32>
    %get3A_4 = arith.constant 1 : index
    %get3A_5 = arith.constant 0 : index
    %get3A_6 = arith.constant 0 : index
    %get3A_7 = vector.load %arg2[%get3A_4, %get3A_5, %get3A_6] : memref<2x1000x112xf32, #tpu.memory_space<vmem>>, vector<1x1000x112xf32>
    %get3A_8 = vector.shape_cast %get3A_7 : vector<1x1000x112xf32> to vector<1000x112xf32>
    %add3A = arith.addf %get3A_3, %get3A_8 : vector<1000x112xf32>
    %get3A_9 = arith.constant 0 : index
    %get3A_10 = arith.constant 0 : index
    %get3A_11 = arith.constant 0 : index
    %get3A_12 = vector.load %arg3[%get3A_9, %get3A_10, %get3A_11] : memref<2x1000x16xf32, #tpu.memory_space<vmem>>, vector<1x1000x1xf32>
    %get3A_13 = vector.shape_cast %get3A_12 : vector<1x1000x1xf32> to vector<1000x1xf32>
    %get3A_14 = arith.constant 1 : index
    %get3A_15 = arith.constant 0 : index
    %get3A_16 = arith.constant 0 : index
    %get3A_17 = vector.load %arg3[%get3A_14, %get3A_15, %get3A_16] : memref<2x1000x16xf32, #tpu.memory_space<vmem>>, vector<1x1000x1xf32>
    %get3A_18 = vector.shape_cast %get3A_17 : vector<1x1000x1xf32> to vector<1000x1xf32>
    %add3A_19 = arith.addf %get3A_13, %get3A_18 : vector<1000x1xf32>
    %slice3A = vector.extract_strided_slice %add3A {offsets = [0, 0], sizes = [1000, 100], strides = [1, 1]} : vector<1000x112xf32> to vector<1000x100xf32>
    %max3A = arith.constant 1.000000e+00 : f32
    %max3A_20 = vector.broadcast %max3A : f32 to vector<1000x1xf32>
    %max3A_21 = arith.maximumf %add3A_19, %max3A_20 : vector<1000x1xf32>
    %div3A = vector.broadcast %max3A_21 : vector<1000x1xf32> to vector<1000x100xf32>
    %div3A_22 = arith.divf %slice3A, %div3A : vector<1000x100xf32>
    %get3A_23 = arith.constant 0 : index
    %get3A_24 = arith.constant 0 : index
    %get3A_25 = vector.load %arg1[%get3A_23, %get3A_24] : memref<1000x150xf32, #tpu.memory_space<vmem>>, vector<1000x150xf32>
    %get3A_26 = arith.constant 0 : index
    %get3A_27 = arith.constant 0 : index
    %get3A_28 = vector.load %arg4[%get3A_26, %get3A_27] : memref<150x100xf32, #tpu.memory_space<vmem>>, vector<150x100xf32>
    %dot_general3A = arith.constant dense<0.000000e+00> : vector<1000x100xf32>
    %dot_general3A_29 = tpu.matmul %get3A_25, %get3A_28, %dot_general3A {dimension_numbers = #tpu.dot_dimension_numbers<[1], [0], [0], [1], [0, 0, 1, 1], [], []>, precision = #tpu.contract_precision<fp32>, transpose_lhs_hint = false} : vector<1000x150xf32>, vector<150x100xf32>, vector<1000x100xf32> -> vector<1000x100xf32>
    %add3A_30 = arith.addf %dot_general3A_29, %div3A_22 : vector<1000x100xf32>
    %get3A_31 = arith.constant 0 : index
    %get3A_32 = arith.constant 0 : index
    %get3A_33 = vector.load %arg5[%get3A_31, %get3A_32] : memref<1x100xf32, #tpu.memory_space<vmem>>, vector<1x100xf32>
    %add3A_34 = vector.broadcast %get3A_33 : vector<1x100xf32> to vector<1000x100xf32>
    %add3A_35 = arith.addf %add3A_30, %add3A_34 : vector<1000x100xf32>
    %gt3A = arith.constant 0.000000e+00 : f32
    %gt3A_36 = vector.broadcast %gt3A : f32 to vector<1000x100xf32>
    %gt3A_37 = arith.cmpf ogt, %add3A_35, %gt3A_36 : vector<1000x100xf32>
    %min3A = arith.constant 0.000000e+00 : f32
    %min3A_38 = vector.broadcast %min3A : f32 to vector<1000x100xf32>
    %min3A_39 = arith.minimumf %add3A_35, %min3A_38 : vector<1000x100xf32>
    %exp3A = math.exp %min3A_39 : vector<1000x100xf32>
    %sub3A = arith.constant 1.000000e+00 : f32
    %sub3A_40 = vector.broadcast %sub3A : f32 to vector<1000x100xf32>
    %sub3A_41 = arith.subf %exp3A, %sub3A_40 : vector<1000x100xf32>
    %select_n3A = arith.select %gt3A_37, %add3A_35, %sub3A_41 : vector<1000x100xi1>, vector<1000x100xf32>
    %get3A_42 = arith.constant 0 : index
    %get3A_43 = arith.constant 0 : index
    %get3A_44 = vector.load %arg6[%get3A_42, %get3A_43] : memref<100x64xf32, #tpu.memory_space<vmem>>, vector<100x64xf32>
    %dot_general3A_45 = arith.constant dense<0.000000e+00> : vector<1000x64xf32>
    %dot_general3A_46 = tpu.matmul %select_n3A, %get3A_44, %dot_general3A_45 {dimension_numbers = #tpu.dot_dimension_numbers<[1], [0], [0], [1], [0, 0, 1, 1], [], []>, precision = #tpu.contract_precision<fp32>, transpose_lhs_hint = false} : vector<1000x100xf32>, vector<100x64xf32>, vector<1000x64xf32> -> vector<1000x64xf32>
    %get3A_47 = arith.constant 0 : index
    %get3A_48 = arith.constant 0 : index
    %get3A_49 = vector.load %arg7[%get3A_47, %get3A_48] : memref<1x64xf32, #tpu.memory_space<vmem>>, vector<1x64xf32>
    %add3A_50 = vector.broadcast %get3A_49 : vector<1x64xf32> to vector<1000x64xf32>
    %add3A_51 = arith.addf %dot_general3A_46, %add3A_50 : vector<1000x64xf32>
    %gt3A_52 = arith.constant 0.000000e+00 : f32
    %gt3A_53 = vector.broadcast %gt3A_52 : f32 to vector<1000x64xf32>
    %gt3A_54 = arith.cmpf ogt, %add3A_51, %gt3A_53 : vector<1000x64xf32>
    %min3A_55 = arith.constant 0.000000e+00 : f32
    %min3A_56 = vector.broadcast %min3A_55 : f32 to vector<1000x64xf32>
    %min3A_57 = arith.minimumf %add3A_51, %min3A_56 : vector<1000x64xf32>
    %exp3A_58 = math.exp %min3A_57 : vector<1000x64xf32>
    %sub3A_59 = arith.constant 1.000000e+00 : f32
    %sub3A_60 = vector.broadcast %sub3A_59 : f32 to vector<1000x64xf32>
    %sub3A_61 = arith.subf %exp3A_58, %sub3A_60 : vector<1000x64xf32>
    %select_n3A_62 = arith.select %gt3A_54, %add3A_51, %sub3A_61 : vector<1000x64xi1>, vector<1000x64xf32>
    %swap3A = arith.constant 0 : index
    %swap3A_63 = arith.constant 0 : index
    %swap3A_64 = vector.load %arg8[%swap3A, %swap3A_63] : memref<1000x64xf32, #tpu.memory_space<vmem>>, vector<1000x64xf32>
    tpu.vector_store %arg8[%swap3A, %swap3A_63], %select_n3A_62 {strides = array<i32>} : memref<1000x64xf32, #tpu.memory_space<vmem>>, vector<1000x64xf32>,
    return
  }
  func.func @transform_0(%arg0: i32) -> (i32, i32) {
    %c0_i32 = arith.constant 0 : i32
    %c0_i32_0 = arith.constant 0 : i32
    return %arg0, %c0_i32 : i32, i32
  }
  func.func @transform_1(%arg0: i32) -> (i32, i32, i32) {
    %c0_i32 = arith.constant 0 : i32
    %c0_i32_0 = arith.constant 0 : i32
    %c0_i32_1 = arith.constant 0 : i32
    return %c0_i32, %arg0, %c0_i32_0 : i32, i32, i32
  }
  func.func @transform_2(%arg0: i32) -> (i32, i32, i32) {
    %c0_i32 = arith.constant 0 : i32
    %c0_i32_0 = arith.constant 0 : i32
    %c0_i32_1 = arith.constant 0 : i32
    return %c0_i32, %arg0, %c0_i32_0 : i32, i32, i32
  }
  func.func @transform_3(%arg0: i32) -> (i32, i32) {
    %c0_i32 = arith.constant 0 : i32
    %c0_i32_0 = arith.constant 0 : i32
    %c0_i32_1 = arith.constant 0 : i32
    return %c0_i32, %c0_i32_0 : i32, i32
  }
  func.func @transform_4(%arg0: i32) -> (i32, i32) {
    %c0_i32 = arith.constant 0 : i32
    %c0_i32_0 = arith.constant 0 : i32
    %c0_i32_1 = arith.constant 0 : i32
    return %c0_i32, %c0_i32_0 : i32, i32
  }
  func.func @transform_5(%arg0: i32) -> (i32, i32) {
    %c0_i32 = arith.constant 0 : i32
    %c0_i32_0 = arith.constant 0 : i32
    %c0_i32_1 = arith.constant 0 : i32
    return %c0_i32, %c0_i32_0 : i32, i32
  }
  func.func @transform_6(%arg0: i32) -> (i32, i32) {
    %c0_i32 = arith.constant 0 : i32
    %c0_i32_0 = arith.constant 0 : i32
    %c0_i32_1 = arith.constant 0 : i32
    return %c0_i32, %c0_i32_0 : i32, i32
  }
  func.func @transform_7(%arg0: i32) -> (i32, i32) {
    %c0_i32 = arith.constant 0 : i32
    %c0_i32_0 = arith.constant 0 : i32
    return %arg0, %c0_i32 : i32, i32
  }
}

</mosaic_0001>

<sc_bundles>
// kernel: kernel.11.cloned.1.call-start
scs
__scs_entry_jumppad:
0x0: {  	(pc) =	sbr.rel $0x88, $3  }
0x1: {  	(tag) =	ssettag $0x0;
	lr =	simm.s32 $0x1  }
0x2: {  	[smem:$0x3F98] =	sst lr;
	_ =	strace $0xD0000000  }
0x3: {  	_ = 	snop  }
0x4: {  	_ = 	snop  }
0x5: {  	_ = 	snop  }
0x6: {  	_ = 	snop  }
0x7: {  	_ = 	snop  }
__scs_overlays_trampoline_lowered:
0x8: {  	[smem:$0x3FA7] =	sst s0  }
0x9: {  	[smem:$0x3FA8] =	sst s1  }
0xa: {  	[smem:$0x3FA9] =	sst s2  }
0xb: {  	[smem:$0x3FAA] =	sst s3  }
0xc: {  	[smem:$0x3FAB] =	sst s4  }
0xd: {  	[smem:$0x3FAC] =	sst s5  }
0xe: {  	[smem:$0x3FAD] =	sst s6  }
0xf: {  	[smem:$0x3FAE] =	sst s7  }
0x10: {  	[smem:$0x3FAF] =	sst s8  }
0x11: {  	[smem:$0x3FB0] =	sst s9;
	s0 =	simm.s32 @!p0 $0x0  }
0x12: {  	s1 =	sld [smem:$0x3F96];
	s0 =	simm.s32 @p0 $0x1  }
0x13: {  	[smem:$0x3FB1] =	sst s0;
	s0 =	simm.s32 @!p1 $0x0  }
0x14: {  	s2 =	sld [smem:$0x3F95];
	s0 =	simm.s32 @p1 $0x1  }
0x15: {  	[smem:$0x3FB2] =	sst s0;
	s0 =	simm.s32 @!p2 $0x0  }
0x16: {  	s3 =	sld [smem:$0x3FDB];
	s0 =	simm.s32 @p2 $0x1  }
0x17: {  	s4 =	simm.s32 $0x1BF5;
	[smem:$0x3FB4] =	sst s0  }
0x18: {  	s0 =	sld [smem:$0x3F97];
	_ =	swait.ge [sflag:s4], $0x0  }
0x19: {  	s7 =	sld [smem:$0x3F98]  }
0x1a: {  	s8 =	sadd.s32 $0xFFFFE003, lr  }
0x1b: {  	s9 =	sadd.s32 $0xFFFFFEF7, lr;
	s5 =	simm.s32 $0xFFFFFFFF;
	p2 =	slt.u32 s8, $0xFFFFF086  }
0x1c: {  	p1 =	slt.u32 s9, $0xF7A;
	s5 =	simm.s32 @!p2 $0x0  }
0x1d: {  	s5 =	simm.s32 @p1 $0x1;
	p0 =	seq.s32 s7, s2  }
0x1e: {  	s7 =	smul.u32 @!p0 $0xF7A, s2;
	p2 =	seq.s32 @!p0 s5, $0x0  }
0x1f: {  	s9 =	smul.u32 $0xF7A, s1;
	s8 =	simm.s32 @!p0 $0x1BF5;
	p2 =	por !p2, p0  }
0x20: {  	[sflag:s8] =	ssyncset.s32 @!p0 $0xFFFFF086;
	s6 =	sadd.s32 @!p0 s3, s7;
	s7 =	simm.s32 @!p0 $0x108  }
0x21: {  	s3 =	sadd.s32 s3, s9;
	s6 =	sadd.s32 @!p0 $0x88, s6;
	s7 =	simm.s32 @p2 $0x1082  }
0x22: {  	[simem:s7], [sflag:s8] =	dma.local @!p0 [hbm:s6], $0xF7A  }
0x23: {  	s9 =	sor.u32 $0xD0000000, s2;
	s6 =	simm.s32 $0x108;
	_ =	swait.ge @!p0 [sflag:s8], $0x0  }
0x24: {  	s3 =	sadd.s32 $0x88, s3;
	s6 =	simm.s32 @!p1 $0x1082;
	[sflag:s4] =	ssyncset.s32 $0xFFFFF086  }
0x25: {  	[simem:s6], [sflag:s4] =	dma.local [hbm:s3], $0xF7A  }
0x26: {  	[smem:$0x3F98] =	sst s1;
	(tag) =	ssettag s2;
	_ =	strace s9  }
0x27: {  	s1 =	sld [smem:$0x3FA8]  }
0x28: {  	s2 =	sld [smem:$0x3FA9]  }
0x29: {  	s4 =	sld [smem:$0x3FAB]  }
0x2a: {  	p0 =	seq.s32 s5, $0x0;
	s5 =	sld [smem:$0x3FAC]  }
0x2b: {  	s6 =	sld [smem:$0x3FAD]  }
0x2c: {  	s7 =	sld [smem:$0x3FAE]  }
0x2d: {  	s3 =	simm.s32 $0x108;
	s8 =	sld [smem:$0x3FAF]  }
0x2e: {  	s3 =	simm.s32 @!p0 $0x1082;
	s9 =	sld [smem:$0x3FB0]  }
0x2f: {  	lr =	sadd.s32 s0, s3;
	s0 =	sld [smem:$0x3FA7]  }
0x30: {  	s3 =	sld [smem:$0x3FAA]  }
0x31: {  	[smem:$0x3FB3] =	sst s10  }
0x32: {  	s10 =	sld [smem:$0x3FB1];
	_ =	sdelay $0x3  }
0x33: {  	p0 =	seq.s32 s10, $0x1;
	s10 =	sld [smem:$0x3FB3];
	_ =	sdelay $0x3  }
0x34: {  	[smem:$0x3FB3] =	sst s10  }
0x35: {  	s10 =	sld [smem:$0x3FB2];
	_ =	sdelay $0x3  }
0x36: {  	p1 =	seq.s32 s10, $0x1;
	s10 =	sld [smem:$0x3FB3];
	_ =	sdelay $0x3  }
0x37: {  	[smem:$0x3FB3] =	sst s10  }
0x38: {  	s10 =	sld [smem:$0x3FB4]  }
0x39: {  	_ = 	snop;
	(pc) =	sbr.ind lr, $3  }
0x3a: {  	_ = 	snop  }
0x3b: {  	_ = 	snop  }
0x3c: {  	p2 =	seq.s32 s10, $0x1;
	s10 =	sld [smem:$0x3FB3]  }
0x3d: {  	_ =	shalt  }
0x3e: {  	_ =	shalt  }
0x3f: {  	_ =	shalt  }
0x40: {  	_ =	shalt  }
0x41: {  	_ =	shalt  }
0x42: {  	_ =	shalt  }
0x43: {  	_ =	shalt  }
0x44: {  	_ =	shalt  }
0x45: {  	_ =	shalt  }
0x46: {  	_ =	shalt  }
0x47: {  	_ =	shalt  }
0x48: {  	_ =	shalt  }
0x49: {  	_ =	shalt  }
0x4a: {  	_ =	shalt  }
0x4b: {  	_ =	shalt  }
0x4c: {  	_ =	shalt  }
0x4d: {  	_ =	shalt  }
0x4e: {  	_ =	shalt  }
0x4f: {  	_ =	shalt  }
0x50: {  	_ =	shalt  }
0x51: {  	_ =	shalt  }
0x52: {  	_ =	shalt  }
0x53: {  	_ =	shalt  }
0x54: {  	_ =	shalt  }
0x55: {  	_ =	shalt  }
0x56: {  	_ =	shalt  }
0x57: {  	_ =	shalt  }
0x58: {  	_ =	shalt  }
0x59: {  	_ =	shalt  }
0x5a: {  	_ =	shalt  }
0x5b: {  	_ =	shalt  }
0x5c: {  	_ =	shalt  }
0x5d: {  	_ =	shalt  }
0x5e: {  	_ =	shalt  }
0x5f: {  	_ =	shalt  }
0x60: {  	_ =	shalt  }
0x61: {  	_ =	shalt  }
0x62: {  	_ =	shalt  }
0x63: {  	_ =	shalt  }
0x64: {  	_ =	shalt  }
0x65: {  	_ =	shalt  }
0x66: {  	_ =	shalt  }
0x67: {  	_ =	shalt  }
0x68: {  	_ =	shalt  }
0x69: {  	_ =	shalt  }
0x6a: {  	_ =	shalt  }
0x6b: {  	_ =	shalt  }
0x6c: {  	_ =	shalt  }
0x6d: {  	_ =	shalt  }
0x6e: {  	_ =	shalt  }
0x6f: {  	_ =	shalt  }
0x70: {  	_ =	shalt  }
0x71: {  	_ =	shalt  }
0x72: {  	_ =	shalt  }
0x73: {  	_ =	shalt  }
0x74: {  	_ =	shalt  }
0x75: {  	_ =	shalt  }
0x76: {  	_ =	shalt  }
0x77: {  	_ =	shalt  }
0x78: {  	_ =	shalt  }
0x79: {  	_ =	shalt  }
0x7a: {  	_ =	shalt  }
0x7b: {  	_ =	shalt  }
0x7c: {  	_ =	shalt  }
0x7d: {  	_ =	shalt  }
0x7e: {  	_ =	shalt  }
0x7f: {  	_ =	shalt  }
0x80: {  	_ =	shalt  }
0x81: {  	_ =	shalt  }
0x82: {  	_ =	shalt  }
0x83: {  	_ =	shalt  }
0x84: {  	_ =	shalt  }
0x85: {  	_ =	shalt  }
0x86: {  	_ =	shalt  }
0x87: {  	_ =	shalt  }
.Lfunc_end0:
.L_simem_size_0:
called_computation.1_lowered:
.L_overlay_start_0:
0x88: {  	s2 =	sld [smem:$0x3FD9]  }
0x89: {  	s3 =	sld [smem:$0x3FFE];
	_ =	sdelay $0x1  }
0x8a: {  	s1 =	srdreg.scid  }
0x8b: {  	s0 =	sand.u32 $0x1, s1  }
0x8c: {  	s17 =	sshll.u32 s0, $0xA;
	s2 =	sadd.s32 s3, s2  }
0x8d: {  	s2 =	sadd.s32 s2, s17  }
0x8e: {  	[smem:$0x3FBF] =	sst s2  }
0x8f: {  	_ = 	snop  }
0x90: {  	s2 =	sld [smem:$0x3FD0];
	(tm) =	ssettm $0x1  }
0x91: {  	s18 =	sld [smem:$0x3FFB];
	_ =	sdelay $0x3  }
0x92: {  	_ =	strace s18  }
0x93: {  	s3 =	sld [smem:$0x3FFC];
	_ =	sdelay $0x3  }
0x94: {  	_ =	strace s3  }
0x95: {  	s3 =	sld [smem:$0x3FFD];
	_ =	sdelay $0x3  }
0x96: {  	_ =	strace s3  }
0x97: {  	_ =	strace $0x8FFFFFFF  }
0x98: {  	s19 =	sld [smem:$0x3FDB];
	_ =	sdelay $0x1  }
0x99: {  	s4 =	simm.s32 $_scs_section_size  }
0x9a: {  	s5 =	simm.s32 $_size__tile_overlayer_lowered;
	s6 =	simm.s32 $_tile_overlayer_lowered  }
0x9b: {  	s22 =	simm.s32 $0x1BFF;
	s21 =	sshll.u32 s6, $0x1;
	s3 =	sadd.s32 s4, s19  }
0x9c: {  	s7 =	simm.s32 $0x0;
	s20 =	sshll.u32 s5, $0x1;
	s5 =	sadd.s32 s21, s3  }
0x9d: {  	[timem:s7], [sflag:s22] =	dma.local [hbm:s5], s20  }
0x9e: {  	_ =	swait.ge [sflag:s22], s20  }
0x9f: {  	s4 =	ssub.s32 $0x0, s20;
	[sflag:s22] =	ssyncset.done $0x0  }
0xa0: {  	[sflag:s22] =	ssyncadd.s32 s4;
	_ =	sdelay $0x1  }
0xa1: {  	s23 =	simm.s32 $0x1B8B  }
0xa2: {  	_ =	swait.ge [sflag:s23], $0x1  }
0xa3: {  	[sflag:s23] =	ssyncset.done $0x0  }
0xa4: {  	s25 =	simm.s32 $0x1B8E;
	s24 =	sld [smem:$0x3FFE];
	[sflag:s23] =	ssyncadd.s32 $0xFFFFFFFF  }
0xa5: {  	s26 =	simm.s32 $execute0_lowered;
	[smem:$0x3FD2] =	sst s25  }
0xa6: {  	s5 =	sshll.u32 s26, $0x1;
	_ =	strace $0x80000049;
	[dreg:$0x1] =	wrdreg $0xFFFFFFFF  }
0xa7: {  	s28 =	simm.s32 $_size_execute0_lowered;
	s3 =	sadd.s32 s3, s5;
	[dreg:$0x0] =	wrdreg $0x0  }
0xa8: {  	s5 =	sshll.u32 s28, $0x1;
	[dreg:$0x2] =	wrdreg s3  }
0xa9: {  	[dreg:$0x3] =	wrdreg s5  }
0xaa: {  	[dreg:$0x4] =	wrdreg $0xC0  }
0xab: {  	_ =	task [dreg:s7], $0x5FFFF  }
0xac: {  	[dreg:$0x1] =	wrdreg $0xFFFFFFFF  }
0xad: {  	[dreg:$0x0] =	wrdreg $0x60  }
0xae: {  	[dreg:$0x2] =	wrdreg s24  }
0xaf: {  	[dreg:$0x3] =	wrdreg s2  }
0xb0: {  	[dreg:$0x4] =	wrdreg $0xC3000  }
0xb1: {  	[dreg:$0x5] =	wrdreg $0x9  }
0xb2: {  	_ =	task.clear_ibuf [dreg:s7], $0x6FFFF;
	_ =	strace $0x90000049  }
0xb3: {  	s29 =	simm.s32 $0x9;
	_ =	strace $0x8000004B  }
0xb4: {  	_ =	swait.ge [sflag:s29], $0x1  }
0xb5: {  	[sflag:s29] =	ssyncadd.s32 $0xFFFFFFFF  }
0xb6: {  	_ =	strace $0x9000004B  }
0xb7: {  	_ =	sfence  }
0xb8: {  	s30 =	sld [smem:$0x0];
	_ =	sdelay $0x2  }
0xb9: {  	s31 =	sshll.u32 s1, $0xD;
	s1 =	sshrl.u32 s1, $0x2  }
0xba: {  	s3 =	sand.u32 $0x4000, s31;
	s1 =	sadd.s32 s1, s30  }
0xbb: {  	s0 =	sor.u32 s3, s0;
	s1 =	sshll.u32 s1, $0x11  }
0xbc: {  	s0 =	sor.u32 s1, s0  }
0xbd: {  	s0 =	sadd.s32 $0x8F2B, s0  }
0xbe: {  	[sflag:s0] =	ssyncadd.remote.s32 $0x1  }
0xbf: {  	_ =	sfence.sel $0xFFFF  }
0xc0: {  	[dreg:$0x0] =	wrdreg $0xFFFFFFFF;
	(pc) =	sbr.abs _section_cstart, $3  }
0xc1: {  	[dreg:$0x1] =	wrdreg $0xFFFFFFFF  }
0xc2: {  	_ =	task.clear_ibuf [dreg:s7], $0x2FFFF;
	_ =	strace $0x9FFFFFFF  }
0xc3: {  	(tm) =	ssettm $0x7FFFFFFF  }
tec
execute0_lowered:
.L_overlay_start_1:
0x0: {  	(tag) =	ssettag $0x1  }
0x1: {  	s7 =	rddreg [dreg:$0x0]  }
0x2: {  	s8 =	rddreg [dreg:$0x1]  }
0x3: {  	s2 =	rddreg [dreg:$0x2]  }
0x4: {  	s4 =	srdreg.scid;
	s0 =	stileid.u32;
	s3 =	simm.s32 $0x0  }
0x5: {  	s17 =	simm.s32 $0x100;
	s18 =	simm.s32 $0x1;
	s19 =	simm.s32 $0x80  }
0x6: {  	s20 =	simm.s32 $0x300;
	s21 =	simm.s32 $0x0;
	s6 =	smul.u32 $0x2780, s0  }
0x7: {  	s9 =	sand.u32 $0x1, s4;
	[smem:$0x7FF] =	sst s3;
	s11 =	smul.u32 $0x4F000, s0  }
0x8: {  	s4 =	sadd.s32 $0x2A800, s7;
	s5 =	sadd.s32 $0x2800, s7;
	s12 =	smul.u32 $0x9E, s0  }
0x9: {  	s28 =	sshll.u32 s0, $0x6;
	s10 =	smul.u32 $0x27800, s9;
	_ =	strace $0x8000004A  }
0xa: {  	p0 =	seq.s32 s9, $0x0;
	s13 =	ssub.s32 $0x2, s9;
	s9 =	smul.u32 $0x7F, s9  }
0xb: {  	s14 =	sshrl.u32 s13, $0x1;
	s10 =	sadd.s32 s6, s10;
	s6 =	simm.s32 $0x7F  }
0xc: {  	s11 =	sshrl.u32 s11, $0x2;
	s13 =	ssub.s32 s13, s14;
	s6 =	simm.s32 @!p0 $0x1F  }
0xd: {  	s16 =	sadd.s32 s11, s2;
	s9 =	sadd.s32 s9, s12;
	s15 =	smul.u32 $0xAB, s6  }
0xe: {  	s10 =	sadd.s32 s10, s7;
	s7 =	sor.u32 $0x1C0A, s28;
	s9 =	sshll.u32 s9, $0x5  }
0xf: {  	s8 =	sadd.s32 s8, s9;
	s30 =	sadd.s32 $0xFFFFFFFF, s6;
	s29 =	sadd.s32 $0x201, s15  }
0x10: {  	s10 =	sadd.s32 $0x51A00, s10;
	s9 =	sadd.s32 $0x20, s8;
	s11 =	sshrl.u32 s29, $0x9  }
0x11: {  	[dreg:$0x4] =	wrdreg s30;
	s12 =	sadd.s32 $0x80, s8;
	s31 =	smul.u32 $0x3, s11  }
0x12: {  	s14 =	sadd.s32 $0x40, s8;
	s15 =	sshrl.u32 s16, $0x3;
	s16 =	simm.s32 $0xA  }
0x13: {  	s11 =	smax.u32 s13, $0x1;
	s13 =	sadd.s32 $0x60, s8;
	[dreg:$0x5] =	wrdreg s31  }
.LBB2_1:
0x14: {  	[spmem:s15], [sflag:s7] =	dma.local [hbm:s5], $0x2780  }
0x15: {  	_ =	swait.ge [sflag:s16], $0x2780  }
0x16: {  	[sflag:s16] =	ssyncset.done $0x0  }
0x17: {  	[sflag:s16] =	ssyncadd.s32 $0xFFFFD880  }
0x18: {  	[bflag:$0x0] =	sbarrier.arrive $0xFFFF  }
0x19: {  	[tilespmem:s3], [sflag:$0x1] =	stream.linear.gather [hbm4b:s8+s3], $0x100, $0x38;
	[tilespmem:$0x1FF00] =	vst v63  }
0x1a: {  	_ = 	snop  }
0x1b: {  	[tilespmem:s17], [sflag:$0x2] =	stream.linear.gather [hbm4b:s9+s3], $0x100, $0x38;
	[tilespmem:$0x1FF00] =	vst v63  }
0x1c: {  	_ =	swait.ge [sflag:s18], $0x100  }
0x1d: {  	s22 =	smov.u32 s14;
	s23 =	smov.u32 s13;
	[sflag:s18] =	ssyncset.done $0x0  }
0x1e: {  	s24 =	smov.u32 s12;
	s25 =	simm.s32 $0x0;
	[sflag:s18] =	ssyncadd.s32 $0xFFFFFF00  }
0x1f: {  	[tilespmem:s20], [sflag:$0x4] =	stream.indirect.gather [hbm4b:s4+s19], $0x80, s3, s19, $0xb8;
	[tilespmem:$0x1FF00] =	vst v63  }
.LBB2_2:
0x20: {  	s26 =	rddreg [dreg:$0x4]  }
0x21: {  	p0 =	sge.u32 s25, s26  }
0x22: {  	s26 =	simm.s32 @!p0 $0x2  }
0x23: {  	_ =	swait.ge @!p0 [sflag:s26], $0x100  }
0x24: {  	p1 =	sge.u32 s25, s6;
	s28 =	simm.s32 @!p0 $0x100;
	[sflag:s26] =	ssyncset.done @!p0 $0x0  }
0x25: {  	s29 =	simm.s32 @!p0 $0x4300;
	[sflag:s26] =	ssyncadd.s32 @!p0 $0xFFFFFF00;
	s26 =	simm.s32 @!p0 $0x80  }
0x26: {  	[tilespmem:s29], [sflag:$0x5] =	stream.indirect.gather @!p0 [hbm4b:s4+s26], $0x80, s28, s26, $0xb8;
	[tilespmem:$0x1FF00] =	vst v63  }
0x27: {  	s28 =	simm.s32 @!p1 $0x4  }
0x28: {  	p2 =	seq.s32 s25, $0x0;
	_ =	swait.ge @!p1 [sflag:s28], $0x4000  }
0x29: {  	s30 =	simm.s32 @!p1 $0x300;
	p3 =	sgt.u32 @!p2 s25, s6;
	[sflag:s28] =	ssyncset.done @!p1 $0x0  }
0x2a: {  	p3 =	por p3, p2;
	[sflag:s28] =	ssyncadd.s32 @!p1 $0xFFFFC000;
	s28 =	simm.s32 @!p1 $0x80  }
0x2b: {  	[spmem:s2] =	stream.indirect.scatter.add.f32 @!p1 [tilespmem:s30], [sflag:$0x7], $0x80, s28, s28, $0xb8;
	[tilespmem:$0x1FF00] =	vst v63  }
0x2c: {  	s28 =	simm.s32 @!p3 $0x9  }
0x2d: {  	s30 =	sadd.s32 $0x2, s25;
	_ =	swait.ge @!p3 [sflag:s28], $0x4000  }
0x2e: {  	p2 =	sge.u32 s30, s6;
	[sflag:s28] =	ssyncset.done @!p3 $0x0  }
0x2f: {  	s31 =	simm.s32 @!p2 $0x200;
	[sflag:s28] =	ssyncadd.s32 @!p3 $0xFFFFC000;
	s28 =	simm.s32 @!p2 $0x0  }
0x30: {  	[tilespmem:s31], [sflag:$0x3] =	stream.linear.gather @!p2 [hbm4b:s22+s28], $0x100, $0x38;
	[tilespmem:$0x1FF00] =	vst v63  }
0x31: {  	s28 =	simm.s32 @!p2 $0x3  }
0x32: {  	_ =	swait.ge @!p2 [sflag:s28], $0x100  }
0x33: {  	[sflag:s28] =	ssyncset.done @!p2 $0x0  }
0x34: {  	s0 =	simm.s32 @!p2 $0x8300;
	[sflag:s28] =	ssyncadd.s32 @!p2 $0xFFFFFF00;
	s28 =	simm.s32 @!p2 $0x80  }
0x35: {  	[tilespmem:s0], [sflag:$0x6] =	stream.indirect.gather @!p2 [hbm4b:s4+s28], $0x80, s31, s28, $0xb8;
	[tilespmem:$0x1FF00] =	vst v63  }
0x36: {  	s31 =	simm.s32 @!p0 $0x5  }
0x37: {  	_ =	swait.ge @!p0 [sflag:s31], $0x4000  }
0x38: {  	[sflag:s31] =	ssyncset.done @!p0 $0x0  }
0x39: {  	[sflag:s31] =	ssyncadd.s32 @!p0 $0xFFFFC000;
	s31 =	simm.s32 @!p0 $0x180  }
0x3a: {  	[spmem:s2] =	stream.indirect.scatter.add.f32 @!p0 [tilespmem:s29], [sflag:$0x8], $0x80, s31, s26, $0xb8;
	[tilespmem:$0x1FF00] =	vst v63  }
0x3b: {  	s26 =	simm.s32 @!p1 $0x7  }
0x3c: {  	s29 =	sadd.s32 $0x3, s25;
	_ =	swait.ge @!p1 [sflag:s26], $0x4000  }
0x3d: {  	p0 =	sge.u32 s29, s6;
	[sflag:s26] =	ssyncset.done @!p1 $0x0  }
0x3e: {  	s31 =	simm.s32 @!p0 $0x1;
	[sflag:s26] =	ssyncadd.s32 @!p1 $0xFFFFC000;
	s26 =	simm.s32 @!p0 $0x0  }
0x3f: {  	[tilespmem:s26], [sflag:$0x1] =	stream.linear.gather @!p0 [hbm4b:s23+s26], $0x100, $0x38;
	[tilespmem:$0x1FF00] =	vst v63  }
0x40: {  	_ =	swait.ge @!p0 [sflag:s31], $0x100  }
0x41: {  	[sflag:s31] =	ssyncset.done @!p0 $0x0  }
0x42: {  	s1 =	simm.s32 @!p0 $0x300;
	[sflag:s31] =	ssyncadd.s32 @!p0 $0xFFFFFF00;
	s31 =	simm.s32 @!p0 $0x80  }
0x43: {  	[tilespmem:s1], [sflag:$0x4] =	stream.indirect.gather @!p0 [hbm4b:s4+s31], $0x80, s26, s31, $0xb8;
	[tilespmem:$0x1FF00] =	vst v63  }
0x44: {  	s1 =	simm.s32 @!p2 $0x6  }
0x45: {  	_ =	swait.ge @!p2 [sflag:s1], $0x4000  }
0x46: {  	[sflag:s1] =	ssyncset.done @!p2 $0x0  }
0x47: {  	p0 =	sgt.u32 s30, s6;
	[sflag:s1] =	ssyncadd.s32 @!p2 $0xFFFFC000;
	s1 =	simm.s32 @!p2 $0x280  }
0x48: {  	[spmem:s2] =	stream.indirect.scatter.add.f32 @!p2 [tilespmem:s0], [sflag:$0x9], $0x80, s1, s28, $0xb8;
	[tilespmem:$0x1FF00] =	vst v63  }
0x49: {  	s0 =	simm.s32 @!p0 $0x8  }
0x4a: {  	_ =	swait.ge @!p0 [sflag:s0], $0x4000  }
0x4b: {  	[sflag:s0] =	ssyncset.done @!p0 $0x0;
	s31 =	rddreg [dreg:$0x5]  }
0x4c: {  	[sflag:s0] =	ssyncadd.s32 @!p0 $0xFFFFC000;
	p0 =	sne.s32 s31, s29  }
.Ltmp0:
0x4d: {  	s30 =	sadd.s32 $0x4, s25;
	(pc) =	sbr.rel @p0 .LBB2_2-.Ltmp0, $4  }
0x4e: {  	p1 =	sge.u32 s30, s6  }
0x4f: {  	s22 =	sadd.s32 $0x60, s22;
	s25 =	simm.s32 @!p1 $0x100;
	s0 =	simm.s32 @!p1 $0x0  }
0x50: {  	[tilespmem:s25], [sflag:$0x2] =	stream.linear.gather @!p1 [hbm4b:s24+s0], $0x100, $0x38;
	[tilespmem:$0x1FF00] =	vst v63  }
0x51: {  	s23 =	sadd.s32 $0x60, s23;
	s24 =	sadd.s32 $0x60, s24;
	s25 =	smov.u32 s29  }
0x52: {  	s21 =	sadd.s32 $0x1, s21  }
0x53: {  	p0 =	sne.s32 s21, s11  }
.Ltmp1:
0x54: {  	[bflag:$0x0] =	sbarrier.arrive $0xFFFF;
	(pc) =	sbr.rel @p0 .LBB2_1-.Ltmp1, $4  }
0x55: {  	[hbm:s10], [sflag:s7] =	dma.local [spmem:s15], $0x2780  }
0x56: {  	_ =	swait.ge [sflag:s16], $0x2780  }
0x57: {  	[sflag:s16] =	ssyncset.done $0x0  }
0x58: {  	[sflag:s16] =	ssyncadd.s32 $0xFFFFD880  }
0x59: {  	_ =	sfence.sel $0x180000  }
0x5a: {  	[bflag:$0x0] =	sbarrier.arrive $0xFFFF  }
0x5b: {  	_ =	strace $0x9000004A  }
0x5c: {  	s0 =	stileid.u32;
	[bflag:$0x2] =	sbarrier.arrive $0xFFFF  }
0x5d: {  	p0 =	sne.s32 s0, $0x0;
	s0 =	rddreg [dreg:$0x3]  }
0x5e: {  	s0 =	sadd.s32 @!p0 $0x100000, s0  }
0x5f: {  	[sflag:s0] =	ssyncadd.tile.s32 @!p0 $0x1;
	_ =	shalt  }
.Lfunc_end2:
_tile_overlayer_lowered:
.L_overlay_start_2:
0x60: {  	(tag) =	ssettag $0x2  }
0x61: {  	s0 =	rddreg [dreg:$0x0];
	s2 =	stileid.u32  }
0x62: {  	s1 =	rddreg [dreg:$0x1];
	p0 =	sne.s32 s2, $0x0  }
0x63: {  	s3 =	rddreg [dreg:$0x2];
	[bflag:$0x3] =	sbarrier.arrive $0xFFFF;
	s2 =	simm.s32 @!p0 $0x1C0A  }
0x64: {  	[timem:s3], [sflag:s2] =	dma.local @!p0 [hbm:s0], s1  }
0x65: {  	s0 =	simm.s32 @!p0 $0xA  }
0x66: {  	_ =	swait.ge @!p0 [sflag:s0], s1  }
0x67: {  	s1 =	ssub.s32 @!p0 $0x0, s1;
	[sflag:s0] =	ssyncset.done @!p0 $0x0  }
0x68: {  	[sflag:s0] =	ssyncadd.s32 @!p0 s1  }
0x69: {  	[bflag:$0x3] =	sbarrier.arrive $0xFFFF  }
0x6a: {  	_ =	shalt  }

// kernel: kernel.14.cloned.1.call-start
scs
__scs_entry_jumppad:
0x0: {  	(pc) =	sbr.rel $0x88, $3  }
0x1: {  	(tag) =	ssettag $0x0;
	lr =	simm.s32 $0x1  }
0x2: {  	[smem:$0x3F98] =	sst lr;
	_ =	strace $0xD0000000  }
0x3: {  	_ = 	snop  }
0x4: {  	_ = 	snop  }
0x5: {  	_ = 	snop  }
0x6: {  	_ = 	snop  }
0x7: {  	_ = 	snop  }
__scs_overlays_trampoline_lowered:
0x8: {  	[smem:$0x3FA7] =	sst s0  }
0x9: {  	[smem:$0x3FA8] =	sst s1  }
0xa: {  	[smem:$0x3FA9] =	sst s2  }
0xb: {  	[smem:$0x3FAA] =	sst s3  }
0xc: {  	[smem:$0x3FAB] =	sst s4  }
0xd: {  	[smem:$0x3FAC] =	sst s5  }
0xe: {  	[smem:$0x3FAD] =	sst s6  }
0xf: {  	[smem:$0x3FAE] =	sst s7  }
0x10: {  	[smem:$0x3FAF] =	sst s8  }
0x11: {  	[smem:$0x3FB0] =	sst s9;
	s0 =	simm.s32 @!p0 $0x0  }
0x12: {  	s1 =	sld [smem:$0x3F96];
	s0 =	simm.s32 @p0 $0x1  }
0x13: {  	[smem:$0x3FB1] =	sst s0;
	s0 =	simm.s32 @!p1 $0x0  }
0x14: {  	s2 =	sld [smem:$0x3F95];
	s0 =	simm.s32 @p1 $0x1  }
0x15: {  	[smem:$0x3FB2] =	sst s0;
	s0 =	simm.s32 @!p2 $0x0  }
0x16: {  	s3 =	sld [smem:$0x3FDB];
	s0 =	simm.s32 @p2 $0x1  }
0x17: {  	s4 =	simm.s32 $0x1BF5;
	[smem:$0x3FB4] =	sst s0  }
0x18: {  	s0 =	sld [smem:$0x3F97];
	_ =	swait.ge [sflag:s4], $0x0  }
0x19: {  	s7 =	sld [smem:$0x3F98]  }
0x1a: {  	s8 =	sadd.s32 $0xFFFFE003, lr  }
0x1b: {  	s9 =	sadd.s32 $0xFFFFFEF7, lr;
	s5 =	simm.s32 $0xFFFFFFFF;
	p2 =	slt.u32 s8, $0xFFFFF086  }
0x1c: {  	p1 =	slt.u32 s9, $0xF7A;
	s5 =	simm.s32 @!p2 $0x0  }
0x1d: {  	s5 =	simm.s32 @p1 $0x1;
	p0 =	seq.s32 s7, s2  }
0x1e: {  	s7 =	smul.u32 @!p0 $0xF7A, s2;
	p2 =	seq.s32 @!p0 s5, $0x0  }
0x1f: {  	s9 =	smul.u32 $0xF7A, s1;
	s8 =	simm.s32 @!p0 $0x1BF5;
	p2 =	por !p2, p0  }
0x20: {  	[sflag:s8] =	ssyncset.s32 @!p0 $0xFFFFF086;
	s6 =	sadd.s32 @!p0 s3, s7;
	s7 =	simm.s32 @!p0 $0x108  }
0x21: {  	s3 =	sadd.s32 s3, s9;
	s6 =	sadd.s32 @!p0 $0x88, s6;
	s7 =	simm.s32 @p2 $0x1082  }
0x22: {  	[simem:s7], [sflag:s8] =	dma.local @!p0 [hbm:s6], $0xF7A  }
0x23: {  	s9 =	sor.u32 $0xD0000000, s2;
	s6 =	simm.s32 $0x108;
	_ =	swait.ge @!p0 [sflag:s8], $0x0  }
0x24: {  	s3 =	sadd.s32 $0x88, s3;
	s6 =	simm.s32 @!p1 $0x1082;
	[sflag:s4] =	ssyncset.s32 $0xFFFFF086  }
0x25: {  	[simem:s6], [sflag:s4] =	dma.local [hbm:s3], $0xF7A  }
0x26: {  	[smem:$0x3F98] =	sst s1;
	(tag) =	ssettag s2;
	_ =	strace s9  }
0x27: {  	s1 =	sld [smem:$0x3FA8]  }
0x28: {  	s2 =	sld [smem:$0x3FA9]  }
0x29: {  	s4 =	sld [smem:$0x3FAB]  }
0x2a: {  	p0 =	seq.s32 s5, $0x0;
	s5 =	sld [smem:$0x3FAC]  }
0x2b: {  	s6 =	sld [smem:$0x3FAD]  }
0x2c: {  	s7 =	sld [smem:$0x3FAE]  }
0x2d: {  	s3 =	simm.s32 $0x108;
	s8 =	sld [smem:$0x3FAF]  }
0x2e: {  	s3 =	simm.s32 @!p0 $0x1082;
	s9 =	sld [smem:$0x3FB0]  }
0x2f: {  	lr =	sadd.s32 s0, s3;
	s0 =	sld [smem:$0x3FA7]  }
0x30: {  	s3 =	sld [smem:$0x3FAA]  }
0x31: {  	[smem:$0x3FB3] =	sst s10  }
0x32: {  	s10 =	sld [smem:$0x3FB1];
	_ =	sdelay $0x3  }
0x33: {  	p0 =	seq.s32 s10, $0x1;
	s10 =	sld [smem:$0x3FB3];
	_ =	sdelay $0x3  }
0x34: {  	[smem:$0x3FB3] =	sst s10  }
0x35: {  	s10 =	sld [smem:$0x3FB2];
	_ =	sdelay $0x3  }
0x36: {  	p1 =	seq.s32 s10, $0x1;
	s10 =	sld [smem:$0x3FB3];
	_ =	sdelay $0x3  }
0x37: {  	[smem:$0x3FB3] =	sst s10  }
0x38: {  	s10 =	sld [smem:$0x3FB4]  }
0x39: {  	_ = 	snop;
	(pc) =	sbr.ind lr, $3  }
0x3a: {  	_ = 	snop  }
0x3b: {  	_ = 	snop  }
0x3c: {  	p2 =	seq.s32 s10, $0x1;
	s10 =	sld [smem:$0x3FB3]  }
0x3d: {  	_ =	shalt  }
0x3e: {  	_ =	shalt  }
0x3f: {  	_ =	shalt  }
0x40: {  	_ =	shalt  }
0x41: {  	_ =	shalt  }
0x42: {  	_ =	shalt  }
0x43: {  	_ =	shalt  }
0x44: {  	_ =	shalt  }
0x45: {  	_ =	shalt  }
0x46: {  	_ =	shalt  }
0x47: {  	_ =	shalt  }
0x48: {  	_ =	shalt  }
0x49: {  	_ =	shalt  }
0x4a: {  	_ =	shalt  }
0x4b: {  	_ =	shalt  }
0x4c: {  	_ =	shalt  }
0x4d: {  	_ =	shalt  }
0x4e: {  	_ =	shalt  }
0x4f: {  	_ =	shalt  }
0x50: {  	_ =	shalt  }
0x51: {  	_ =	shalt  }
0x52: {  	_ =	shalt  }
0x53: {  	_ =	shalt  }
0x54: {  	_ =	shalt  }
0x55: {  	_ =	shalt  }
0x56: {  	_ =	shalt  }
0x57: {  	_ =	shalt  }
0x58: {  	_ =	shalt  }
0x59: {  	_ =	shalt  }
0x5a: {  	_ =	shalt  }
0x5b: {  	_ =	shalt  }
0x5c: {  	_ =	shalt  }
0x5d: {  	_ =	shalt  }
0x5e: {  	_ =	shalt  }
0x5f: {  	_ =	shalt  }
0x60: {  	_ =	shalt  }
0x61: {  	_ =	shalt  }
0x62: {  	_ =	shalt  }
0x63: {  	_ =	shalt  }
0x64: {  	_ =	shalt  }
0x65: {  	_ =	shalt  }
0x66: {  	_ =	shalt  }
0x67: {  	_ =	shalt  }
0x68: {  	_ =	shalt  }
0x69: {  	_ =	shalt  }
0x6a: {  	_ =	shalt  }
0x6b: {  	_ =	shalt  }
0x6c: {  	_ =	shalt  }
0x6d: {  	_ =	shalt  }
0x6e: {  	_ =	shalt  }
0x6f: {  	_ =	shalt  }
0x70: {  	_ =	shalt  }
0x71: {  	_ =	shalt  }
0x72: {  	_ =	shalt  }
0x73: {  	_ =	shalt  }
0x74: {  	_ =	shalt  }
0x75: {  	_ =	shalt  }
0x76: {  	_ =	shalt  }
0x77: {  	_ =	shalt  }
0x78: {  	_ =	shalt  }
0x79: {  	_ =	shalt  }
0x7a: {  	_ =	shalt  }
0x7b: {  	_ =	shalt  }
0x7c: {  	_ =	shalt  }
0x7d: {  	_ =	shalt  }
0x7e: {  	_ =	shalt  }
0x7f: {  	_ =	shalt  }
0x80: {  	_ =	shalt  }
0x81: {  	_ =	shalt  }
0x82: {  	_ =	shalt  }
0x83: {  	_ =	shalt  }
0x84: {  	_ =	shalt  }
0x85: {  	_ =	shalt  }
0x86: {  	_ =	shalt  }
0x87: {  	_ =	shalt  }
.Lfunc_end0:
.L_simem_size_0:
called_computation.2_lowered:
.L_overlay_start_0:
0x88: {  	s2 =	sld [smem:$0x3FD9]  }
0x89: {  	s3 =	sld [smem:$0x3FFE];
	_ =	sdelay $0x1  }
0x8a: {  	s1 =	srdreg.scid  }
0x8b: {  	s0 =	sand.u32 $0x1, s1  }
0x8c: {  	s17 =	sshll.u32 s0, $0xA;
	s2 =	sadd.s32 s3, s2  }
0x8d: {  	s2 =	sadd.s32 s2, s17  }
0x8e: {  	[smem:$0x3FBF] =	sst s2  }
0x8f: {  	_ = 	snop  }
0x90: {  	s2 =	sld [smem:$0x3FD0];
	(tm) =	ssettm $0x1  }
0x91: {  	s18 =	sld [smem:$0x3FFB];
	_ =	sdelay $0x3  }
0x92: {  	_ =	strace s18  }
0x93: {  	s3 =	sld [smem:$0x3FFC];
	_ =	sdelay $0x3  }
0x94: {  	_ =	strace s3  }
0x95: {  	s3 =	sld [smem:$0x3FFD];
	_ =	sdelay $0x3  }
0x96: {  	_ =	strace s3  }
0x97: {  	_ =	strace $0x8FFFFFFF  }
0x98: {  	s19 =	sld [smem:$0x3FDB];
	_ =	sdelay $0x1  }
0x99: {  	s4 =	simm.s32 $_scs_section_size  }
0x9a: {  	s5 =	simm.s32 $_size__tile_overlayer_lowered;
	s6 =	simm.s32 $_tile_overlayer_lowered  }
0x9b: {  	s22 =	simm.s32 $0x1BFF;
	s21 =	sshll.u32 s6, $0x1;
	s3 =	sadd.s32 s4, s19  }
0x9c: {  	s7 =	simm.s32 $0x0;
	s20 =	sshll.u32 s5, $0x1;
	s5 =	sadd.s32 s21, s3  }
0x9d: {  	[timem:s7], [sflag:s22] =	dma.local [hbm:s5], s20  }
0x9e: {  	_ =	swait.ge [sflag:s22], s20  }
0x9f: {  	s4 =	ssub.s32 $0x0, s20;
	[sflag:s22] =	ssyncset.done $0x0  }
0xa0: {  	[sflag:s22] =	ssyncadd.s32 s4;
	_ =	sdelay $0x1  }
0xa1: {  	s23 =	simm.s32 $0x1B8B  }
0xa2: {  	_ =	swait.ge [sflag:s23], $0x1  }
0xa3: {  	[sflag:s23] =	ssyncset.done $0x0  }
0xa4: {  	s25 =	simm.s32 $0x1B8E;
	s24 =	sld [smem:$0x3FFE];
	[sflag:s23] =	ssyncadd.s32 $0xFFFFFFFF  }
0xa5: {  	s26 =	simm.s32 $execute0_lowered;
	[smem:$0x3FD2] =	sst s25  }
0xa6: {  	s5 =	sshll.u32 s26, $0x1;
	_ =	strace $0x8000004C;
	[dreg:$0x1] =	wrdreg $0xFFFFFFFF  }
0xa7: {  	s28 =	simm.s32 $_size_execute0_lowered;
	s3 =	sadd.s32 s3, s5;
	[dreg:$0x0] =	wrdreg $0x0  }
0xa8: {  	s5 =	sshll.u32 s28, $0x1;
	[dreg:$0x2] =	wrdreg s3  }
0xa9: {  	[dreg:$0x3] =	wrdreg s5  }
0xaa: {  	[dreg:$0x4] =	wrdreg $0xC0  }
0xab: {  	_ =	task [dreg:s7], $0x5FFFF  }
0xac: {  	[dreg:$0x1] =	wrdreg $0xFFFFFFFF  }
0xad: {  	[dreg:$0x0] =	wrdreg $0x60  }
0xae: {  	[dreg:$0x2] =	wrdreg s24  }
0xaf: {  	[dreg:$0x3] =	wrdreg s2  }
0xb0: {  	[dreg:$0x4] =	wrdreg $0xAB000  }
0xb1: {  	[dreg:$0x5] =	wrdreg $0x9  }
0xb2: {  	_ =	task.clear_ibuf [dreg:s7], $0x6FFFF;
	_ =	strace $0x9000004C  }
0xb3: {  	s29 =	simm.s32 $0x9;
	_ =	strace $0x8000004E  }
0xb4: {  	_ =	swait.ge [sflag:s29], $0x1  }
0xb5: {  	[sflag:s29] =	ssyncadd.s32 $0xFFFFFFFF  }
0xb6: {  	_ =	strace $0x9000004E  }
0xb7: {  	_ =	sfence  }
0xb8: {  	s30 =	sld [smem:$0x0];
	_ =	sdelay $0x2  }
0xb9: {  	s31 =	sshll.u32 s1, $0xD;
	s1 =	sshrl.u32 s1, $0x2  }
0xba: {  	s3 =	sand.u32 $0x4000, s31;
	s1 =	sadd.s32 s1, s30  }
0xbb: {  	s0 =	sor.u32 s3, s0;
	s1 =	sshll.u32 s1, $0x11  }
0xbc: {  	s0 =	sor.u32 s1, s0  }
0xbd: {  	s0 =	sadd.s32 $0x8F2B, s0  }
0xbe: {  	[sflag:s0] =	ssyncadd.remote.s32 $0x1  }
0xbf: {  	_ =	sfence.sel $0xFFFF  }
0xc0: {  	[dreg:$0x0] =	wrdreg $0xFFFFFFFF;
	(pc) =	sbr.abs _section_cstart, $3  }
0xc1: {  	[dreg:$0x1] =	wrdreg $0xFFFFFFFF  }
0xc2: {  	_ =	task.clear_ibuf [dreg:s7], $0x2FFFF;
	_ =	strace $0x9FFFFFFF  }
0xc3: {  	(tm) =	ssettm $0x7FFFFFFF  }
tec
execute0_lowered:
.L_overlay_start_1:
0x0: {  	(tag) =	ssettag $0x1  }
0x1: {  	s7 =	rddreg [dreg:$0x0]  }
0x2: {  	s8 =	rddreg [dreg:$0x1]  }
0x3: {  	s2 =	rddreg [dreg:$0x2]  }
0x4: {  	s4 =	srdreg.scid;
	s0 =	stileid.u32;
	s3 =	simm.s32 $0x0  }
0x5: {  	s17 =	simm.s32 $0x100;
	s18 =	simm.s32 $0x1;
	s19 =	simm.s32 $0x80  }
0x6: {  	s20 =	simm.s32 $0x300;
	s21 =	simm.s32 $0x0;
	s6 =	smul.u32 $0x2290, s0  }
0x7: {  	s9 =	sand.u32 $0x1, s4;
	[smem:$0x7FF] =	sst s3;
	s11 =	smul.u32 $0x45200, s0  }
0x8: {  	s4 =	sadd.s32 $0x2800, s7;
	s5 =	sadd.s32 $0x24C00, s7;
	s12 =	smul.u32 $0x9E, s0  }
0x9: {  	s28 =	sshll.u32 s0, $0x6;
	s10 =	smul.u32 $0x22900, s9;
	_ =	strace $0x8000004D  }
0xa: {  	p0 =	seq.s32 s9, $0x0;
	s13 =	ssub.s32 $0x2, s9;
	s9 =	smul.u32 $0x7F, s9  }
0xb: {  	s14 =	sshrl.u32 s13, $0x1;
	s10 =	sadd.s32 s6, s10;
	s6 =	simm.s32 $0x7F  }
0xc: {  	s11 =	sshrl.u32 s11, $0x2;
	s13 =	ssub.s32 s13, s14;
	s6 =	simm.s32 @!p0 $0x1F  }
0xd: {  	s16 =	sadd.s32 s11, s2;
	s9 =	sadd.s32 s9, s12;
	s15 =	smul.u32 $0xAB, s6  }
0xe: {  	s10 =	sadd.s32 s10, s7;
	s7 =	sor.u32 $0x1C0A, s28;
	s9 =	sshll.u32 s9, $0x5  }
0xf: {  	s8 =	sadd.s32 s8, s9;
	s30 =	sadd.s32 $0xFFFFFFFF, s6;
	s29 =	sadd.s32 $0x201, s15  }
0x10: {  	s10 =	sadd.s32 $0x27000, s10;
	s9 =	sadd.s32 $0x20, s8;
	s11 =	sshrl.u32 s29, $0x9  }
0x11: {  	[dreg:$0x4] =	wrdreg s30;
	s12 =	sadd.s32 $0x80, s8;
	s31 =	smul.u32 $0x3, s11  }
0x12: {  	s14 =	sadd.s32 $0x40, s8;
	s15 =	sshrl.u32 s16, $0x3;
	s16 =	simm.s32 $0xA  }
0x13: {  	s11 =	smax.u32 s13, $0x1;
	s13 =	sadd.s32 $0x60, s8;
	[dreg:$0x5] =	wrdreg s31  }
.LBB2_1:
0x14: {  	[spmem:s15], [sflag:s7] =	dma.local [hbm:s5], $0x2290  }
0x15: {  	_ =	swait.ge [sflag:s16], $0x2290  }
0x16: {  	[sflag:s16] =	ssyncset.done $0x0  }
0x17: {  	[sflag:s16] =	ssyncadd.s32 $0xFFFFDD70  }
0x18: {  	[bflag:$0x0] =	sbarrier.arrive $0xFFFF  }
0x19: {  	[tilespmem:s3], [sflag:$0x1] =	stream.linear.gather [hbm4b:s8+s3], $0x100, $0x38;
	[tilespmem:$0x1BF80] =	vst v63  }
0x1a: {  	_ = 	snop  }
0x1b: {  	[tilespmem:s17], [sflag:$0x2] =	stream.linear.gather [hbm4b:s9+s3], $0x100, $0x38;
	[tilespmem:$0x1BF80] =	vst v63  }
0x1c: {  	_ =	swait.ge [sflag:s18], $0x100  }
0x1d: {  	s22 =	smov.u32 s14;
	s23 =	smov.u32 s13;
	[sflag:s18] =	ssyncset.done $0x0  }
0x1e: {  	s24 =	smov.u32 s12;
	s25 =	simm.s32 $0x0;
	[sflag:s18] =	ssyncadd.s32 $0xFFFFFF00  }
0x1f: {  	[tilespmem:s20], [sflag:$0x4] =	stream.indirect.gather [hbm4b:s4+s19], $0x70, s3, s19, $0xb8;
	[tilespmem:$0x1BF80] =	vst v63  }
.LBB2_2:
0x20: {  	s26 =	rddreg [dreg:$0x4]  }
0x21: {  	p0 =	sge.u32 s25, s26  }
0x22: {  	s26 =	simm.s32 @!p0 $0x2  }
0x23: {  	_ =	swait.ge @!p0 [sflag:s26], $0x100  }
0x24: {  	p1 =	sge.u32 s25, s6;
	s28 =	simm.s32 @!p0 $0x100;
	[sflag:s26] =	ssyncset.done @!p0 $0x0  }
0x25: {  	s29 =	simm.s32 @!p0 $0x3B00;
	[sflag:s26] =	ssyncadd.s32 @!p0 $0xFFFFFF00;
	s26 =	simm.s32 @!p0 $0x80  }
0x26: {  	[tilespmem:s29], [sflag:$0x5] =	stream.indirect.gather @!p0 [hbm4b:s4+s26], $0x70, s28, s26, $0xb8;
	[tilespmem:$0x1BF80] =	vst v63  }
0x27: {  	s28 =	simm.s32 @!p1 $0x4  }
0x28: {  	p2 =	seq.s32 s25, $0x0;
	_ =	swait.ge @!p1 [sflag:s28], $0x3800  }
0x29: {  	s30 =	simm.s32 @!p1 $0x300;
	p3 =	sgt.u32 @!p2 s25, s6;
	[sflag:s28] =	ssyncset.done @!p1 $0x0  }
0x2a: {  	p3 =	por p3, p2;
	[sflag:s28] =	ssyncadd.s32 @!p1 $0xFFFFC800;
	s28 =	simm.s32 @!p1 $0x80  }
0x2b: {  	[spmem:s2] =	stream.indirect.scatter.add.f32 @!p1 [tilespmem:s30], [sflag:$0x7], $0x70, s28, s28, $0xb8;
	[tilespmem:$0x1BF80] =	vst v63  }
0x2c: {  	s28 =	simm.s32 @!p3 $0x9  }
0x2d: {  	s30 =	sadd.s32 $0x2, s25;
	_ =	swait.ge @!p3 [sflag:s28], $0x3800  }
0x2e: {  	p2 =	sge.u32 s30, s6;
	[sflag:s28] =	ssyncset.done @!p3 $0x0  }
0x2f: {  	s31 =	simm.s32 @!p2 $0x200;
	[sflag:s28] =	ssyncadd.s32 @!p3 $0xFFFFC800;
	s28 =	simm.s32 @!p2 $0x0  }
0x30: {  	[tilespmem:s31], [sflag:$0x3] =	stream.linear.gather @!p2 [hbm4b:s22+s28], $0x100, $0x38;
	[tilespmem:$0x1BF80] =	vst v63  }
0x31: {  	s28 =	simm.s32 @!p2 $0x3  }
0x32: {  	_ =	swait.ge @!p2 [sflag:s28], $0x100  }
0x33: {  	[sflag:s28] =	ssyncset.done @!p2 $0x0  }
0x34: {  	s0 =	simm.s32 @!p2 $0x7300;
	[sflag:s28] =	ssyncadd.s32 @!p2 $0xFFFFFF00;
	s28 =	simm.s32 @!p2 $0x80  }
0x35: {  	[tilespmem:s0], [sflag:$0x6] =	stream.indirect.gather @!p2 [hbm4b:s4+s28], $0x70, s31, s28, $0xb8;
	[tilespmem:$0x1BF80] =	vst v63  }
0x36: {  	s31 =	simm.s32 @!p0 $0x5  }
0x37: {  	_ =	swait.ge @!p0 [sflag:s31], $0x3800  }
0x38: {  	[sflag:s31] =	ssyncset.done @!p0 $0x0  }
0x39: {  	[sflag:s31] =	ssyncadd.s32 @!p0 $0xFFFFC800;
	s31 =	simm.s32 @!p0 $0x180  }
0x3a: {  	[spmem:s2] =	stream.indirect.scatter.add.f32 @!p0 [tilespmem:s29], [sflag:$0x8], $0x70, s31, s26, $0xb8;
	[tilespmem:$0x1BF80] =	vst v63  }
0x3b: {  	s26 =	simm.s32 @!p1 $0x7  }
0x3c: {  	s29 =	sadd.s32 $0x3, s25;
	_ =	swait.ge @!p1 [sflag:s26], $0x3800  }
0x3d: {  	p0 =	sge.u32 s29, s6;
	[sflag:s26] =	ssyncset.done @!p1 $0x0  }
0x3e: {  	s31 =	simm.s32 @!p0 $0x1;
	[sflag:s26] =	ssyncadd.s32 @!p1 $0xFFFFC800;
	s26 =	simm.s32 @!p0 $0x0  }
0x3f: {  	[tilespmem:s26], [sflag:$0x1] =	stream.linear.gather @!p0 [hbm4b:s23+s26], $0x100, $0x38;
	[tilespmem:$0x1BF80] =	vst v63  }
0x40: {  	_ =	swait.ge @!p0 [sflag:s31], $0x100  }
0x41: {  	[sflag:s31] =	ssyncset.done @!p0 $0x0  }
0x42: {  	s1 =	simm.s32 @!p0 $0x300;
	[sflag:s31] =	ssyncadd.s32 @!p0 $0xFFFFFF00;
	s31 =	simm.s32 @!p0 $0x80  }
0x43: {  	[tilespmem:s1], [sflag:$0x4] =	stream.indirect.gather @!p0 [hbm4b:s4+s31], $0x70, s26, s31, $0xb8;
	[tilespmem:$0x1BF80] =	vst v63  }
0x44: {  	s1 =	simm.s32 @!p2 $0x6  }
0x45: {  	_ =	swait.ge @!p2 [sflag:s1], $0x3800  }
0x46: {  	[sflag:s1] =	ssyncset.done @!p2 $0x0  }
0x47: {  	p0 =	sgt.u32 s30, s6;
	[sflag:s1] =	ssyncadd.s32 @!p2 $0xFFFFC800;
	s1 =	simm.s32 @!p2 $0x280  }
0x48: {  	[spmem:s2] =	stream.indirect.scatter.add.f32 @!p2 [tilespmem:s0], [sflag:$0x9], $0x70, s1, s28, $0xb8;
	[tilespmem:$0x1BF80] =	vst v63  }
0x49: {  	s0 =	simm.s32 @!p0 $0x8  }
0x4a: {  	_ =	swait.ge @!p0 [sflag:s0], $0x3800  }
0x4b: {  	[sflag:s0] =	ssyncset.done @!p0 $0x0;
	s31 =	rddreg [dreg:$0x5]  }
0x4c: {  	[sflag:s0] =	ssyncadd.s32 @!p0 $0xFFFFC800;
	p0 =	sne.s32 s31, s29  }
.Ltmp0:
0x4d: {  	s30 =	sadd.s32 $0x4, s25;
	(pc) =	sbr.rel @p0 .LBB2_2-.Ltmp0, $4  }
0x4e: {  	p1 =	sge.u32 s30, s6  }
0x4f: {  	s22 =	sadd.s32 $0x60, s22;
	s25 =	simm.s32 @!p1 $0x100;
	s0 =	simm.s32 @!p1 $0x0  }
0x50: {  	[tilespmem:s25], [sflag:$0x2] =	stream.linear.gather @!p1 [hbm4b:s24+s0], $0x100, $0x38;
	[tilespmem:$0x1BF80] =	vst v63  }
0x51: {  	s23 =	sadd.s32 $0x60, s23;
	s24 =	sadd.s32 $0x60, s24;
	s25 =	smov.u32 s29  }
0x52: {  	s21 =	sadd.s32 $0x1, s21  }
0x53: {  	p0 =	sne.s32 s21, s11  }
.Ltmp1:
0x54: {  	[bflag:$0x0] =	sbarrier.arrive $0xFFFF;
	(pc) =	sbr.rel @p0 .LBB2_1-.Ltmp1, $4  }
0x55: {  	[hbm:s10], [sflag:s7] =	dma.local [spmem:s15], $0x2290  }
0x56: {  	_ =	swait.ge [sflag:s16], $0x2290  }
0x57: {  	[sflag:s16] =	ssyncset.done $0x0  }
0x58: {  	[sflag:s16] =	ssyncadd.s32 $0xFFFFDD70  }
0x59: {  	_ =	sfence.sel $0x180000  }
0x5a: {  	[bflag:$0x0] =	sbarrier.arrive $0xFFFF  }
0x5b: {  	_ =	strace $0x9000004D  }
0x5c: {  	s0 =	stileid.u32;
	[bflag:$0x2] =	sbarrier.arrive $0xFFFF  }
0x5d: {  	p0 =	sne.s32 s0, $0x0;
	s0 =	rddreg [dreg:$0x3]  }
0x5e: {  	s0 =	sadd.s32 @!p0 $0x100000, s0  }
0x5f: {  	[sflag:s0] =	ssyncadd.tile.s32 @!p0 $0x1;
	_ =	shalt  }
.Lfunc_end2:
_tile_overlayer_lowered:
.L_overlay_start_2:
0x60: {  	(tag) =	ssettag $0x2  }
0x61: {  	s0 =	rddreg [dreg:$0x0];
	s2 =	stileid.u32  }
0x62: {  	s1 =	rddreg [dreg:$0x1];
	p0 =	sne.s32 s2, $0x0  }
0x63: {  	s3 =	rddreg [dreg:$0x2];
	[bflag:$0x3] =	sbarrier.arrive $0xFFFF;
	s2 =	simm.s32 @!p0 $0x1C0A  }
0x64: {  	[timem:s3], [sflag:s2] =	dma.local @!p0 [hbm:s0], s1  }
0x65: {  	s0 =	simm.s32 @!p0 $0xA  }
0x66: {  	_ =	swait.ge @!p0 [sflag:s0], s1  }
0x67: {  	s1 =	ssub.s32 @!p0 $0x0, s1;
	[sflag:s0] =	ssyncset.done @!p0 $0x0  }
0x68: {  	[sflag:s0] =	ssyncadd.s32 @!p0 s1  }
0x69: {  	[bflag:$0x3] =	sbarrier.arrive $0xFFFF  }
0x6a: {  	_ =	shalt  }

// kernel: kernel.8.cloned.1.call-start
scs
__scs_entry_jumppad:
0x0: {  	(pc) =	sbr.rel $0x88, $3  }
0x1: {  	(tag) =	ssettag $0x0;
	lr =	simm.s32 $0x1  }
0x2: {  	[smem:$0x3F98] =	sst lr;
	_ =	strace $0xD0000000  }
0x3: {  	_ = 	snop  }
0x4: {  	_ = 	snop  }
0x5: {  	_ = 	snop  }
0x6: {  	_ = 	snop  }
0x7: {  	_ = 	snop  }
__scs_overlays_trampoline_lowered:
0x8: {  	[smem:$0x3FA7] =	sst s0  }
0x9: {  	[smem:$0x3FA8] =	sst s1  }
0xa: {  	[smem:$0x3FA9] =	sst s2  }
0xb: {  	[smem:$0x3FAA] =	sst s3  }
0xc: {  	[smem:$0x3FAB] =	sst s4  }
0xd: {  	[smem:$0x3FAC] =	sst s5  }
0xe: {  	[smem:$0x3FAD] =	sst s6  }
0xf: {  	[smem:$0x3FAE] =	sst s7  }
0x10: {  	[smem:$0x3FAF] =	sst s8  }
0x11: {  	[smem:$0x3FB0] =	sst s9;
	s0 =	simm.s32 @!p0 $0x0  }
0x12: {  	s1 =	sld [smem:$0x3F96];
	s0 =	simm.s32 @p0 $0x1  }
0x13: {  	[smem:$0x3FB1] =	sst s0;
	s0 =	simm.s32 @!p1 $0x0  }
0x14: {  	s2 =	sld [smem:$0x3F95];
	s0 =	simm.s32 @p1 $0x1  }
0x15: {  	[smem:$0x3FB2] =	sst s0;
	s0 =	simm.s32 @!p2 $0x0  }
0x16: {  	s3 =	sld [smem:$0x3FDB];
	s0 =	simm.s32 @p2 $0x1  }
0x17: {  	s4 =	simm.s32 $0x1BF5;
	[smem:$0x3FB4] =	sst s0  }
0x18: {  	s0 =	sld [smem:$0x3F97];
	_ =	swait.ge [sflag:s4], $0x0  }
0x19: {  	s7 =	sld [smem:$0x3F98]  }
0x1a: {  	s8 =	sadd.s32 $0xFFFFE003, lr  }
0x1b: {  	s9 =	sadd.s32 $0xFFFFFEF7, lr;
	s5 =	simm.s32 $0xFFFFFFFF;
	p2 =	slt.u32 s8, $0xFFFFF086  }
0x1c: {  	p1 =	slt.u32 s9, $0xF7A;
	s5 =	simm.s32 @!p2 $0x0  }
0x1d: {  	s5 =	simm.s32 @p1 $0x1;
	p0 =	seq.s32 s7, s2  }
0x1e: {  	s7 =	smul.u32 @!p0 $0xF7A, s2;
	p2 =	seq.s32 @!p0 s5, $0x0  }
0x1f: {  	s9 =	smul.u32 $0xF7A, s1;
	s8 =	simm.s32 @!p0 $0x1BF5;
	p2 =	por !p2, p0  }
0x20: {  	[sflag:s8] =	ssyncset.s32 @!p0 $0xFFFFF086;
	s6 =	sadd.s32 @!p0 s3, s7;
	s7 =	simm.s32 @!p0 $0x108  }
0x21: {  	s3 =	sadd.s32 s3, s9;
	s6 =	sadd.s32 @!p0 $0x88, s6;
	s7 =	simm.s32 @p2 $0x1082  }
0x22: {  	[simem:s7], [sflag:s8] =	dma.local @!p0 [hbm:s6], $0xF7A  }
0x23: {  	s9 =	sor.u32 $0xD0000000, s2;
	s6 =	simm.s32 $0x108;
	_ =	swait.ge @!p0 [sflag:s8], $0x0  }
0x24: {  	s3 =	sadd.s32 $0x88, s3;
	s6 =	simm.s32 @!p1 $0x1082;
	[sflag:s4] =	ssyncset.s32 $0xFFFFF086  }
0x25: {  	[simem:s6], [sflag:s4] =	dma.local [hbm:s3], $0xF7A  }
0x26: {  	[smem:$0x3F98] =	sst s1;
	(tag) =	ssettag s2;
	_ =	strace s9  }
0x27: {  	s1 =	sld [smem:$0x3FA8]  }
0x28: {  	s2 =	sld [smem:$0x3FA9]  }
0x29: {  	s4 =	sld [smem:$0x3FAB]  }
0x2a: {  	p0 =	seq.s32 s5, $0x0;
	s5 =	sld [smem:$0x3FAC]  }
0x2b: {  	s6 =	sld [smem:$0x3FAD]  }
0x2c: {  	s7 =	sld [smem:$0x3FAE]  }
0x2d: {  	s3 =	simm.s32 $0x108;
	s8 =	sld [smem:$0x3FAF]  }
0x2e: {  	s3 =	simm.s32 @!p0 $0x1082;
	s9 =	sld [smem:$0x3FB0]  }
0x2f: {  	lr =	sadd.s32 s0, s3;
	s0 =	sld [smem:$0x3FA7]  }
0x30: {  	s3 =	sld [smem:$0x3FAA]  }
0x31: {  	[smem:$0x3FB3] =	sst s10  }
0x32: {  	s10 =	sld [smem:$0x3FB1];
	_ =	sdelay $0x3  }
0x33: {  	p0 =	seq.s32 s10, $0x1;
	s10 =	sld [smem:$0x3FB3];
	_ =	sdelay $0x3  }
0x34: {  	[smem:$0x3FB3] =	sst s10  }
0x35: {  	s10 =	sld [smem:$0x3FB2];
	_ =	sdelay $0x3  }
0x36: {  	p1 =	seq.s32 s10, $0x1;
	s10 =	sld [smem:$0x3FB3];
	_ =	sdelay $0x3  }
0x37: {  	[smem:$0x3FB3] =	sst s10  }
0x38: {  	s10 =	sld [smem:$0x3FB4]  }
0x39: {  	_ = 	snop;
	(pc) =	sbr.ind lr, $3  }
0x3a: {  	_ = 	snop  }
0x3b: {  	_ = 	snop  }
0x3c: {  	p2 =	seq.s32 s10, $0x1;
	s10 =	sld [smem:$0x3FB3]  }
0x3d: {  	_ =	shalt  }
0x3e: {  	_ =	shalt  }
0x3f: {  	_ =	shalt  }
0x40: {  	_ =	shalt  }
0x41: {  	_ =	shalt  }
0x42: {  	_ =	shalt  }
0x43: {  	_ =	shalt  }
0x44: {  	_ =	shalt  }
0x45: {  	_ =	shalt  }
0x46: {  	_ =	shalt  }
0x47: {  	_ =	shalt  }
0x48: {  	_ =	shalt  }
0x49: {  	_ =	shalt  }
0x4a: {  	_ =	shalt  }
0x4b: {  	_ =	shalt  }
0x4c: {  	_ =	shalt  }
0x4d: {  	_ =	shalt  }
0x4e: {  	_ =	shalt  }
0x4f: {  	_ =	shalt  }
0x50: {  	_ =	shalt  }
0x51: {  	_ =	shalt  }
0x52: {  	_ =	shalt  }
0x53: {  	_ =	shalt  }
0x54: {  	_ =	shalt  }
0x55: {  	_ =	shalt  }
0x56: {  	_ =	shalt  }
0x57: {  	_ =	shalt  }
0x58: {  	_ =	shalt  }
0x59: {  	_ =	shalt  }
0x5a: {  	_ =	shalt  }
0x5b: {  	_ =	shalt  }
0x5c: {  	_ =	shalt  }
0x5d: {  	_ =	shalt  }
0x5e: {  	_ =	shalt  }
0x5f: {  	_ =	shalt  }
0x60: {  	_ =	shalt  }
0x61: {  	_ =	shalt  }
0x62: {  	_ =	shalt  }
0x63: {  	_ =	shalt  }
0x64: {  	_ =	shalt  }
0x65: {  	_ =	shalt  }
0x66: {  	_ =	shalt  }
0x67: {  	_ =	shalt  }
0x68: {  	_ =	shalt  }
0x69: {  	_ =	shalt  }
0x6a: {  	_ =	shalt  }
0x6b: {  	_ =	shalt  }
0x6c: {  	_ =	shalt  }
0x6d: {  	_ =	shalt  }
0x6e: {  	_ =	shalt  }
0x6f: {  	_ =	shalt  }
0x70: {  	_ =	shalt  }
0x71: {  	_ =	shalt  }
0x72: {  	_ =	shalt  }
0x73: {  	_ =	shalt  }
0x74: {  	_ =	shalt  }
0x75: {  	_ =	shalt  }
0x76: {  	_ =	shalt  }
0x77: {  	_ =	shalt  }
0x78: {  	_ =	shalt  }
0x79: {  	_ =	shalt  }
0x7a: {  	_ =	shalt  }
0x7b: {  	_ =	shalt  }
0x7c: {  	_ =	shalt  }
0x7d: {  	_ =	shalt  }
0x7e: {  	_ =	shalt  }
0x7f: {  	_ =	shalt  }
0x80: {  	_ =	shalt  }
0x81: {  	_ =	shalt  }
0x82: {  	_ =	shalt  }
0x83: {  	_ =	shalt  }
0x84: {  	_ =	shalt  }
0x85: {  	_ =	shalt  }
0x86: {  	_ =	shalt  }
0x87: {  	_ =	shalt  }
.Lfunc_end0:
.L_simem_size_0:
called_computation_lowered:
.L_overlay_start_0:
0x88: {  	s2 =	sld [smem:$0x3FD9]  }
0x89: {  	s3 =	sld [smem:$0x3FFE];
	_ =	sdelay $0x1  }
0x8a: {  	s1 =	srdreg.scid  }
0x8b: {  	s0 =	sand.u32 $0x1, s1  }
0x8c: {  	s16 =	sshll.u32 s0, $0xA;
	s2 =	sadd.s32 s3, s2  }
0x8d: {  	s2 =	sadd.s32 s2, s16  }
0x8e: {  	[smem:$0x3FBF] =	sst s2  }
0x8f: {  	_ = 	snop  }
0x90: {  	(tm) =	ssettm $0x1  }
0x91: {  	s17 =	sld [smem:$0x3FFB];
	_ =	sdelay $0x3  }
0x92: {  	_ =	strace s17  }
0x93: {  	s2 =	sld [smem:$0x3FFC];
	_ =	sdelay $0x3  }
0x94: {  	_ =	strace s2  }
0x95: {  	s2 =	sld [smem:$0x3FFD];
	_ =	sdelay $0x3  }
0x96: {  	_ =	strace s2  }
0x97: {  	_ =	strace $0x8FFFFFFF  }
0x98: {  	s18 =	sld [smem:$0x3FDB];
	_ =	sdelay $0x1  }
0x99: {  	s19 =	simm.s32 $_scs_section_size  }
0x9a: {  	s4 =	simm.s32 $_size__tile_overlayer_lowered;
	s5 =	simm.s32 $_tile_overlayer_lowered  }
0x9b: {  	s22 =	simm.s32 $0x1BFF;
	s21 =	sshll.u32 s5, $0x1;
	s2 =	sadd.s32 s19, s18  }
0x9c: {  	s6 =	simm.s32 $0x0;
	s20 =	sshll.u32 s4, $0x1;
	s4 =	sadd.s32 s21, s2  }
0x9d: {  	[timem:s6], [sflag:s22] =	dma.local [hbm:s4], s20  }
0x9e: {  	_ =	swait.ge [sflag:s22], s20  }
0x9f: {  	s3 =	ssub.s32 $0x0, s20;
	[sflag:s22] =	ssyncset.done $0x0  }
0xa0: {  	[sflag:s22] =	ssyncadd.s32 s3;
	_ =	sdelay $0x1  }
0xa1: {  	s23 =	simm.s32 $0x1B8B  }
0xa2: {  	_ =	swait.ge [sflag:s23], $0x1  }
0xa3: {  	[sflag:s23] =	ssyncset.done $0x0  }
0xa4: {  	s25 =	simm.s32 $0x1B8E;
	s24 =	sld [smem:$0x3FFE];
	[sflag:s23] =	ssyncadd.s32 $0xFFFFFFFF  }
0xa5: {  	s26 =	simm.s32 $execute0_lowered;
	[smem:$0x3FD2] =	sst s25  }
0xa6: {  	s4 =	sshll.u32 s26, $0x1;
	_ =	strace $0x80000046;
	[dreg:$0x1] =	wrdreg $0xFFFFFFFF  }
0xa7: {  	s28 =	simm.s32 $_size_execute0_lowered;
	s2 =	sadd.s32 s2, s4;
	[dreg:$0x0] =	wrdreg $0x0  }
0xa8: {  	s4 =	sshll.u32 s28, $0x1;
	[dreg:$0x2] =	wrdreg s2  }
0xa9: {  	[dreg:$0x3] =	wrdreg s4  }
0xaa: {  	[dreg:$0x4] =	wrdreg $0xC0  }
0xab: {  	_ =	task [dreg:s6], $0x5FFFF  }
0xac: {  	[dreg:$0x1] =	wrdreg $0xFFFFFFFF  }
0xad: {  	[dreg:$0x0] =	wrdreg $0x60  }
0xae: {  	[dreg:$0x2] =	wrdreg s24  }
0xaf: {  	[dreg:$0x3] =	wrdreg $0xB000  }
0xb0: {  	[dreg:$0x4] =	wrdreg $0x32800  }
0xb1: {  	[dreg:$0x5] =	wrdreg $0x9  }
0xb2: {  	_ =	task.clear_ibuf [dreg:s6], $0x6FFFF;
	_ =	strace $0x90000046  }
0xb3: {  	s29 =	simm.s32 $0x9;
	_ =	strace $0x80000048  }
0xb4: {  	_ =	swait.ge [sflag:s29], $0x1  }
0xb5: {  	[sflag:s29] =	ssyncadd.s32 $0xFFFFFFFF  }
0xb6: {  	_ =	strace $0x90000048  }
0xb7: {  	_ =	sfence  }
0xb8: {  	s30 =	sld [smem:$0x0];
	_ =	sdelay $0x2  }
0xb9: {  	s31 =	sshll.u32 s1, $0xD;
	s1 =	sshrl.u32 s1, $0x2  }
0xba: {  	s3 =	sand.u32 $0x4000, s31;
	s1 =	sadd.s32 s1, s30  }
0xbb: {  	s0 =	sor.u32 s3, s0;
	s1 =	sshll.u32 s1, $0x11  }
0xbc: {  	s0 =	sor.u32 s1, s0  }
0xbd: {  	s0 =	sadd.s32 $0x8F2B, s0  }
0xbe: {  	[sflag:s0] =	ssyncadd.remote.s32 $0x1  }
0xbf: {  	_ =	sfence.sel $0xFFFF  }
0xc0: {  	[dreg:$0x0] =	wrdreg $0xFFFFFFFF;
	(pc) =	sbr.abs _section_cstart, $3  }
0xc1: {  	[dreg:$0x1] =	wrdreg $0xFFFFFFFF  }
0xc2: {  	_ =	task.clear_ibuf [dreg:s6], $0x2FFFF;
	_ =	strace $0x9FFFFFFF  }
0xc3: {  	(tm) =	ssettm $0x7FFFFFFF  }
tec
execute0_lowered:
.L_overlay_start_1:
0x0: {  	(tag) =	ssettag $0x1  }
0x1: {  	s0 =	rddreg [dreg:$0x0]  }
0x2: {  	s1 =	rddreg [dreg:$0x1]  }
0x3: {  	s2 =	rddreg [dreg:$0x2];
	s4 =	simm.s32 $0x0;
	s3 =	srdreg.scid  }
0x4: {  	s15 =	stileid.u32;
	s16 =	simm.s32 $0xA;
	s20 =	simm.s32 $0x100  }
0x5: {  	s28 =	simm.s32 $0x180;
	s29 =	simm.s32 $0x3;
	s30 =	simm.s32 $0x280  }
0x6: {  	s31 =	simm.s32 $0x5;
	[smem:$0x7FF] =	sst s4;
	s5 =	smul.u32 $0x278, s15  }
0x7: {  	s3 =	sand.u32 $0x1, s3;
	s7 =	sadd.s32 $0x2800, s0;
	s10 =	smul.u32 $0x2780, s15  }
0x8: {  	s6 =	sshll.u32 s15, $0x1;
	s9 =	sadd.s32 $0x16400, s0;
	s12 =	smul.u32 $0x9E, s15  }
0x9: {  	s26 =	sshll.u32 s15, $0x6;
	s15 =	simm.s32 $0x300;
	_ =	strace $0x80000047  }
0xa: {  	s8 =	smul.u32 $0x2780, s3;
	[dreg:$0x4] =	wrdreg s9;
	s21 =	sor.u32 s3, s6  }
0xb: {  	s6 =	sadd.s32 $0x16600, s0;
	s11 =	ssub.s32 $0x2, s3;
	s3 =	smul.u32 $0x4F, s3  }
0xc: {  	s17 =	sor.u32 $0x1C0A, s26;
	s26 =	simm.s32 $0x2;
	s22 =	smul.u32 $0x4F00, s21  }
0xd: {  	s23 =	sshrl.u32 s11, $0x1;
	s18 =	sadd.s32 s10, s1;
	s9 =	smul.u32 $0x9E0, s21  }
0xe: {  	s19 =	sadd.s32 s10, s2;
	s21 =	simm.s32 $0x1;
	s5 =	sadd.s32 s5, s8  }
0xf: {  	s3 =	sadd.s32 s3, s12;
	s18 =	sshrl.u32 s18, $0x3;
	s19 =	sshrl.u32 s19, $0x3  }
0x10: {  	s5 =	sshll.u32 s5, $0x1;
	s8 =	sshrl.u32 s22, $0x3;
	s9 =	sadd.s32 s7, s9  }
0x11: {  	s3 =	sshll.u32 s3, $0x5;
	s22 =	simm.s32 $0x80;
	s0 =	sadd.s32 s5, s0  }
0x12: {  	s5 =	ssub.s32 s11, s23;
	[dreg:$0x5] =	wrdreg s9;
	s8 =	sadd.s32 s7, s8  }
0x13: {  	s3 =	sadd.s32 s3, s7;
	s23 =	simm.s32 $0x4;
	s8 =	sadd.s32 $0x20, s8  }
.Ltmp0:
0x14: {  	s24 =	sadd.s32 $0x16C00, s0;
	[dreg:$0x6] =	wrdreg s8;
	(pc) =	sbr.rel .LBB2_1-.Ltmp0, $4  }
0x15: {  	s0 =	sadd.s32 $0x20A00, s0;
	s25 =	smax.u32 s5, $0x1;
	[dreg:$0x7] =	wrdreg s24  }
0x16: {  	s12 =	sadd.s32 $0x80, s3;
	s13 =	sadd.s32 $0x60, s3;
	[dreg:$0x8] =	wrdreg s0  }
0x17: {  	s14 =	sadd.s32 $0x40, s3;
	s3 =	simm.s32 $0x0;
	[dreg:$0x9] =	wrdreg s25  }
0x18: {  	s24 =	simm.s32 $0x7;
	s25 =	simm.s32 $0x200;
	s0 =	simm.s32 $0x8  }
.LBB2_6:
0x19: {  	_ =	swait.ge [sflag:s23], $0x800  }
0x1a: {  	[sflag:s23] =	ssyncset.done $0x0  }
0x1b: {  	[sflag:s23] =	ssyncadd.s32 $0xFFFFF800  }
0x1c: {  	_ =	swait.ge [sflag:s24], $0x800  }
0x1d: {  	[sflag:s24] =	ssyncset.done $0x0  }
0x1e: {  	[sflag:s24] =	ssyncadd.s32 $0xFFFFF800  }
.LBB2_4:
0x1f: {  	[bflag:$0x0] =	sbarrier.arrive $0xFFFF  }
0x20: {  	s5 =	rddreg [dreg:$0x7]  }
0x21: {  	[hbm:s5], [sflag:s17] =	dma.local [spmem:s18], $0x4F0  }
0x22: {  	_ =	swait.ge [sflag:s16], $0x4F0  }
0x23: {  	[sflag:s16] =	ssyncset.done $0x0  }
0x24: {  	s10 =	rddreg [dreg:$0x8];
	[sflag:s16] =	ssyncadd.s32 $0xFFFFFB10  }
0x25: {  	[hbm:s10], [sflag:s17] =	dma.local [spmem:s19], $0x4F0  }
0x26: {  	_ =	swait.ge [sflag:s16], $0x4F0  }
0x27: {  	s3 =	sadd.s32 $0x1, s3;
	s11 =	rddreg [dreg:$0x9]  }
0x28: {  	p0 =	sne.s32 s3, s11  }
.Ltmp1:
0x29: {  	_ = 	snop;
	(pc) =	sbr.rel @!p0 .LBB2_5-.Ltmp1, $3  }
0x2a: {  	_ =	sdelay $0x1  }
0x2b: {  	[sflag:s16] =	ssyncset.done $0x0  }
0x2c: {  	[sflag:s16] =	ssyncadd.s32 $0xFFFFFB10  }
.LBB2_1:
0x2d: {  	s5 =	rddreg [dreg:$0x4]  }
0x2e: {  	[tilespmem:s15], [sflag:$0xA] =	stream.linear.gather [hbm4b:s5+s4], $0x800, $0x38;
	[tilespmem:$0x5A00] =	vst v63  }
0x2f: {  	_ =	swait.ge [sflag:s16], $0x800  }
0x30: {  	[sflag:s16] =	ssyncset.done $0x0  }
0x31: {  	[sflag:s16] =	ssyncadd.s32 $0xFFFFF800  }
0x32: {  	[spmem:s18], [sflag:s17] =	dma.local [hbm:s6], $0x4F0  }
0x33: {  	_ =	swait.ge [sflag:s16], $0x4F0  }
0x34: {  	[sflag:s16] =	ssyncset.done $0x0  }
0x35: {  	[sflag:s16] =	ssyncadd.s32 $0xFFFFFB10  }
0x36: {  	[spmem:s19], [sflag:s17] =	dma.local [hbm:s6], $0x4F0  }
0x37: {  	_ =	swait.ge [sflag:s16], $0x4F0  }
0x38: {  	[sflag:s16] =	ssyncset.done $0x0  }
0x39: {  	[sflag:s16] =	ssyncadd.s32 $0xFFFFFB10  }
0x3a: {  	[bflag:$0x0] =	sbarrier.arrive $0xFFFF  }
0x3b: {  	s7 =	simm.s32 $0x0;
	s10 =	rddreg [dreg:$0x5]  }
0x3c: {  	[tilespmem:s4], [sflag:$0x1] =	stream.linear.gather [hbm4b:s10+s4], $0x100, $0x38;
	[tilespmem:$0x5A00] =	vst v63  }
0x3d: {  	s8 =	simm.s32 $0x0;
	s5 =	simm.s32 $0xFFFFFFFF;
	s11 =	rddreg [dreg:$0x6]  }
0x3e: {  	[tilespmem:s20], [sflag:$0x2] =	stream.linear.gather [hbm4b:s11+s4], $0x100, $0x38;
	[tilespmem:$0x5A00] =	vst v63  }
.LBB2_2:
0x3f: {  	_ =	swait.ge [sflag:s21], $0x100  }
0x40: {  	[sflag:s21] =	ssyncset.done $0x0  }
0x41: {  	p0 =	sgt.u32 s5, $0x4E;
	[sflag:s21] =	ssyncadd.s32 $0xFFFFFF00  }
0x42: {  	[spmem:s1] =	stream.indirect.scatter.add.f32 [tilespmem:s15], [sflag:$0x4], $0x10, s4, s22, $0xb8;
	[tilespmem:$0x5A00] =	vst v63  }
0x43: {  	s9 =	simm.s32 @!p0 $0x6  }
0x44: {  	[spmem:s2] =	stream.indirect.scatter.add.f32 [tilespmem:s15], [sflag:$0x7], $0x10, s22, s22, $0xb8;
	[tilespmem:$0x5A00] =	vst v63  }
0x45: {  	p1 =	seq.s32 s7, $0x9C0;
	_ =	swait.ge @!p0 [sflag:s9], $0x800  }
.Ltmp2:
0x46: {  	[sflag:s9] =	ssyncset.done @!p0 $0x0;
	(pc) =	sbr.rel @p1 .LBB2_6-.Ltmp2, $4  }
0x47: {  	[sflag:s9] =	ssyncadd.s32 @!p0 $0xFFFFF800;
	s9 =	simm.s32 @!p0 $0x9  }
0x48: {  	_ =	swait.ge @!p0 [sflag:s9], $0x800  }
0x49: {  	[sflag:s9] =	ssyncset.done @!p0 $0x0  }
0x4a: {  	[sflag:s9] =	ssyncadd.s32 @!p0 $0xFFFFF800  }
0x4b: {  	s9 =	sadd.s32 s7, s14  }
0x4c: {  	[tilespmem:s25], [sflag:$0x3] =	stream.linear.gather [hbm4b:s9+s4], $0x100, $0x38;
	[tilespmem:$0x5A00] =	vst v63  }
0x4d: {  	_ =	swait.ge [sflag:s26], $0x100  }
0x4e: {  	[sflag:s26] =	ssyncset.done $0x0  }
0x4f: {  	[sflag:s26] =	ssyncadd.s32 $0xFFFFFF00  }
0x50: {  	[spmem:s1] =	stream.indirect.scatter.add.f32 [tilespmem:s15], [sflag:$0x5], $0x10, s20, s22, $0xb8;
	[tilespmem:$0x5A00] =	vst v63  }
0x51: {  	_ = 	snop  }
0x52: {  	[spmem:s2] =	stream.indirect.scatter.add.f32 [tilespmem:s15], [sflag:$0x8], $0x10, s28, s22, $0xb8;
	[tilespmem:$0x5A00] =	vst v63  }
0x53: {  	_ =	swait.ge [sflag:s23], $0x800  }
0x54: {  	[sflag:s23] =	ssyncset.done $0x0  }
0x55: {  	[sflag:s23] =	ssyncadd.s32 $0xFFFFF800  }
0x56: {  	_ =	swait.ge [sflag:s24], $0x800  }
0x57: {  	[sflag:s24] =	ssyncset.done $0x0  }
0x58: {  	s11 =	sadd.s32 s7, s13;
	[sflag:s24] =	ssyncadd.s32 $0xFFFFF800  }
0x59: {  	[tilespmem:s4], [sflag:$0x1] =	stream.linear.gather [hbm4b:s11+s4], $0x100, $0x38;
	[tilespmem:$0x5A00] =	vst v63  }
0x5a: {  	_ =	swait.ge [sflag:s29], $0x100  }
0x5b: {  	[sflag:s29] =	ssyncset.done $0x0  }
0x5c: {  	[sflag:s29] =	ssyncadd.s32 $0xFFFFFF00  }
0x5d: {  	[spmem:s1] =	stream.indirect.scatter.add.f32 [tilespmem:s15], [sflag:$0x6], $0x10, s25, s22, $0xb8;
	[tilespmem:$0x5A00] =	vst v63  }
0x5e: {  	_ = 	snop  }
0x5f: {  	[spmem:s2] =	stream.indirect.scatter.add.f32 [tilespmem:s15], [sflag:$0x9], $0x10, s30, s22, $0xb8;
	[tilespmem:$0x5A00] =	vst v63  }
0x60: {  	_ =	swait.ge [sflag:s31], $0x800  }
0x61: {  	[sflag:s31] =	ssyncset.done $0x0  }
0x62: {  	[sflag:s31] =	ssyncadd.s32 $0xFFFFF800  }
0x63: {  	p0 =	sgt.u32 s8, $0x18;
	_ =	swait.ge [sflag:s0], $0x800  }
0x64: {  	s9 =	sadd.s32 @!p0 s7, s12;
	s10 =	simm.s32 @!p0 $0x0;
	[sflag:s0] =	ssyncset.done $0x0  }
0x65: {  	s7 =	sadd.s32 $0x60, s7;
	s11 =	simm.s32 @!p0 $0x100;
	[sflag:s0] =	ssyncadd.s32 $0xFFFFF800  }
0x66: {  	[tilespmem:s11], [sflag:$0x2] =	stream.linear.gather @!p0 [hbm4b:s9+s10], $0x100, $0x38;
	[tilespmem:$0x5A00] =	vst v63  }
0x67: {  	p0 =	sne.s32 s7, $0xA20  }
.Ltmp3:
0x68: {  	_ = 	snop;
	(pc) =	sbr.rel @p0 .LBB2_2-.Ltmp3, $4  }
.Ltmp4:
0x69: {  	_ = 	snop;
	(pc) =	sbr.rel @!p0 .LBB2_4-.Ltmp4, $4  }
0x6a: {  	_ = 	snop  }
0x6b: {  	_ = 	snop  }
0x6c: {  	s8 =	sadd.s32 $0x1, s8;
	s5 =	sadd.s32 $0x3, s5  }
0x6d: {  	_ = 	snop  }
.LBB2_5:
0x6e: {  	_ =	sfence.sel $0x180000  }
0x6f: {  	[bflag:$0x0] =	sbarrier.arrive $0xFFFF  }
0x70: {  	_ =	strace $0x90000047  }
0x71: {  	s0 =	stileid.u32;
	[bflag:$0x2] =	sbarrier.arrive $0xFFFF  }
0x72: {  	p0 =	sne.s32 s0, $0x0;
	s0 =	rddreg [dreg:$0x3]  }
0x73: {  	s0 =	sadd.s32 @!p0 $0x100000, s0  }
0x74: {  	[sflag:s0] =	ssyncadd.tile.s32 @!p0 $0x1;
	_ =	shalt  }
.Lfunc_end2:
_tile_overlayer_lowered:
.L_overlay_start_2:
0x75: {  	(tag) =	ssettag $0x2  }
0x76: {  	s0 =	rddreg [dreg:$0x0];
	s2 =	stileid.u32  }
0x77: {  	s1 =	rddreg [dreg:$0x1];
	p0 =	sne.s32 s2, $0x0  }
0x78: {  	s3 =	rddreg [dreg:$0x2];
	[bflag:$0x3] =	sbarrier.arrive $0xFFFF;
	s2 =	simm.s32 @!p0 $0x1C0A  }
0x79: {  	[timem:s3], [sflag:s2] =	dma.local @!p0 [hbm:s0], s1  }
0x7a: {  	s0 =	simm.s32 @!p0 $0xA  }
0x7b: {  	_ =	swait.ge @!p0 [sflag:s0], s1  }
0x7c: {  	s1 =	ssub.s32 @!p0 $0x0, s1;
	[sflag:s0] =	ssyncset.done @!p0 $0x0  }
0x7d: {  	[sflag:s0] =	ssyncadd.s32 @!p0 s1  }
0x7e: {  	[bflag:$0x3] =	sbarrier.arrive $0xFFFF  }
0x7f: {  	_ =	shalt  }

</sc_bundles>
